<compile_context>
chip_gen: v7x
topology: tpu7x:2x2x1
jax: 0.10.2.dev20260603
libtpu: 0.0.44.dev20260713+nightly
codegen_flags: <defaults>
</compile_context>

<pallas_src>
import functools

import jax
import jax.numpy as jnp
from jax import lax
from jax.experimental import pallas as pl
from jax.experimental.pallas import tpu as pltpu
from jax.experimental.pallas import tpu_sc as plsc

_NC = 2
_NS = 16
_NW = _NC * _NS
_K = 128
_NT = 632
_NPAD = _NT * _NS
_ZCHUNKS = ((0, 128), (128, 128), (256, 128), (384, 128), (512, 120))


_MAXJ = 79


def _sc_mesh():
    return plsc.VectorSubcoreMesh(
        core_axis_name="c", subcore_axis_name="s",
        num_cores=_NC, num_subcores=_NS)


def _worker_range(wid, nch):
    base = nch // _NW
    ext = nch % _NW
    s = base * wid + jnp.minimum(wid, ext)
    nj = base + jnp.where(wid < ext, 1, 0)
    start = jnp.minimum(s, nch - _MAXJ)
    sh = s - start
    return s, nj, start, sh


def _sc_gather_count(x, src, dst, n, e, d):
    nch = e // _K
    consts = jnp.stack([jnp.zeros((_K, d), jnp.float32),
                        jnp.ones((_K, d), jnp.float32)])

    @functools.partial(
        pl.kernel,
        out_type=(jax.ShapeDtypeStruct((nch, _K, d), jnp.float32),
                  jax.ShapeDtypeStruct((_NC * _NPAD, d), jnp.float32)),
        mesh=_sc_mesh(),
        scratch_types=[
            pltpu.VMEM((_K,), jnp.int32),
            pltpu.VMEM((_K,), jnp.int32),
            pltpu.VMEM((_K,), jnp.int32),
            pltpu.VMEM((_K,), jnp.int32),
            pltpu.VMEM((_K, d), jnp.float32),
            pltpu.VMEM((_K, d), jnp.float32),
            pltpu.VMEM((_K, d), jnp.float32),
            pltpu.VMEM_SHARED((_NPAD, d), jnp.float32),
            pltpu.SemaphoreType.DMA,
            pltpu.SemaphoreType.DMA,
            pltpu.SemaphoreType.DMA,
            pltpu.SemaphoreType.DMA,
            pltpu.SemaphoreType.DMA,
            pltpu.SemaphoreType.DMA,
            pltpu.SemaphoreType.DMA,
            pltpu.SemaphoreType.DMA,
        ],
    )
    def gk(x_hbm, src_hbm, dst_hbm, const_hbm, out_hbm, cnt_hbm,
           idxs0, idxs1, idxd0, idxd1, rows0, rows1, ones_v, cnt_sh,
           sem0, sem1, dsem0, dsem1, isem0, isem1, wsem0, wsem1):
        cid = lax.axis_index("c")
        sid = lax.axis_index("s")
        wid = cid * _NS + sid
        s, nj, start, sh = _worker_range(wid, nch)

        pltpu.sync_copy(const_hbm.at[0], rows0)
        pltpu.sync_copy(const_hbm.at[1], ones_v)

        for zo, zs in _ZCHUNKS:
            pltpu.sync_copy(rows0.at[pl.ds(0, zs)],
                            cnt_sh.at[pl.ds(sid * _NT + zo, zs)])
        plsc.subcore_barrier()

        idxs = (idxs0, idxs1)
        idxd = (idxd0, idxd1)
        rows = (rows0, rows1)
        sems = (sem0, sem1)
        dsems = (dsem0, dsem1)
        isems = (isem0, isem1)
        wsems = (wsem0, wsem1)

        def write_start(j, b):
            pltpu.async_copy(rows[b], out_hbm.at[s + j], wsems[b])

        def write_wait(j, b):
            pltpu.make_async_copy(rows[b], out_hbm.at[s + j], wsems[b]).wait()

        def sidx_start(j, b):
            pltpu.async_copy(src_hbm.at[pl.ds((s + j) * _K, _K)], idxs[b],
                             isems[b])

        def sidx_wait(j, b):
            pltpu.make_async_copy(src_hbm.at[pl.ds((s + j) * _K, _K)],
                                  idxs[b], isems[b]).wait()

        def gather_start(j, b):
            pltpu.async_copy(x_hbm.at[idxs[b]], rows[b], sems[b])

        def gather_wait(j, b):
            pltpu.make_async_copy(x_hbm.at[idxs[b]], rows[b], sems[b]).wait()

        def didx_start(j, b):
            pltpu.async_copy(dst_hbm.at[pl.ds((s + j) * _K, _K)], idxd[b],
                             dsems[b])

        def didx_wait(j, b):
            pltpu.make_async_copy(dst_hbm.at[pl.ds((s + j) * _K, _K)],
                                  idxd[b], dsems[b]).wait()

        @pl.when(nj > 0)
        def _():
            pltpu.sync_copy(src_hbm.at[pl.ds(s * _K, _K)], idxs0)
            gather_start(0, 0)
            didx_start(0, 0)

        @pl.when(nj > 1)
        def _():
            sidx_start(1, 1)

        def pair(g, carry):
            for b in (0, 1):
                j = 2 * g + b

                @pl.when(j < nj)
                def _():
                    @pl.when(j + 1 < nj)
                    def _():
                        sidx_wait(j + 1, 1 - b)

                        @pl.when(j >= 1)
                        def _():
                            write_wait(j - 1, 1 - b)

                        gather_start(j + 1, 1 - b)
                        didx_start(j + 1, 1 - b)

                    gather_wait(j, b)
                    write_start(j, b)
                    didx_wait(j, b)
                    pltpu.sync_copy(ones_v, cnt_sh.at[idxd[b]], add=True)

                    @pl.when(j + 2 < nj)
                    def _():
                        sidx_start(j + 2, b)
            return carry

        lax.fori_loop(0, (nch // _NW + 2) // 2, pair, 0)
        for b in (0, 1):
            pltpu.make_async_copy(rows[b], out_hbm.at[s], wsems[b]).wait()
        plsc.subcore_barrier()

        for zo, zs in _ZCHUNKS:
            off = sid * _NT + zo
            pltpu.sync_copy(cnt_sh.at[pl.ds(off, zs)], rows0.at[pl.ds(0, zs)])
            pltpu.sync_copy(rows0.at[pl.ds(0, zs)],
                            cnt_hbm.at[pl.ds(cid * _NPAD + off, zs)])

    xs, cnt = gk(x, src, dst, consts)
    return xs.reshape(e, d), cnt.reshape(_NC, _NPAD, d)


def _sc_scatter(msg, dst, n, e, d):
    nch = e // _K
    msg3 = msg.reshape(nch, _K, d)
    zeros = jnp.zeros((_K, d), jnp.float32)

    @functools.partial(
        pl.kernel,
        out_type=jax.ShapeDtypeStruct((_NC * _NPAD, d), jnp.float32),
        mesh=_sc_mesh(),
        scratch_types=[
            pltpu.VMEM((_K,), jnp.int32),
            pltpu.VMEM((_K,), jnp.int32),
            pltpu.VMEM((_K, d), jnp.float32),
            pltpu.VMEM((_K, d), jnp.float32),
            pltpu.VMEM_SHARED((_NPAD, d), jnp.float32),
            pltpu.SemaphoreType.DMA,
            pltpu.SemaphoreType.DMA,
            pltpu.SemaphoreType.DMA,
            pltpu.SemaphoreType.DMA,
        ],
    )
    def sk(msg_hbm, dst_hbm, zero_hbm, out_hbm, idxd0, idxd1, buf0, buf1,
           acc_sh, sem0, sem1, dsem0, dsem1):
        cid = lax.axis_index("c")
        sid = lax.axis_index("s")
        wid = cid * _NS + sid
        s, nj, start, sh = _worker_range(wid, nch)

        pltpu.sync_copy(zero_hbm, buf0)

        for zo, zs in _ZCHUNKS:
            pltpu.sync_copy(buf0.at[pl.ds(0, zs)],
                            acc_sh.at[pl.ds(sid * _NT + zo, zs)])
        plsc.subcore_barrier()

        idxd = (idxd0, idxd1)
        bufs = (buf0, buf1)
        sems = (sem0, sem1)
        dsems = (dsem0, dsem1)

        def msg_start(j, b):
            pltpu.async_copy(msg_hbm.at[s + j], bufs[b], sems[b])
            pltpu.async_copy(dst_hbm.at[pl.ds((s + j) * _K, _K)], idxd[b],
                             dsems[b])

        def msg_wait(j, b):
            pltpu.make_async_copy(msg_hbm.at[s + j], bufs[b],
                                  sems[b]).wait()
            pltpu.make_async_copy(dst_hbm.at[pl.ds((s + j) * _K, _K)],
                                  idxd[b], dsems[b]).wait()

        @pl.when(nj > 0)
        def _():
            msg_start(0, 0)

        def pair(g, carry):
            for b in (0, 1):
                j = 2 * g + b

                @pl.when(j < nj)
                def _():
                    @pl.when(j + 1 < nj)
                    def _():
                        msg_start(j + 1, 1 - b)

                    msg_wait(j, b)
                    pltpu.sync_copy(bufs[b], acc_sh.at[idxd[b]], add=True)
            return carry

        lax.fori_loop(0, (nch // _NW + 2) // 2, pair, 0)
        plsc.subcore_barrier()

        for zo, zs in _ZCHUNKS:
            off = sid * _NT + zo
            pltpu.sync_copy(acc_sh.at[pl.ds(off, zs)], buf0.at[pl.ds(0, zs)])
            pltpu.sync_copy(buf0.at[pl.ds(0, zs)],
                            out_hbm.at[pl.ds(cid * _NPAD + off, zs)])

    return sk(msg3, dst, zeros).reshape(_NC, _NPAD, d)


def _edge_mlp(xs, ea, w1a, w1b, b1, w2, b2, e, d, h):
    be = 8000
    grid = e // be

    bf = jnp.bfloat16

    def body(xs_ref, ea_ref, w1a_ref, w1b_ref, b1_ref, w2_ref, b2_ref, o_ref):
        cat = jnp.concatenate(
            [xs_ref[...].astype(bf), ea_ref[...].astype(bf)], axis=1)
        w1 = jnp.concatenate([w1a_ref[...], w1b_ref[...]], axis=0)
        hv = jnp.dot(cat, w1, preferred_element_type=jnp.float32) + b1_ref[...]
        hv = jnp.maximum(hv, 0.0)
        o_ref[...] = (jnp.dot(hv.astype(bf), w2_ref[...],
                              preferred_element_type=jnp.float32)
                      + b2_ref[...])

    return pl.pallas_call(
        body,
        grid=(grid,),
        in_specs=[
            pl.BlockSpec((be, d), lambda i: (i, 0)),
            pl.BlockSpec((be, d), lambda i: (i, 0)),
            pl.BlockSpec((d, h), lambda i: (0, 0)),
            pl.BlockSpec((d, h), lambda i: (0, 0)),
            pl.BlockSpec((1, h), lambda i: (0, 0)),
            pl.BlockSpec((h, d), lambda i: (0, 0)),
            pl.BlockSpec((1, d), lambda i: (0, 0)),
        ],
        out_specs=pl.BlockSpec((be, d), lambda i: (i, 0)),
        out_shape=jax.ShapeDtypeStruct((e, d), jnp.float32),
    )(xs, ea, w1a, w1b, b1, w2, b2)


def _node_mlp(x, p0, p1, c0, c1, u, batch3, w1a, w1b, w1c, b1, w2, b2,
              n, d, nb, gd, h):
    bn = 1000
    grid = n // bn

    def body(x_ref, p0_ref, p1_ref, c0_ref, c1_ref, u_ref, b_ref,
             w1a_ref, w1b_ref, w1c_ref, b1_ref, w2_ref, b2_ref,
             y_ref, s0_ref, s1_ref, s2_ref):
        i = pl.program_id(0)
        xv = x_ref[...]
        p = p0_ref[...] + p1_ref[...]
        cnt = jnp.max(c0_ref[...] + c1_ref[...], axis=1, keepdims=True)
        agg = p / jnp.clip(cnt, 1.0, None)
        bv = b_ref[0, 0, :]
        oh = (bv[:, None] == lax.broadcasted_iota(jnp.int32, (bn, nb), 1)
              ).astype(jnp.float32)
        ub = jnp.dot(oh, u_ref[...], preferred_element_type=jnp.float32)
        hv = (jnp.dot(xv, w1a_ref[...], preferred_element_type=jnp.float32)
              + jnp.dot(agg, w1b_ref[...], preferred_element_type=jnp.float32)
              + jnp.dot(ub, w1c_ref[...], preferred_element_type=jnp.float32)
              + b1_ref[...])
        hv = jnp.maximum(hv, 0.0)
        y = (jnp.dot(hv, w2_ref[...], preferred_element_type=jnp.float32)
             + b2_ref[...] + xv)
        y_ref[...] = y

        dg = lambda a, b: lax.dot_general(
            a, b, (((0,), (0,)), ((), ())), preferred_element_type=jnp.float32)

        @pl.when(i == 0)
        def _():
            s0_ref[...] = jnp.zeros_like(s0_ref)
            s1_ref[...] = jnp.zeros_like(s1_ref)
            s2_ref[...] = jnp.zeros_like(s2_ref)

        s0_ref[...] += dg(oh, jnp.ones_like(y))
        s1_ref[...] += dg(oh, y)
        s2_ref[...] += dg(oh, y * y)

    return pl.pallas_call(
        body,
        grid=(grid,),
        in_specs=[
            pl.BlockSpec((bn, d), lambda i: (i, 0)),
            pl.BlockSpec((bn, d), lambda i: (i, 0)),
            pl.BlockSpec((bn, d), lambda i: (i, 0)),
            pl.BlockSpec((bn, d), lambda i: (i, 0)),
            pl.BlockSpec((bn, d), lambda i: (i, 0)),
            pl.BlockSpec((nb, gd), lambda i: (0, 0)),
            pl.BlockSpec((1, 1, bn), lambda i: (i, 0, 0)),
            pl.BlockSpec((d, h), lambda i: (0, 0)),
            pl.BlockSpec((d, h), lambda i: (0, 0)),
            pl.BlockSpec((gd, h), lambda i: (0, 0)),
            pl.BlockSpec((1, h), lambda i: (0, 0)),
            pl.BlockSpec((h, d), lambda i: (0, 0)),
            pl.BlockSpec((1, d), lambda i: (0, 0)),
        ],
        out_specs=[
            pl.BlockSpec((bn, d), lambda i: (i, 0)),
            pl.BlockSpec((nb, d), lambda i: (0, 0)),
            pl.BlockSpec((nb, d), lambda i: (0, 0)),
            pl.BlockSpec((nb, d), lambda i: (0, 0)),
        ],
        out_shape=[
            jax.ShapeDtypeStruct((n, d), jnp.float32),
            jax.ShapeDtypeStruct((nb, d), jnp.float32),
            jax.ShapeDtypeStruct((nb, d), jnp.float32),
            jax.ShapeDtypeStruct((nb, d), jnp.float32),
        ],
    )(x, p0, p1, c0, c1, u, batch3, w1a, w1b, w1c, b1, w2, b2)


def _graphnorm(y, batch3, s0, s1, s2, alpha, gamma, beta, n, d, nb):
    bn = 1000
    grid = n // bn

    def body(y_ref, b_ref, s0_ref, s1_ref, s2_ref, al_ref, ga_ref, be_ref,
             o_ref):
        gcnt = jnp.clip(s0_ref[...], 1.0, None)
        mean = s1_ref[...] / gcnt
        am = al_ref[...] * mean
        var = s2_ref[...] / gcnt - am * (2.0 * mean - am)
        scale = ga_ref[...] / jnp.sqrt(var + 1e-5)
        shift = be_ref[...] - scale * am
        bv = b_ref[0, 0, :]
        oh = (bv[:, None] == lax.broadcasted_iota(jnp.int32, (bn, nb), 1)
              ).astype(jnp.float32)
        o_ref[...] = (jnp.dot(oh, scale, preferred_element_type=jnp.float32)
                      * y_ref[...]
                      + jnp.dot(oh, shift, preferred_element_type=jnp.float32))

    return pl.pallas_call(
        body,
        grid=(grid,),
        in_specs=[
            pl.BlockSpec((bn, d), lambda i: (i, 0)),
            pl.BlockSpec((1, 1, bn), lambda i: (i, 0, 0)),
            pl.BlockSpec((nb, d), lambda i: (0, 0)),
            pl.BlockSpec((nb, d), lambda i: (0, 0)),
            pl.BlockSpec((nb, d), lambda i: (0, 0)),
            pl.BlockSpec((1, d), lambda i: (0, 0)),
            pl.BlockSpec((1, d), lambda i: (0, 0)),
            pl.BlockSpec((1, d), lambda i: (0, 0)),
        ],
        out_specs=pl.BlockSpec((bn, d), lambda i: (i, 0)),
        out_shape=jax.ShapeDtypeStruct((n, d), jnp.float32),
    )(y, batch3, s0, s1, s2, alpha, gamma, beta)


def kernel(x, edge_index, edge_attr, u, batch, agg_w1, agg_b1, agg_w2, agg_b2,
           upd_w1, upd_b1, upd_w2, upd_b2, gn_alpha, gn_gamma, gn_beta):
    n, d = x.shape
    e = edge_index.shape[1]
    nb, gd = u.shape
    h = agg_w1.shape[1]
    hu = upd_w1.shape[1]

    src = edge_index[0]
    dst = edge_index[1]

    xs, cnts = _sc_gather_count(x, src, dst, n, e, d)

    bf = jnp.bfloat16
    msg = _edge_mlp(xs, edge_attr, agg_w1[:d].astype(bf), agg_w1[d:].astype(bf),
                    agg_b1.reshape(1, h), agg_w2.astype(bf),
                    agg_b2.reshape(1, d), e, d, h)

    parts = _sc_scatter(msg, dst, n, e, d)

    batch3 = batch.reshape(n // 1000, 1, 1000)
    y, s0, s1, s2 = _node_mlp(
        x, parts[0], parts[1], cnts[0], cnts[1], u, batch3,
        upd_w1[:d], upd_w1[d:2 * d], upd_w1[2 * d:],
        upd_b1.reshape(1, hu), upd_w2, upd_b2.reshape(1, d),
        n, d, nb, gd, hu)

    return _graphnorm(y, batch3, s0, s1, s2,
                      gn_alpha.reshape(1, d), gn_gamma.reshape(1, d),
                      gn_beta.reshape(1, d), n, d, nb)

# --- scband reference (transcript-rebuilt; emitter-appended) ---
"""Pipeline reference for scband-node-update-layer-54305566490878 (READ-ONLY COPY).

The authoritative reference and input builder live on the scoring server;
editing this copy changes nothing except your own understanding.
"""

import jax, jax.numpy as jnp
import numpy as np

N = 10000
E = 320000
NODE_DIM = 128
EDGE_DIM = 128
GLOBAL_DIM = 64
B = 16


def _lin(k, fin, fout):
    bound = 1.0 / np.sqrt(fin)
    kw, kb = jax.random.split(k)
    w = jax.random.uniform(kw, (fin, fout), jnp.float32, -bound, bound)
    b = jax.random.uniform(kb, (fout,), jnp.float32, -bound, bound)
    return w, b


def setup_inputs(seed: int = 0) -> dict:
    key = jax.random.key(seed)
    ks = jax.random.split(key, 12)
    x = jax.random.normal(ks[0], (N, NODE_DIM), dtype=jnp.float32)
    edge_index = jax.random.randint(ks[1], (2, E), 0, N, dtype=jnp.int32)
    edge_attr = jax.random.normal(ks[2], (E, EDGE_DIM), dtype=jnp.float32)
    u = jax.random.normal(ks[3], (B, GLOBAL_DIM), dtype=jnp.float32)
    batch = jnp.sort(jax.random.randint(ks[4], (N,), 0, B, dtype=jnp.int32))
    agg_w1, agg_b1 = _lin(ks[5], NODE_DIM + EDGE_DIM, 4 * EDGE_DIM)
    agg_w2, agg_b2 = _lin(ks[6], 4 * EDGE_DIM, NODE_DIM)
    upd_w1, upd_b1 = _lin(ks[7], NODE_DIM + EDGE_DIM + GLOBAL_DIM, 4 * NODE_DIM)
    upd_w2, upd_b2 = _lin(ks[8], 4 * NODE_DIM, NODE_DIM)
    gn_alpha = jnp.ones((NODE_DIM,), jnp.float32)
    gn_gamma = jnp.ones((NODE_DIM,), jnp.float32)
    gn_beta = jnp.zeros((NODE_DIM,), jnp.float32)
    return {"x": x, "edge_index": edge_index, "edge_attr": edge_attr, "u": u, "batch": batch,
            "agg_w1": agg_w1, "agg_b1": agg_b1, "agg_w2": agg_w2, "agg_b2": agg_b2,
            "upd_w1": upd_w1, "upd_b1": upd_b1, "upd_w2": upd_w2, "upd_b2": upd_b2,
            "gn_alpha": gn_alpha, "gn_gamma": gn_gamma, "gn_beta": gn_beta}


def reference(x, edge_index, edge_attr, u, batch, agg_w1, agg_b1, agg_w2, agg_b2,
              upd_w1, upd_b1, upd_w2, upd_b2, gn_alpha, gn_gamma, gn_beta):
    n = x.shape[0]
    nb = u.shape[0]
    src = edge_index[0]
    dst = edge_index[1]
    # message aggregation: gather src node features, concat with edge attrs, MLP
    agg = jnp.concatenate([x[src], edge_attr], axis=1)
    agg = jax.nn.relu(agg @ agg_w1 + agg_b1) @ agg_w2 + agg_b2
    # scatter-mean over dst nodes
    summed = jax.ops.segment_sum(agg, dst, num_segments=n)
    cnt = jax.ops.segment_sum(jnp.ones((agg.shape[0],), jnp.float32), dst, num_segments=n)
    agg = summed / jnp.clip(cnt, 1.0, None)[:, None]
    # node update: concat node feats, aggregated messages, broadcast global context
    out = jnp.concatenate([x, agg, u[batch]], axis=1)
    out = jax.nn.relu(out @ upd_w1 + upd_b1) @ upd_w2 + upd_b2
    # dropout is identity in eval mode
    y = out + x
    # GraphNorm (per-graph normalization with learnable mean scale alpha)
    gcnt = jnp.clip(jax.ops.segment_sum(jnp.ones((n,), jnp.float32), batch, num_segments=nb), 1.0, None)
    gmean = jax.ops.segment_sum(y, batch, num_segments=nb) / gcnt[:, None]
    yc = y - gn_alpha * gmean[batch]
    gvar = jax.ops.segment_sum(yc * yc, batch, num_segments=nb) / gcnt[:, None]
    return gn_gamma * yc / jnp.sqrt(gvar[batch] + 1e-5) + gn_beta

if __name__ == "__main__":
    import jax
    _d = setup_inputs()
    print(jax.jit(kernel)(*tuple(_d.values())))

</pallas_src>

<mosaic_0001>
#map = affine_map<(d0, d1) -> (0, 0)>
#map1 = affine_map<(d0, d1) -> (0)>
#map2 = affine_map<(d0, d1) -> (0, 0, 0)>
module attributes {stable_mosaic.version = 14 : i64} {
  func.func @gk(%arg0: i32, %arg1: i32, %arg2: memref<10000x128xf32, #tpu.memory_space<hbm>>, %arg3: memref<320000xi32, #tpu.memory_space<hbm>>, %arg4: memref<320000xi32, #tpu.memory_space<hbm>>, %arg5: memref<2x128x128xf32, #tpu.memory_space<hbm>>, %arg6: memref<2500x128x128xf32, #tpu.memory_space<hbm>>, %arg7: memref<20224x128xf32, #tpu.memory_space<hbm>>, %arg8: memref<128xi32, #tpu.memory_space<vmem>>, %arg9: memref<128xi32, #tpu.memory_space<vmem>>, %arg10: memref<128xi32, #tpu.memory_space<vmem>>, %arg11: memref<128xi32, #tpu.memory_space<vmem>>, %arg12: memref<128x128xf32, #tpu.memory_space<vmem>>, %arg13: memref<128x128xf32, #tpu.memory_space<vmem>>, %arg14: memref<128x128xf32, #tpu.memory_space<vmem>>, %arg15: memref<10112x128xf32, #tpu.memory_space<vmem_shared>>, %arg16: memref<!tpu.dma_semaphore, #tpu.memory_space<semaphore_mem>>, %arg17: memref<!tpu.dma_semaphore, #tpu.memory_space<semaphore_mem>>, %arg18: memref<!tpu.dma_semaphore, #tpu.memory_space<semaphore_mem>>, %arg19: memref<!tpu.dma_semaphore, #tpu.memory_space<semaphore_mem>>, %arg20: memref<!tpu.dma_semaphore, #tpu.memory_space<semaphore_mem>>, %arg21: memref<!tpu.dma_semaphore, #tpu.memory_space<semaphore_mem>>, %arg22: memref<!tpu.dma_semaphore, #tpu.memory_space<semaphore_mem>>, %arg23: memref<!tpu.dma_semaphore, #tpu.memory_space<semaphore_mem>>) attributes {dimension_semantics = [#tpu.dimension_semantics<core_parallel>, #tpu.dimension_semantics<subcore_parallel>], iteration_bounds = array<i64: 2, 16>, scalar_prefetch = 0 : i64, scratch_operands = 16 : i64, tpu.core_type = #tpu.core_type<sc_vector_subcore>, window_params = [{transform_indices = #map}, {transform_indices = #map1}, {transform_indices = #map1}, {transform_indices = #map2}, {transform_indices = #map2}, {transform_indices = #map}]} {
    %mul3A = arith.constant 16 : i32
    %mul3A_0 = arith.muli %arg0, %mul3A : i32
    %add3A = arith.addi %mul3A_0, %arg1 : i32
    %mul3A_1 = arith.constant 78 : i32
    %mul3A_2 = arith.muli %mul3A_1, %add3A : i32
    %min3A = arith.constant 4 : i32
    %min3A_3 = arith.minsi %add3A, %min3A : i32
    %add3A_4 = arith.addi %mul3A_2, %min3A_3 : i32
    %lt3A = arith.constant 4 : i32
    %lt3A_5 = arith.cmpi slt, %add3A, %lt3A : i32
    %jit3A = arith.constant 1 : i32
    %jit3A_6 = arith.constant 0 : i32
    %select_n3A = arith.select %lt3A_5, %jit3A, %jit3A_6 : i32
    %add3A_7 = arith.constant 78 : i32
    %add3A_8 = arith.addi %add3A_7, %select_n3A : i32
    %min3A_9 = arith.constant 2421 : i32
    %min3A_10 = arith.minsi %add3A_4, %min3A_9 : i32
    %sub3A = arith.subi %add3A_4, %min3A_10 : i32
    %run_scoped3A = arith.constant 0 : i32
    "tpu.region"() ({
      %run_scoped3A_95 = tpu.sem_alloc : memref<!tpu.dma_semaphore, #tpu.memory_space<semaphore_mem>>
      %dma_start3A = arith.constant 0 : i32
      %dma_start3A_96 = arith.constant 0 : i32
      %dma_start3A_97 = tpu.memref_slice %arg5[%run_scoped3A, %dma_start3A, %dma_start3A_96] : memref<2x128x128xf32, #tpu.memory_space<hbm>> -> memref<1x128x128xf32, #tpu.memory_space<hbm>>
      %dma_start3A_98 = tpu.memref_squeeze %dma_start3A_97 : memref<1x128x128xf32, #tpu.memory_space<hbm>> -> memref<128x128xf32, #tpu.memory_space<hbm>>
      %dma_start3A_99 = arith.constant 0 : i32
      %dma_start3A_100 = arith.constant 0 : i32
      %dma_start3A_101 = tpu.memref_slice %arg5[%run_scoped3A, %dma_start3A_99, %dma_start3A_100] : memref<2x128x128xf32, #tpu.memory_space<hbm>> -> memref<1x128x128xf32, #tpu.memory_space<hbm>>
      %dma_start3A_102 = tpu.memref_squeeze %dma_start3A_101 : memref<1x128x128xf32, #tpu.memory_space<hbm>> -> memref<128x128xf32, #tpu.memory_space<hbm>>
      tpu.enqueue_dma source(%dma_start3A_102 : memref<128x128xf32, #tpu.memory_space<hbm>>) target(%arg12 : memref<128x128xf32, #tpu.memory_space<vmem>>) target_semaphore(%run_scoped3A_95 : memref<!tpu.dma_semaphore, #tpu.memory_space<semaphore_mem>>)
      %dma_wait3A_103 = arith.constant 0 : i32
      %dma_wait3A_104 = arith.constant 0 : i32
      %dma_wait3A_105 = tpu.memref_slice %arg5[%run_scoped3A, %dma_wait3A_103, %dma_wait3A_104] : memref<2x128x128xf32, #tpu.memory_space<hbm>> -> memref<1x128x128xf32, #tpu.memory_space<hbm>>
      %dma_wait3A_106 = tpu.memref_squeeze %dma_wait3A_105 : memref<1x128x128xf32, #tpu.memory_space<hbm>> -> memref<128x128xf32, #tpu.memory_space<hbm>>
      %dma_wait3A_107 = arith.constant 0 : i32
      %dma_wait3A_108 = arith.constant 0 : i32
      %dma_wait3A_109 = tpu.memref_slice %arg5[%run_scoped3A, %dma_wait3A_107, %dma_wait3A_108] : memref<2x128x128xf32, #tpu.memory_space<hbm>> -> memref<1x128x128xf32, #tpu.memory_space<hbm>>
      %dma_wait3A_110 = tpu.memref_squeeze %dma_wait3A_109 : memref<1x128x128xf32, #tpu.memory_space<hbm>> -> memref<128x128xf32, #tpu.memory_space<hbm>>
      tpu.wait_dma2 semaphore(%run_scoped3A_95 : memref<!tpu.dma_semaphore, #tpu.memory_space<semaphore_mem>>) src(%dma_wait3A_110 : memref<128x128xf32, #tpu.memory_space<hbm>>) dst(%arg12 : memref<128x128xf32, #tpu.memory_space<vmem>>)
      tpu.yield
    }) : () -> ()
    %run_scoped3A_11 = arith.constant 1 : i32
    "tpu.region"() ({
      %run_scoped3A_95 = tpu.sem_alloc : memref<!tpu.dma_semaphore, #tpu.memory_space<semaphore_mem>>
      %dma_start3A = arith.constant 0 : i32
      %dma_start3A_96 = arith.constant 0 : i32
      %dma_start3A_97 = tpu.memref_slice %arg5[%run_scoped3A_11, %dma_start3A, %dma_start3A_96] : memref<2x128x128xf32, #tpu.memory_space<hbm>> -> memref<1x128x128xf32, #tpu.memory_space<hbm>>
      %dma_start3A_98 = tpu.memref_squeeze %dma_start3A_97 : memref<1x128x128xf32, #tpu.memory_space<hbm>> -> memref<128x128xf32, #tpu.memory_space<hbm>>
      %dma_start3A_99 = arith.constant 0 : i32
      %dma_start3A_100 = arith.constant 0 : i32
      %dma_start3A_101 = tpu.memref_slice %arg5[%run_scoped3A_11, %dma_start3A_99, %dma_start3A_100] : memref<2x128x128xf32, #tpu.memory_space<hbm>> -> memref<1x128x128xf32, #tpu.memory_space<hbm>>
      %dma_start3A_102 = tpu.memref_squeeze %dma_start3A_101 : memref<1x128x128xf32, #tpu.memory_space<hbm>> -> memref<128x128xf32, #tpu.memory_space<hbm>>
      tpu.enqueue_dma source(%dma_start3A_102 : memref<128x128xf32, #tpu.memory_space<hbm>>) target(%arg14 : memref<128x128xf32, #tpu.memory_space<vmem>>) target_semaphore(%run_scoped3A_95 : memref<!tpu.dma_semaphore, #tpu.memory_space<semaphore_mem>>)
      %dma_wait3A_103 = arith.constant 0 : i32
      %dma_wait3A_104 = arith.constant 0 : i32
      %dma_wait3A_105 = tpu.memref_slice %arg5[%run_scoped3A_11, %dma_wait3A_103, %dma_wait3A_104] : memref<2x128x128xf32, #tpu.memory_space<hbm>> -> memref<1x128x128xf32, #tpu.memory_space<hbm>>
      %dma_wait3A_106 = tpu.memref_squeeze %dma_wait3A_105 : memref<1x128x128xf32, #tpu.memory_space<hbm>> -> memref<128x128xf32, #tpu.memory_space<hbm>>
      %dma_wait3A_107 = arith.constant 0 : i32
      %dma_wait3A_108 = arith.constant 0 : i32
      %dma_wait3A_109 = tpu.memref_slice %arg5[%run_scoped3A_11, %dma_wait3A_107, %dma_wait3A_108] : memref<2x128x128xf32, #tpu.memory_space<hbm>> -> memref<1x128x128xf32, #tpu.memory_space<hbm>>
      %dma_wait3A_110 = tpu.memref_squeeze %dma_wait3A_109 : memref<1x128x128xf32, #tpu.memory_space<hbm>> -> memref<128x128xf32, #tpu.memory_space<hbm>>
      tpu.wait_dma2 semaphore(%run_scoped3A_95 : memref<!tpu.dma_semaphore, #tpu.memory_space<semaphore_mem>>) src(%dma_wait3A_110 : memref<128x128xf32, #tpu.memory_space<hbm>>) dst(%arg14 : memref<128x128xf32, #tpu.memory_space<vmem>>)
      tpu.yield
    }) : () -> ()
    %mul3A_12 = arith.constant 632 : i32
    %mul3A_13 = arith.muli %arg1, %mul3A_12 : i32
    %add3A_14 = arith.constant 0 : i32
    %add3A_15 = arith.addi %mul3A_13, %add3A_14 : i32
    "tpu.region"() ({
      %run_scoped3A_95 = tpu.sem_alloc : memref<!tpu.dma_semaphore, #tpu.memory_space<semaphore_mem>>
      %dma_start3A = arith.constant 0 : i32
      %dma_start3A_96 = arith.constant 0 : i32
      %dma_start3A_97 = tpu.memref_slice %arg12[%dma_start3A, %dma_start3A_96] : memref<128x128xf32, #tpu.memory_space<vmem>> -> memref<128x128xf32, #tpu.memory_space<vmem>>
      %dma_start3A_98 = arith.constant 0 : i32
      %dma_start3A_99 = tpu.memref_slice %arg15[%add3A_15, %dma_start3A_98] : memref<10112x128xf32, #tpu.memory_space<vmem_shared>> -> memref<128x128xf32, #tpu.memory_space<vmem_shared>>
      %dma_start3A_100 = arith.constant 0 : i32
      %dma_start3A_101 = tpu.memref_slice %arg15[%add3A_15, %dma_start3A_100] : memref<10112x128xf32, #tpu.memory_space<vmem_shared>> -> memref<128x128xf32, #tpu.memory_space<vmem_shared>>
      %dma_start3A_102 = arith.constant 0 : i32
      %dma_start3A_103 = arith.constant 0 : i32
      %dma_start3A_104 = tpu.memref_slice %arg12[%dma_start3A_102, %dma_start3A_103] : memref<128x128xf32, #tpu.memory_space<vmem>> -> memref<128x128xf32, #tpu.memory_space<vmem>>
      tpu.enqueue_dma source(%dma_start3A_104 : memref<128x128xf32, #tpu.memory_space<vmem>>) target(%dma_start3A_101 : memref<128x128xf32, #tpu.memory_space<vmem_shared>>) target_semaphore(%run_scoped3A_95 : memref<!tpu.dma_semaphore, #tpu.memory_space<semaphore_mem>>)
      %dma_wait3A_105 = arith.constant 0 : i32
      %dma_wait3A_106 = arith.constant 0 : i32
      %dma_wait3A_107 = tpu.memref_slice %arg12[%dma_wait3A_105, %dma_wait3A_106] : memref<128x128xf32, #tpu.memory_space<vmem>> -> memref<128x128xf32, #tpu.memory_space<vmem>>
      %dma_wait3A_108 = arith.constant 0 : i32
      %dma_wait3A_109 = tpu.memref_slice %arg15[%add3A_15, %dma_wait3A_108] : memref<10112x128xf32, #tpu.memory_space<vmem_shared>> -> memref<128x128xf32, #tpu.memory_space<vmem_shared>>
      %dma_wait3A_110 = arith.constant 0 : i32
      %dma_wait3A_111 = tpu.memref_slice %arg15[%add3A_15, %dma_wait3A_110] : memref<10112x128xf32, #tpu.memory_space<vmem_shared>> -> memref<128x128xf32, #tpu.memory_space<vmem_shared>>
      %dma_wait3A_112 = arith.constant 0 : i32
      %dma_wait3A_113 = arith.constant 0 : i32
      %dma_wait3A_114 = tpu.memref_slice %arg12[%dma_wait3A_112, %dma_wait3A_113] : memref<128x128xf32, #tpu.memory_space<vmem>> -> memref<128x128xf32, #tpu.memory_space<vmem>>
      tpu.wait_dma2 semaphore(%run_scoped3A_95 : memref<!tpu.dma_semaphore, #tpu.memory_space<semaphore_mem>>) src(%dma_wait3A_114 : memref<128x128xf32, #tpu.memory_space<vmem>>) dst(%dma_wait3A_111 : memref<128x128xf32, #tpu.memory_space<vmem_shared>>)
      tpu.yield
    }) : () -> ()
    %mul3A_16 = arith.constant 632 : i32
    %mul3A_17 = arith.muli %arg1, %mul3A_16 : i32
    %add3A_18 = arith.constant 128 : i32
    %add3A_19 = arith.addi %mul3A_17, %add3A_18 : i32
    "tpu.region"() ({
      %run_scoped3A_95 = tpu.sem_alloc : memref<!tpu.dma_semaphore, #tpu.memory_space<semaphore_mem>>
      %dma_start3A = arith.constant 0 : i32
      %dma_start3A_96 = arith.constant 0 : i32
      %dma_start3A_97 = tpu.memref_slice %arg12[%dma_start3A, %dma_start3A_96] : memref<128x128xf32, #tpu.memory_space<vmem>> -> memref<128x128xf32, #tpu.memory_space<vmem>>
      %dma_start3A_98 = arith.constant 0 : i32
      %dma_start3A_99 = tpu.memref_slice %arg15[%add3A_19, %dma_start3A_98] : memref<10112x128xf32, #tpu.memory_space<vmem_shared>> -> memref<128x128xf32, #tpu.memory_space<vmem_shared>>
      %dma_start3A_100 = arith.constant 0 : i32
      %dma_start3A_101 = tpu.memref_slice %arg15[%add3A_19, %dma_start3A_100] : memref<10112x128xf32, #tpu.memory_space<vmem_shared>> -> memref<128x128xf32, #tpu.memory_space<vmem_shared>>
      %dma_start3A_102 = arith.constant 0 : i32
      %dma_start3A_103 = arith.constant 0 : i32
      %dma_start3A_104 = tpu.memref_slice %arg12[%dma_start3A_102, %dma_start3A_103] : memref<128x128xf32, #tpu.memory_space<vmem>> -> memref<128x128xf32, #tpu.memory_space<vmem>>
      tpu.enqueue_dma source(%dma_start3A_104 : memref<128x128xf32, #tpu.memory_space<vmem>>) target(%dma_start3A_101 : memref<128x128xf32, #tpu.memory_space<vmem_shared>>) target_semaphore(%run_scoped3A_95 : memref<!tpu.dma_semaphore, #tpu.memory_space<semaphore_mem>>)
      %dma_wait3A_105 = arith.constant 0 : i32
      %dma_wait3A_106 = arith.constant 0 : i32
      %dma_wait3A_107 = tpu.memref_slice %arg12[%dma_wait3A_105, %dma_wait3A_106] : memref<128x128xf32, #tpu.memory_space<vmem>> -> memref<128x128xf32, #tpu.memory_space<vmem>>
      %dma_wait3A_108 = arith.constant 0 : i32
      %dma_wait3A_109 = tpu.memref_slice %arg15[%add3A_19, %dma_wait3A_108] : memref<10112x128xf32, #tpu.memory_space<vmem_shared>> -> memref<128x128xf32, #tpu.memory_space<vmem_shared>>
      %dma_wait3A_110 = arith.constant 0 : i32
      %dma_wait3A_111 = tpu.memref_slice %arg15[%add3A_19, %dma_wait3A_110] : memref<10112x128xf32, #tpu.memory_space<vmem_shared>> -> memref<128x128xf32, #tpu.memory_space<vmem_shared>>
      %dma_wait3A_112 = arith.constant 0 : i32
      %dma_wait3A_113 = arith.constant 0 : i32
      %dma_wait3A_114 = tpu.memref_slice %arg12[%dma_wait3A_112, %dma_wait3A_113] : memref<128x128xf32, #tpu.memory_space<vmem>> -> memref<128x128xf32, #tpu.memory_space<vmem>>
      tpu.wait_dma2 semaphore(%run_scoped3A_95 : memref<!tpu.dma_semaphore, #tpu.memory_space<semaphore_mem>>) src(%dma_wait3A_114 : memref<128x128xf32, #tpu.memory_space<vmem>>) dst(%dma_wait3A_111 : memref<128x128xf32, #tpu.memory_space<vmem_shared>>)
      tpu.yield
    }) : () -> ()
    %mul3A_20 = arith.constant 632 : i32
    %mul3A_21 = arith.muli %arg1, %mul3A_20 : i32
    %add3A_22 = arith.constant 256 : i32
    %add3A_23 = arith.addi %mul3A_21, %add3A_22 : i32
    "tpu.region"() ({
      %run_scoped3A_95 = tpu.sem_alloc : memref<!tpu.dma_semaphore, #tpu.memory_space<semaphore_mem>>
      %dma_start3A = arith.constant 0 : i32
      %dma_start3A_96 = arith.constant 0 : i32
      %dma_start3A_97 = tpu.memref_slice %arg12[%dma_start3A, %dma_start3A_96] : memref<128x128xf32, #tpu.memory_space<vmem>> -> memref<128x128xf32, #tpu.memory_space<vmem>>
      %dma_start3A_98 = arith.constant 0 : i32
      %dma_start3A_99 = tpu.memref_slice %arg15[%add3A_23, %dma_start3A_98] : memref<10112x128xf32, #tpu.memory_space<vmem_shared>> -> memref<128x128xf32, #tpu.memory_space<vmem_shared>>
      %dma_start3A_100 = arith.constant 0 : i32
      %dma_start3A_101 = tpu.memref_slice %arg15[%add3A_23, %dma_start3A_100] : memref<10112x128xf32, #tpu.memory_space<vmem_shared>> -> memref<128x128xf32, #tpu.memory_space<vmem_shared>>
      %dma_start3A_102 = arith.constant 0 : i32
      %dma_start3A_103 = arith.constant 0 : i32
      %dma_start3A_104 = tpu.memref_slice %arg12[%dma_start3A_102, %dma_start3A_103] : memref<128x128xf32, #tpu.memory_space<vmem>> -> memref<128x128xf32, #tpu.memory_space<vmem>>
      tpu.enqueue_dma source(%dma_start3A_104 : memref<128x128xf32, #tpu.memory_space<vmem>>) target(%dma_start3A_101 : memref<128x128xf32, #tpu.memory_space<vmem_shared>>) target_semaphore(%run_scoped3A_95 : memref<!tpu.dma_semaphore, #tpu.memory_space<semaphore_mem>>)
      %dma_wait3A_105 = arith.constant 0 : i32
      %dma_wait3A_106 = arith.constant 0 : i32
      %dma_wait3A_107 = tpu.memref_slice %arg12[%dma_wait3A_105, %dma_wait3A_106] : memref<128x128xf32, #tpu.memory_space<vmem>> -> memref<128x128xf32, #tpu.memory_space<vmem>>
      %dma_wait3A_108 = arith.constant 0 : i32
      %dma_wait3A_109 = tpu.memref_slice %arg15[%add3A_23, %dma_wait3A_108] : memref<10112x128xf32, #tpu.memory_space<vmem_shared>> -> memref<128x128xf32, #tpu.memory_space<vmem_shared>>
      %dma_wait3A_110 = arith.constant 0 : i32
      %dma_wait3A_111 = tpu.memref_slice %arg15[%add3A_23, %dma_wait3A_110] : memref<10112x128xf32, #tpu.memory_space<vmem_shared>> -> memref<128x128xf32, #tpu.memory_space<vmem_shared>>
      %dma_wait3A_112 = arith.constant 0 : i32
      %dma_wait3A_113 = arith.constant 0 : i32
      %dma_wait3A_114 = tpu.memref_slice %arg12[%dma_wait3A_112, %dma_wait3A_113] : memref<128x128xf32, #tpu.memory_space<vmem>> -> memref<128x128xf32, #tpu.memory_space<vmem>>
      tpu.wait_dma2 semaphore(%run_scoped3A_95 : memref<!tpu.dma_semaphore, #tpu.memory_space<semaphore_mem>>) src(%dma_wait3A_114 : memref<128x128xf32, #tpu.memory_space<vmem>>) dst(%dma_wait3A_111 : memref<128x128xf32, #tpu.memory_space<vmem_shared>>)
      tpu.yield
    }) : () -> ()
    %mul3A_24 = arith.constant 632 : i32
    %mul3A_25 = arith.muli %arg1, %mul3A_24 : i32
    %add3A_26 = arith.constant 384 : i32
    %add3A_27 = arith.addi %mul3A_25, %add3A_26 : i32
    "tpu.region"() ({
      %run_scoped3A_95 = tpu.sem_alloc : memref<!tpu.dma_semaphore, #tpu.memory_space<semaphore_mem>>
      %dma_start3A = arith.constant 0 : i32
      %dma_start3A_96 = arith.constant 0 : i32
      %dma_start3A_97 = tpu.memref_slice %arg12[%dma_start3A, %dma_start3A_96] : memref<128x128xf32, #tpu.memory_space<vmem>> -> memref<128x128xf32, #tpu.memory_space<vmem>>
      %dma_start3A_98 = arith.constant 0 : i32
      %dma_start3A_99 = tpu.memref_slice %arg15[%add3A_27, %dma_start3A_98] : memref<10112x128xf32, #tpu.memory_space<vmem_shared>> -> memref<128x128xf32, #tpu.memory_space<vmem_shared>>
      %dma_start3A_100 = arith.constant 0 : i32
      %dma_start3A_101 = tpu.memref_slice %arg15[%add3A_27, %dma_start3A_100] : memref<10112x128xf32, #tpu.memory_space<vmem_shared>> -> memref<128x128xf32, #tpu.memory_space<vmem_shared>>
      %dma_start3A_102 = arith.constant 0 : i32
      %dma_start3A_103 = arith.constant 0 : i32
      %dma_start3A_104 = tpu.memref_slice %arg12[%dma_start3A_102, %dma_start3A_103] : memref<128x128xf32, #tpu.memory_space<vmem>> -> memref<128x128xf32, #tpu.memory_space<vmem>>
      tpu.enqueue_dma source(%dma_start3A_104 : memref<128x128xf32, #tpu.memory_space<vmem>>) target(%dma_start3A_101 : memref<128x128xf32, #tpu.memory_space<vmem_shared>>) target_semaphore(%run_scoped3A_95 : memref<!tpu.dma_semaphore, #tpu.memory_space<semaphore_mem>>)
      %dma_wait3A_105 = arith.constant 0 : i32
      %dma_wait3A_106 = arith.constant 0 : i32
      %dma_wait3A_107 = tpu.memref_slice %arg12[%dma_wait3A_105, %dma_wait3A_106] : memref<128x128xf32, #tpu.memory_space<vmem>> -> memref<128x128xf32, #tpu.memory_space<vmem>>
      %dma_wait3A_108 = arith.constant 0 : i32
      %dma_wait3A_109 = tpu.memref_slice %arg15[%add3A_27, %dma_wait3A_108] : memref<10112x128xf32, #tpu.memory_space<vmem_shared>> -> memref<128x128xf32, #tpu.memory_space<vmem_shared>>
      %dma_wait3A_110 = arith.constant 0 : i32
      %dma_wait3A_111 = tpu.memref_slice %arg15[%add3A_27, %dma_wait3A_110] : memref<10112x128xf32, #tpu.memory_space<vmem_shared>> -> memref<128x128xf32, #tpu.memory_space<vmem_shared>>
      %dma_wait3A_112 = arith.constant 0 : i32
      %dma_wait3A_113 = arith.constant 0 : i32
      %dma_wait3A_114 = tpu.memref_slice %arg12[%dma_wait3A_112, %dma_wait3A_113] : memref<128x128xf32, #tpu.memory_space<vmem>> -> memref<128x128xf32, #tpu.memory_space<vmem>>
      tpu.wait_dma2 semaphore(%run_scoped3A_95 : memref<!tpu.dma_semaphore, #tpu.memory_space<semaphore_mem>>) src(%dma_wait3A_114 : memref<128x128xf32, #tpu.memory_space<vmem>>) dst(%dma_wait3A_111 : memref<128x128xf32, #tpu.memory_space<vmem_shared>>)
      tpu.yield
    }) : () -> ()
    %mul3A_28 = arith.constant 632 : i32
    %mul3A_29 = arith.muli %arg1, %mul3A_28 : i32
    %add3A_30 = arith.constant 512 : i32
    %add3A_31 = arith.addi %mul3A_29, %add3A_30 : i32
    "tpu.region"() ({
      %run_scoped3A_95 = tpu.sem_alloc : memref<!tpu.dma_semaphore, #tpu.memory_space<semaphore_mem>>
      %dma_start3A = arith.constant 0 : i32
      %dma_start3A_96 = arith.constant 0 : i32
      %dma_start3A_97 = tpu.memref_slice %arg12[%dma_start3A, %dma_start3A_96] : memref<128x128xf32, #tpu.memory_space<vmem>> -> memref<120x128xf32, #tpu.memory_space<vmem>>
      %dma_start3A_98 = arith.constant 0 : i32
      %dma_start3A_99 = tpu.memref_slice %arg15[%add3A_31, %dma_start3A_98] : memref<10112x128xf32, #tpu.memory_space<vmem_shared>> -> memref<120x128xf32, #tpu.memory_space<vmem_shared>>
      %dma_start3A_100 = arith.constant 0 : i32
      %dma_start3A_101 = tpu.memref_slice %arg15[%add3A_31, %dma_start3A_100] : memref<10112x128xf32, #tpu.memory_space<vmem_shared>> -> memref<120x128xf32, #tpu.memory_space<vmem_shared>>
      %dma_start3A_102 = arith.constant 0 : i32
      %dma_start3A_103 = arith.constant 0 : i32
      %dma_start3A_104 = tpu.memref_slice %arg12[%dma_start3A_102, %dma_start3A_103] : memref<128x128xf32, #tpu.memory_space<vmem>> -> memref<120x128xf32, #tpu.memory_space<vmem>>
      tpu.enqueue_dma source(%dma_start3A_104 : memref<120x128xf32, #tpu.memory_space<vmem>>) target(%dma_start3A_101 : memref<120x128xf32, #tpu.memory_space<vmem_shared>>) target_semaphore(%run_scoped3A_95 : memref<!tpu.dma_semaphore, #tpu.memory_space<semaphore_mem>>)
      %dma_wait3A_105 = arith.constant 0 : i32
      %dma_wait3A_106 = arith.constant 0 : i32
      %dma_wait3A_107 = tpu.memref_slice %arg12[%dma_wait3A_105, %dma_wait3A_106] : memref<128x128xf32, #tpu.memory_space<vmem>> -> memref<120x128xf32, #tpu.memory_space<vmem>>
      %dma_wait3A_108 = arith.constant 0 : i32
      %dma_wait3A_109 = tpu.memref_slice %arg15[%add3A_31, %dma_wait3A_108] : memref<10112x128xf32, #tpu.memory_space<vmem_shared>> -> memref<120x128xf32, #tpu.memory_space<vmem_shared>>
      %dma_wait3A_110 = arith.constant 0 : i32
      %dma_wait3A_111 = tpu.memref_slice %arg15[%add3A_31, %dma_wait3A_110] : memref<10112x128xf32, #tpu.memory_space<vmem_shared>> -> memref<120x128xf32, #tpu.memory_space<vmem_shared>>
      %dma_wait3A_112 = arith.constant 0 : i32
      %dma_wait3A_113 = arith.constant 0 : i32
      %dma_wait3A_114 = tpu.memref_slice %arg12[%dma_wait3A_112, %dma_wait3A_113] : memref<128x128xf32, #tpu.memory_space<vmem>> -> memref<120x128xf32, #tpu.memory_space<vmem>>
      tpu.wait_dma2 semaphore(%run_scoped3A_95 : memref<!tpu.dma_semaphore, #tpu.memory_space<semaphore_mem>>) src(%dma_wait3A_114 : memref<120x128xf32, #tpu.memory_space<vmem>>) dst(%dma_wait3A_111 : memref<120x128xf32, #tpu.memory_space<vmem_shared>>)
      tpu.yield
    }) : () -> ()
    %barrier3A = arith.constant 0 : index
    tpu.barrier barrier_id(%barrier3A)
    %gt3A = arith.constant 0 : i32
    %gt3A_32 = arith.cmpi sgt, %add3A_8, %gt3A : i32
    %convert_element_type3A = arith.extui %gt3A_32 : i1 to i32
    %cond3A = arith.constant 0 : i32
    %cond3A_33 = arith.cmpi ne, %convert_element_type3A, %cond3A : i32
    scf.if %cond3A_33 {
      %mul3A_95 = arith.constant 128 : i32
      %mul3A_96 = arith.muli %add3A_4, %mul3A_95 : i32
      "tpu.region"() ({
        %run_scoped3A_105 = tpu.sem_alloc : memref<!tpu.dma_semaphore, #tpu.memory_space<semaphore_mem>>
        %dma_start3A_106 = tpu.memref_slice %arg3[%mul3A_96] : memref<320000xi32, #tpu.memory_space<hbm>> -> memref<128xi32, #tpu.memory_space<hbm>>
        %dma_start3A_107 = tpu.memref_slice %arg3[%mul3A_96] : memref<320000xi32, #tpu.memory_space<hbm>> -> memref<128xi32, #tpu.memory_space<hbm>>
        tpu.enqueue_dma source(%dma_start3A_107 : memref<128xi32, #tpu.memory_space<hbm>>) target(%arg8 : memref<128xi32, #tpu.memory_space<vmem>>) target_semaphore(%run_scoped3A_105 : memref<!tpu.dma_semaphore, #tpu.memory_space<semaphore_mem>>)
        %dma_wait3A_108 = tpu.memref_slice %arg3[%mul3A_96] : memref<320000xi32, #tpu.memory_space<hbm>> -> memref<128xi32, #tpu.memory_space<hbm>>
        %dma_wait3A_109 = tpu.memref_slice %arg3[%mul3A_96] : memref<320000xi32, #tpu.memory_space<hbm>> -> memref<128xi32, #tpu.memory_space<hbm>>
        tpu.wait_dma2 semaphore(%run_scoped3A_105 : memref<!tpu.dma_semaphore, #tpu.memory_space<semaphore_mem>>) src(%dma_wait3A_109 : memref<128xi32, #tpu.memory_space<hbm>>) dst(%arg8 : memref<128xi32, #tpu.memory_space<vmem>>)
        tpu.yield
      }) : () -> ()
      %dma_start3A = arith.constant 0 : i32
      %dma_start3A_97 = arith.constant 0 : i32
      %dma_start3A_98 = tpu.memref_slice %arg2[%dma_start3A, %dma_start3A_97] : memref<10000x128xf32, #tpu.memory_space<hbm>> -> memref<10000x128xf32, #tpu.memory_space<hbm>>
      tpu.enqueue_indirect_dma source(%dma_start3A_98 : memref<10000x128xf32, #tpu.memory_space<hbm>>) target(%arg12 : memref<128x128xf32, #tpu.memory_space<vmem>>) offsets(%arg8 : memref<128xi32, #tpu.memory_space<vmem>>) semaphore(%arg16 : memref<!tpu.dma_semaphore, #tpu.memory_space<semaphore_mem>>)
      %add3A_99 = arith.constant 0 : i32
      %add3A_100 = arith.addi %add3A_4, %add3A_99 : i32
      %mul3A_101 = arith.constant 128 : i32
      %mul3A_102 = arith.muli %add3A_100, %mul3A_101 : i32
      %dma_start3A_103 = tpu.memref_slice %arg4[%mul3A_102] : memref<320000xi32, #tpu.memory_space<hbm>> -> memref<128xi32, #tpu.memory_space<hbm>>
      %dma_start3A_104 = tpu.memref_slice %arg4[%mul3A_102] : memref<320000xi32, #tpu.memory_space<hbm>> -> memref<128xi32, #tpu.memory_space<hbm>>
      tpu.enqueue_dma source(%dma_start3A_104 : memref<128xi32, #tpu.memory_space<hbm>>) target(%arg10 : memref<128xi32, #tpu.memory_space<vmem>>) target_semaphore(%arg18 : memref<!tpu.dma_semaphore, #tpu.memory_space<semaphore_mem>>)
    } else {
    }
    %gt3A_34 = arith.constant 1 : i32
    %gt3A_35 = arith.cmpi sgt, %add3A_8, %gt3A_34 : i32
    %convert_element_type3A_36 = arith.extui %gt3A_35 : i1 to i32
    %cond3A_37 = arith.constant 0 : i32
    %cond3A_38 = arith.cmpi ne, %convert_element_type3A_36, %cond3A_37 : i32
    scf.if %cond3A_38 {
      %add3A_95 = arith.constant 1 : i32
      %add3A_96 = arith.addi %add3A_4, %add3A_95 : i32
      %mul3A_97 = arith.constant 128 : i32
      %mul3A_98 = arith.muli %add3A_96, %mul3A_97 : i32
      %dma_start3A = tpu.memref_slice %arg3[%mul3A_98] : memref<320000xi32, #tpu.memory_space<hbm>> -> memref<128xi32, #tpu.memory_space<hbm>>
      %dma_start3A_99 = tpu.memref_slice %arg3[%mul3A_98] : memref<320000xi32, #tpu.memory_space<hbm>> -> memref<128xi32, #tpu.memory_space<hbm>>
      tpu.enqueue_dma source(%dma_start3A_99 : memref<128xi32, #tpu.memory_space<hbm>>) target(%arg9 : memref<128xi32, #tpu.memory_space<vmem>>) target_semaphore(%arg21 : memref<!tpu.dma_semaphore, #tpu.memory_space<semaphore_mem>>)
    } else {
    }
    %scan3A = arith.constant 0 : i32
    %scan3A_39 = arith.constant 0 : i32
    %scan3A_40 = arith.constant 40 : i32
    %scan3A_41 = arith.addi %scan3A_39, %scan3A_40 : i32
    %scan3A_42 = arith.constant 1 : i32
    scf.for %scan3A_95 = %scan3A_39 to %scan3A_41 step %scan3A_42  : i32 {
      %mul3A_96 = arith.constant 2 : i32
      %mul3A_97 = arith.muli %mul3A_96, %scan3A_95 : i32
      %add3A_98 = arith.constant 0 : i32
      %add3A_99 = arith.addi %mul3A_97, %add3A_98 : i32
      %lt3A_100 = arith.cmpi slt, %add3A_99, %add3A_8 : i32
      %convert_element_type3A_101 = arith.extui %lt3A_100 : i1 to i32
      %cond3A_102 = arith.constant 0 : i32
      %cond3A_103 = arith.cmpi ne, %convert_element_type3A_101, %cond3A_102 : i32
      scf.if %cond3A_103 {
        %add3A_112 = arith.constant 1 : i32
        %add3A_113 = arith.addi %add3A_99, %add3A_112 : i32
        %lt3A_114 = arith.cmpi slt, %add3A_113, %add3A_8 : i32
        %convert_element_type3A_115 = arith.extui %lt3A_114 : i1 to i32
        %cond3A_116 = arith.constant 0 : i32
        %cond3A_117 = arith.cmpi ne, %convert_element_type3A_115, %cond3A_116 : i32
        scf.if %cond3A_117 {
          %add3A_140 = arith.constant 1 : i32
          %add3A_141 = arith.addi %add3A_99, %add3A_140 : i32
          %add3A_142 = arith.addi %add3A_4, %add3A_141 : i32
          %mul3A_143 = arith.constant 128 : i32
          %mul3A_144 = arith.muli %add3A_142, %mul3A_143 : i32
          %dma_wait3A_145 = tpu.memref_slice %arg3[%mul3A_144] : memref<320000xi32, #tpu.memory_space<hbm>> -> memref<128xi32, #tpu.memory_space<hbm>>
          %dma_wait3A_146 = tpu.memref_slice %arg3[%mul3A_144] : memref<320000xi32, #tpu.memory_space<hbm>> -> memref<128xi32, #tpu.memory_space<hbm>>
          tpu.wait_dma2 semaphore(%arg21 : memref<!tpu.dma_semaphore, #tpu.memory_space<semaphore_mem>>) src(%dma_wait3A_146 : memref<128xi32, #tpu.memory_space<hbm>>) dst(%arg9 : memref<128xi32, #tpu.memory_space<vmem>>)
          %ge3A = arith.constant 1 : i32
          %ge3A_147 = arith.cmpi sge, %add3A_99, %ge3A : i32
          %convert_element_type3A_148 = arith.extui %ge3A_147 : i1 to i32
          %cond3A_149 = arith.constant 0 : i32
          %cond3A_150 = arith.cmpi ne, %convert_element_type3A_148, %cond3A_149 : i32
          scf.if %cond3A_150 {
            %sub3A_163 = arith.constant 1 : i32
            %sub3A_164 = arith.subi %add3A_99, %sub3A_163 : i32
            %add3A_165 = arith.addi %add3A_4, %sub3A_164 : i32
            %dma_wait3A_166 = arith.constant 0 : i32
            %dma_wait3A_167 = arith.constant 0 : i32
            %dma_wait3A_168 = tpu.memref_slice %arg6[%add3A_165, %dma_wait3A_166, %dma_wait3A_167] : memref<2500x128x128xf32, #tpu.memory_space<hbm>> -> memref<1x128x128xf32, #tpu.memory_space<hbm>>
            %dma_wait3A_169 = tpu.memref_squeeze %dma_wait3A_168 : memref<1x128x128xf32, #tpu.memory_space<hbm>> -> memref<128x128xf32, #tpu.memory_space<hbm>>
            %dma_wait3A_170 = arith.constant 0 : i32
            %dma_wait3A_171 = arith.constant 0 : i32
            %dma_wait3A_172 = tpu.memref_slice %arg6[%add3A_165, %dma_wait3A_170, %dma_wait3A_171] : memref<2500x128x128xf32, #tpu.memory_space<hbm>> -> memref<1x128x128xf32, #tpu.memory_space<hbm>>
            %dma_wait3A_173 = tpu.memref_squeeze %dma_wait3A_172 : memref<1x128x128xf32, #tpu.memory_space<hbm>> -> memref<128x128xf32, #tpu.memory_space<hbm>>
            tpu.wait_dma2 semaphore(%arg23 : memref<!tpu.dma_semaphore, #tpu.memory_space<semaphore_mem>>) src(%arg13 : memref<128x128xf32, #tpu.memory_space<vmem>>) dst(%dma_wait3A_173 : memref<128x128xf32, #tpu.memory_space<hbm>>)
          } else {
          }
          %add3A_151 = arith.constant 1 : i32
          %add3A_152 = arith.addi %add3A_99, %add3A_151 : i32
          %dma_start3A_153 = arith.constant 0 : i32
          %dma_start3A_154 = arith.constant 0 : i32
          %dma_start3A_155 = tpu.memref_slice %arg2[%dma_start3A_153, %dma_start3A_154] : memref<10000x128xf32, #tpu.memory_space<hbm>> -> memref<10000x128xf32, #tpu.memory_space<hbm>>
          tpu.enqueue_indirect_dma source(%dma_start3A_155 : memref<10000x128xf32, #tpu.memory_space<hbm>>) target(%arg13 : memref<128x128xf32, #tpu.memory_space<vmem>>) offsets(%arg9 : memref<128xi32, #tpu.memory_space<vmem>>) semaphore(%arg17 : memref<!tpu.dma_semaphore, #tpu.memory_space<semaphore_mem>>)
          %add3A_156 = arith.constant 1 : i32
          %add3A_157 = arith.addi %add3A_99, %add3A_156 : i32
          %add3A_158 = arith.addi %add3A_4, %add3A_157 : i32
          %mul3A_159 = arith.constant 128 : i32
          %mul3A_160 = arith.muli %add3A_158, %mul3A_159 : i32
          %dma_start3A_161 = tpu.memref_slice %arg4[%mul3A_160] : memref<320000xi32, #tpu.memory_space<hbm>> -> memref<128xi32, #tpu.memory_space<hbm>>
          %dma_start3A_162 = tpu.memref_slice %arg4[%mul3A_160] : memref<320000xi32, #tpu.memory_space<hbm>> -> memref<128xi32, #tpu.memory_space<hbm>>
          tpu.enqueue_dma source(%dma_start3A_162 : memref<128xi32, #tpu.memory_space<hbm>>) target(%arg11 : memref<128xi32, #tpu.memory_space<vmem>>) target_semaphore(%arg19 : memref<!tpu.dma_semaphore, #tpu.memory_space<semaphore_mem>>)
        } else {
        }
        %dma_wait3A_118 = arith.constant 0 : i32
        %dma_wait3A_119 = arith.constant 0 : i32
        %dma_wait3A_120 = tpu.memref_slice %arg2[%dma_wait3A_118, %dma_wait3A_119] : memref<10000x128xf32, #tpu.memory_space<hbm>> -> memref<10000x128xf32, #tpu.memory_space<hbm>>
        tpu.wait_indirect_dma semaphore(%arg16 : memref<!tpu.dma_semaphore, #tpu.memory_space<semaphore_mem>>) src(%dma_wait3A_120 : memref<10000x128xf32, #tpu.memory_space<hbm>>) dst(%arg12 : memref<128x128xf32, #tpu.memory_space<vmem>>)
        %add3A_121 = arith.addi %add3A_4, %add3A_99 : i32
        %dma_start3A = arith.constant 0 : i32
        %dma_start3A_122 = arith.constant 0 : i32
        %dma_start3A_123 = tpu.memref_slice %arg6[%add3A_121, %dma_start3A, %dma_start3A_122] : memref<2500x128x128xf32, #tpu.memory_space<hbm>> -> memref<1x128x128xf32, #tpu.memory_space<hbm>>
        %dma_start3A_124 = tpu.memref_squeeze %dma_start3A_123 : memref<1x128x128xf32, #tpu.memory_space<hbm>> -> memref<128x128xf32, #tpu.memory_space<hbm>>
        %dma_start3A_125 = arith.constant 0 : i32
        %dma_start3A_126 = arith.constant 0 : i32
        %dma_start3A_127 = tpu.memref_slice %arg6[%add3A_121, %dma_start3A_125, %dma_start3A_126] : memref<2500x128x128xf32, #tpu.memory_space<hbm>> -> memref<1x128x128xf32, #tpu.memory_space<hbm>>
        %dma_start3A_128 = tpu.memref_squeeze %dma_start3A_127 : memref<1x128x128xf32, #tpu.memory_space<hbm>> -> memref<128x128xf32, #tpu.memory_space<hbm>>
        tpu.enqueue_dma source(%arg12 : memref<128x128xf32, #tpu.memory_space<vmem>>) target(%dma_start3A_128 : memref<128x128xf32, #tpu.memory_space<hbm>>) target_semaphore(%arg22 : memref<!tpu.dma_semaphore, #tpu.memory_space<semaphore_mem>>)
        %add3A_129 = arith.addi %add3A_4, %add3A_99 : i32
        %mul3A_130 = arith.constant 128 : i32
        %mul3A_131 = arith.muli %add3A_129, %mul3A_130 : i32
        %dma_wait3A_132 = tpu.memref_slice %arg4[%mul3A_131] : memref<320000xi32, #tpu.memory_space<hbm>> -> memref<128xi32, #tpu.memory_space<hbm>>
        %dma_wait3A_133 = tpu.memref_slice %arg4[%mul3A_131] : memref<320000xi32, #tpu.memory_space<hbm>> -> memref<128xi32, #tpu.memory_space<hbm>>
        tpu.wait_dma2 semaphore(%arg18 : memref<!tpu.dma_semaphore, #tpu.memory_space<semaphore_mem>>) src(%dma_wait3A_133 : memref<128xi32, #tpu.memory_space<hbm>>) dst(%arg10 : memref<128xi32, #tpu.memory_space<vmem>>)
        "tpu.region"() ({
          %run_scoped3A_140 = tpu.sem_alloc : memref<!tpu.dma_semaphore, #tpu.memory_space<semaphore_mem>>
          %dma_start3A_141 = arith.constant 0 : i32
          %dma_start3A_142 = arith.constant 0 : i32
          %dma_start3A_143 = tpu.memref_slice %arg15[%dma_start3A_141, %dma_start3A_142] : memref<10112x128xf32, #tpu.memory_space<vmem_shared>> -> memref<10112x128xf32, #tpu.memory_space<vmem_shared>>
          tpu.enqueue_indirect_dma source(%arg14 : memref<128x128xf32, #tpu.memory_space<vmem>>) target(%dma_start3A_143 : memref<10112x128xf32, #tpu.memory_space<vmem_shared>>) offsets(%arg10 : memref<128xi32, #tpu.memory_space<vmem>>) semaphore(%run_scoped3A_140 : memref<!tpu.dma_semaphore, #tpu.memory_space<semaphore_mem>>) {add = true}
          %dma_wait3A_144 = arith.constant 0 : i32
          %dma_wait3A_145 = arith.constant 0 : i32
          %dma_wait3A_146 = tpu.memref_slice %arg15[%dma_wait3A_144, %dma_wait3A_145] : memref<10112x128xf32, #tpu.memory_space<vmem_shared>> -> memref<10112x128xf32, #tpu.memory_space<vmem_shared>>
          tpu.wait_indirect_dma semaphore(%run_scoped3A_140 : memref<!tpu.dma_semaphore, #tpu.memory_space<semaphore_mem>>) src(%arg14 : memref<128x128xf32, #tpu.memory_space<vmem>>) dst(%dma_wait3A_146 : memref<10112x128xf32, #tpu.memory_space<vmem_shared>>)
          tpu.yield
        }) : () -> ()
        %add3A_134 = arith.constant 2 : i32
        %add3A_135 = arith.addi %add3A_99, %add3A_134 : i32
        %lt3A_136 = arith.cmpi slt, %add3A_135, %add3A_8 : i32
        %convert_element_type3A_137 = arith.extui %lt3A_136 : i1 to i32
        %cond3A_138 = arith.constant 0 : i32
        %cond3A_139 = arith.cmpi ne, %convert_element_type3A_137, %cond3A_138 : i32
        scf.if %cond3A_139 {
          %add3A_140 = arith.constant 2 : i32
          %add3A_141 = arith.addi %add3A_99, %add3A_140 : i32
          %add3A_142 = arith.addi %add3A_4, %add3A_141 : i32
          %mul3A_143 = arith.constant 128 : i32
          %mul3A_144 = arith.muli %add3A_142, %mul3A_143 : i32
          %dma_start3A_145 = tpu.memref_slice %arg3[%mul3A_144] : memref<320000xi32, #tpu.memory_space<hbm>> -> memref<128xi32, #tpu.memory_space<hbm>>
          %dma_start3A_146 = tpu.memref_slice %arg3[%mul3A_144] : memref<320000xi32, #tpu.memory_space<hbm>> -> memref<128xi32, #tpu.memory_space<hbm>>
          tpu.enqueue_dma source(%dma_start3A_146 : memref<128xi32, #tpu.memory_space<hbm>>) target(%arg8 : memref<128xi32, #tpu.memory_space<vmem>>) target_semaphore(%arg20 : memref<!tpu.dma_semaphore, #tpu.memory_space<semaphore_mem>>)
        } else {
        }
      } else {
      }
      %mul3A_104 = arith.constant 2 : i32
      %mul3A_105 = arith.muli %mul3A_104, %scan3A_95 : i32
      %add3A_106 = arith.constant 1 : i32
      %add3A_107 = arith.addi %mul3A_105, %add3A_106 : i32
      %lt3A_108 = arith.cmpi slt, %add3A_107, %add3A_8 : i32
      %convert_element_type3A_109 = arith.extui %lt3A_108 : i1 to i32
      %cond3A_110 = arith.constant 0 : i32
      %cond3A_111 = arith.cmpi ne, %convert_element_type3A_109, %cond3A_110 : i32
      scf.if %cond3A_111 {
        %add3A_112 = arith.constant 1 : i32
        %add3A_113 = arith.addi %add3A_107, %add3A_112 : i32
        %lt3A_114 = arith.cmpi slt, %add3A_113, %add3A_8 : i32
        %convert_element_type3A_115 = arith.extui %lt3A_114 : i1 to i32
        %cond3A_116 = arith.constant 0 : i32
        %cond3A_117 = arith.cmpi ne, %convert_element_type3A_115, %cond3A_116 : i32
        scf.if %cond3A_117 {
          %add3A_140 = arith.constant 1 : i32
          %add3A_141 = arith.addi %add3A_107, %add3A_140 : i32
          %add3A_142 = arith.addi %add3A_4, %add3A_141 : i32
          %mul3A_143 = arith.constant 128 : i32
          %mul3A_144 = arith.muli %add3A_142, %mul3A_143 : i32
          %dma_wait3A_145 = tpu.memref_slice %arg3[%mul3A_144] : memref<320000xi32, #tpu.memory_space<hbm>> -> memref<128xi32, #tpu.memory_space<hbm>>
          %dma_wait3A_146 = tpu.memref_slice %arg3[%mul3A_144] : memref<320000xi32, #tpu.memory_space<hbm>> -> memref<128xi32, #tpu.memory_space<hbm>>
          tpu.wait_dma2 semaphore(%arg20 : memref<!tpu.dma_semaphore, #tpu.memory_space<semaphore_mem>>) src(%dma_wait3A_146 : memref<128xi32, #tpu.memory_space<hbm>>) dst(%arg8 : memref<128xi32, #tpu.memory_space<vmem>>)
          %ge3A = arith.constant 1 : i32
          %ge3A_147 = arith.cmpi sge, %add3A_107, %ge3A : i32
          %convert_element_type3A_148 = arith.extui %ge3A_147 : i1 to i32
          %cond3A_149 = arith.constant 0 : i32
          %cond3A_150 = arith.cmpi ne, %convert_element_type3A_148, %cond3A_149 : i32
          scf.if %cond3A_150 {
            %sub3A_163 = arith.constant 1 : i32
            %sub3A_164 = arith.subi %add3A_107, %sub3A_163 : i32
            %add3A_165 = arith.addi %add3A_4, %sub3A_164 : i32
            %dma_wait3A_166 = arith.constant 0 : i32
            %dma_wait3A_167 = arith.constant 0 : i32
            %dma_wait3A_168 = tpu.memref_slice %arg6[%add3A_165, %dma_wait3A_166, %dma_wait3A_167] : memref<2500x128x128xf32, #tpu.memory_space<hbm>> -> memref<1x128x128xf32, #tpu.memory_space<hbm>>
            %dma_wait3A_169 = tpu.memref_squeeze %dma_wait3A_168 : memref<1x128x128xf32, #tpu.memory_space<hbm>> -> memref<128x128xf32, #tpu.memory_space<hbm>>
            %dma_wait3A_170 = arith.constant 0 : i32
            %dma_wait3A_171 = arith.constant 0 : i32
            %dma_wait3A_172 = tpu.memref_slice %arg6[%add3A_165, %dma_wait3A_170, %dma_wait3A_171] : memref<2500x128x128xf32, #tpu.memory_space<hbm>> -> memref<1x128x128xf32, #tpu.memory_space<hbm>>
            %dma_wait3A_173 = tpu.memref_squeeze %dma_wait3A_172 : memref<1x128x128xf32, #tpu.memory_space<hbm>> -> memref<128x128xf32, #tpu.memory_space<hbm>>
            tpu.wait_dma2 semaphore(%arg22 : memref<!tpu.dma_semaphore, #tpu.memory_space<semaphore_mem>>) src(%arg12 : memref<128x128xf32, #tpu.memory_space<vmem>>) dst(%dma_wait3A_173 : memref<128x128xf32, #tpu.memory_space<hbm>>)
          } else {
          }
          %add3A_151 = arith.constant 1 : i32
          %add3A_152 = arith.addi %add3A_107, %add3A_151 : i32
          %dma_start3A_153 = arith.constant 0 : i32
          %dma_start3A_154 = arith.constant 0 : i32
          %dma_start3A_155 = tpu.memref_slice %arg2[%dma_start3A_153, %dma_start3A_154] : memref<10000x128xf32, #tpu.memory_space<hbm>> -> memref<10000x128xf32, #tpu.memory_space<hbm>>
          tpu.enqueue_indirect_dma source(%dma_start3A_155 : memref<10000x128xf32, #tpu.memory_space<hbm>>) target(%arg12 : memref<128x128xf32, #tpu.memory_space<vmem>>) offsets(%arg8 : memref<128xi32, #tpu.memory_space<vmem>>) semaphore(%arg16 : memref<!tpu.dma_semaphore, #tpu.memory_space<semaphore_mem>>)
          %add3A_156 = arith.constant 1 : i32
          %add3A_157 = arith.addi %add3A_107, %add3A_156 : i32
          %add3A_158 = arith.addi %add3A_4, %add3A_157 : i32
          %mul3A_159 = arith.constant 128 : i32
          %mul3A_160 = arith.muli %add3A_158, %mul3A_159 : i32
          %dma_start3A_161 = tpu.memref_slice %arg4[%mul3A_160] : memref<320000xi32, #tpu.memory_space<hbm>> -> memref<128xi32, #tpu.memory_space<hbm>>
          %dma_start3A_162 = tpu.memref_slice %arg4[%mul3A_160] : memref<320000xi32, #tpu.memory_space<hbm>> -> memref<128xi32, #tpu.memory_space<hbm>>
          tpu.enqueue_dma source(%dma_start3A_162 : memref<128xi32, #tpu.memory_space<hbm>>) target(%arg10 : memref<128xi32, #tpu.memory_space<vmem>>) target_semaphore(%arg18 : memref<!tpu.dma_semaphore, #tpu.memory_space<semaphore_mem>>)
        } else {
        }
        %dma_wait3A_118 = arith.constant 0 : i32
        %dma_wait3A_119 = arith.constant 0 : i32
        %dma_wait3A_120 = tpu.memref_slice %arg2[%dma_wait3A_118, %dma_wait3A_119] : memref<10000x128xf32, #tpu.memory_space<hbm>> -> memref<10000x128xf32, #tpu.memory_space<hbm>>
        tpu.wait_indirect_dma semaphore(%arg17 : memref<!tpu.dma_semaphore, #tpu.memory_space<semaphore_mem>>) src(%dma_wait3A_120 : memref<10000x128xf32, #tpu.memory_space<hbm>>) dst(%arg13 : memref<128x128xf32, #tpu.memory_space<vmem>>)
        %add3A_121 = arith.addi %add3A_4, %add3A_107 : i32
        %dma_start3A = arith.constant 0 : i32
        %dma_start3A_122 = arith.constant 0 : i32
        %dma_start3A_123 = tpu.memref_slice %arg6[%add3A_121, %dma_start3A, %dma_start3A_122] : memref<2500x128x128xf32, #tpu.memory_space<hbm>> -> memref<1x128x128xf32, #tpu.memory_space<hbm>>
        %dma_start3A_124 = tpu.memref_squeeze %dma_start3A_123 : memref<1x128x128xf32, #tpu.memory_space<hbm>> -> memref<128x128xf32, #tpu.memory_space<hbm>>
        %dma_start3A_125 = arith.constant 0 : i32
        %dma_start3A_126 = arith.constant 0 : i32
        %dma_start3A_127 = tpu.memref_slice %arg6[%add3A_121, %dma_start3A_125, %dma_start3A_126] : memref<2500x128x128xf32, #tpu.memory_space<hbm>> -> memref<1x128x128xf32, #tpu.memory_space<hbm>>
        %dma_start3A_128 = tpu.memref_squeeze %dma_start3A_127 : memref<1x128x128xf32, #tpu.memory_space<hbm>> -> memref<128x128xf32, #tpu.memory_space<hbm>>
        tpu.enqueue_dma source(%arg13 : memref<128x128xf32, #tpu.memory_space<vmem>>) target(%dma_start3A_128 : memref<128x128xf32, #tpu.memory_space<hbm>>) target_semaphore(%arg23 : memref<!tpu.dma_semaphore, #tpu.memory_space<semaphore_mem>>)
        %add3A_129 = arith.addi %add3A_4, %add3A_107 : i32
        %mul3A_130 = arith.constant 128 : i32
        %mul3A_131 = arith.muli %add3A_129, %mul3A_130 : i32
        %dma_wait3A_132 = tpu.memref_slice %arg4[%mul3A_131] : memref<320000xi32, #tpu.memory_space<hbm>> -> memref<128xi32, #tpu.memory_space<hbm>>
        %dma_wait3A_133 = tpu.memref_slice %arg4[%mul3A_131] : memref<320000xi32, #tpu.memory_space<hbm>> -> memref<128xi32, #tpu.memory_space<hbm>>
        tpu.wait_dma2 semaphore(%arg19 : memref<!tpu.dma_semaphore, #tpu.memory_space<semaphore_mem>>) src(%dma_wait3A_133 : memref<128xi32, #tpu.memory_space<hbm>>) dst(%arg11 : memref<128xi32, #tpu.memory_space<vmem>>)
        "tpu.region"() ({
          %run_scoped3A_140 = tpu.sem_alloc : memref<!tpu.dma_semaphore, #tpu.memory_space<semaphore_mem>>
          %dma_start3A_141 = arith.constant 0 : i32
          %dma_start3A_142 = arith.constant 0 : i32
          %dma_start3A_143 = tpu.memref_slice %arg15[%dma_start3A_141, %dma_start3A_142] : memref<10112x128xf32, #tpu.memory_space<vmem_shared>> -> memref<10112x128xf32, #tpu.memory_space<vmem_shared>>
          tpu.enqueue_indirect_dma source(%arg14 : memref<128x128xf32, #tpu.memory_space<vmem>>) target(%dma_start3A_143 : memref<10112x128xf32, #tpu.memory_space<vmem_shared>>) offsets(%arg11 : memref<128xi32, #tpu.memory_space<vmem>>) semaphore(%run_scoped3A_140 : memref<!tpu.dma_semaphore, #tpu.memory_space<semaphore_mem>>) {add = true}
          %dma_wait3A_144 = arith.constant 0 : i32
          %dma_wait3A_145 = arith.constant 0 : i32
          %dma_wait3A_146 = tpu.memref_slice %arg15[%dma_wait3A_144, %dma_wait3A_145] : memref<10112x128xf32, #tpu.memory_space<vmem_shared>> -> memref<10112x128xf32, #tpu.memory_space<vmem_shared>>
          tpu.wait_indirect_dma semaphore(%run_scoped3A_140 : memref<!tpu.dma_semaphore, #tpu.memory_space<semaphore_mem>>) src(%arg14 : memref<128x128xf32, #tpu.memory_space<vmem>>) dst(%dma_wait3A_146 : memref<10112x128xf32, #tpu.memory_space<vmem_shared>>)
          tpu.yield
        }) : () -> ()
        %add3A_134 = arith.constant 2 : i32
        %add3A_135 = arith.addi %add3A_107, %add3A_134 : i32
        %lt3A_136 = arith.cmpi slt, %add3A_135, %add3A_8 : i32
        %convert_element_type3A_137 = arith.extui %lt3A_136 : i1 to i32
        %cond3A_138 = arith.constant 0 : i32
        %cond3A_139 = arith.cmpi ne, %convert_element_type3A_137, %cond3A_138 : i32
        scf.if %cond3A_139 {
          %add3A_140 = arith.constant 2 : i32
          %add3A_141 = arith.addi %add3A_107, %add3A_140 : i32
          %add3A_142 = arith.addi %add3A_4, %add3A_141 : i32
          %mul3A_143 = arith.constant 128 : i32
          %mul3A_144 = arith.muli %add3A_142, %mul3A_143 : i32
          %dma_start3A_145 = tpu.memref_slice %arg3[%mul3A_144] : memref<320000xi32, #tpu.memory_space<hbm>> -> memref<128xi32, #tpu.memory_space<hbm>>
          %dma_start3A_146 = tpu.memref_slice %arg3[%mul3A_144] : memref<320000xi32, #tpu.memory_space<hbm>> -> memref<128xi32, #tpu.memory_space<hbm>>
          tpu.enqueue_dma source(%dma_start3A_146 : memref<128xi32, #tpu.memory_space<hbm>>) target(%arg9 : memref<128xi32, #tpu.memory_space<vmem>>) target_semaphore(%arg21 : memref<!tpu.dma_semaphore, #tpu.memory_space<semaphore_mem>>)
        } else {
        }
      } else {
      }
    }
    %scan3A_43 = arith.constant 40 : i32
    %dma_wait3A = arith.constant 0 : i32
    %dma_wait3A_44 = arith.constant 0 : i32
    %dma_wait3A_45 = tpu.memref_slice %arg6[%add3A_4, %dma_wait3A, %dma_wait3A_44] : memref<2500x128x128xf32, #tpu.memory_space<hbm>> -> memref<1x128x128xf32, #tpu.memory_space<hbm>>
    %dma_wait3A_46 = tpu.memref_squeeze %dma_wait3A_45 : memref<1x128x128xf32, #tpu.memory_space<hbm>> -> memref<128x128xf32, #tpu.memory_space<hbm>>
    %dma_wait3A_47 = arith.constant 0 : i32
    %dma_wait3A_48 = arith.constant 0 : i32
    %dma_wait3A_49 = tpu.memref_slice %arg6[%add3A_4, %dma_wait3A_47, %dma_wait3A_48] : memref<2500x128x128xf32, #tpu.memory_space<hbm>> -> memref<1x128x128xf32, #tpu.memory_space<hbm>>
    %dma_wait3A_50 = tpu.memref_squeeze %dma_wait3A_49 : memref<1x128x128xf32, #tpu.memory_space<hbm>> -> memref<128x128xf32, #tpu.memory_space<hbm>>
    tpu.wait_dma2 semaphore(%arg22 : memref<!tpu.dma_semaphore, #tpu.memory_space<semaphore_mem>>) src(%arg12 : memref<128x128xf32, #tpu.memory_space<vmem>>) dst(%dma_wait3A_50 : memref<128x128xf32, #tpu.memory_space<hbm>>)
    %dma_wait3A_51 = arith.constant 0 : i32
    %dma_wait3A_52 = arith.constant 0 : i32
    %dma_wait3A_53 = tpu.memref_slice %arg6[%add3A_4, %dma_wait3A_51, %dma_wait3A_52] : memref<2500x128x128xf32, #tpu.memory_space<hbm>> -> memref<1x128x128xf32, #tpu.memory_space<hbm>>
    %dma_wait3A_54 = tpu.memref_squeeze %dma_wait3A_53 : memref<1x128x128xf32, #tpu.memory_space<hbm>> -> memref<128x128xf32, #tpu.memory_space<hbm>>
    %dma_wait3A_55 = arith.constant 0 : i32
    %dma_wait3A_56 = arith.constant 0 : i32
    %dma_wait3A_57 = tpu.memref_slice %arg6[%add3A_4, %dma_wait3A_55, %dma_wait3A_56] : memref<2500x128x128xf32, #tpu.memory_space<hbm>> -> memref<1x128x128xf32, #tpu.memory_space<hbm>>
    %dma_wait3A_58 = tpu.memref_squeeze %dma_wait3A_57 : memref<1x128x128xf32, #tpu.memory_space<hbm>> -> memref<128x128xf32, #tpu.memory_space<hbm>>
    tpu.wait_dma2 semaphore(%arg23 : memref<!tpu.dma_semaphore, #tpu.memory_space<semaphore_mem>>) src(%arg13 : memref<128x128xf32, #tpu.memory_space<vmem>>) dst(%dma_wait3A_58 : memref<128x128xf32, #tpu.memory_space<hbm>>)
    %barrier3A_59 = arith.constant 0 : index
    tpu.barrier barrier_id(%barrier3A_59)
    %mul3A_60 = arith.constant 632 : i32
    %mul3A_61 = arith.muli %arg1, %mul3A_60 : i32
    %add3A_62 = arith.constant 0 : i32
    %add3A_63 = arith.addi %mul3A_61, %add3A_62 : i32
    "tpu.region"() ({
      %run_scoped3A_95 = tpu.sem_alloc : memref<!tpu.dma_semaphore, #tpu.memory_space<semaphore_mem>>
      %dma_start3A = arith.constant 0 : i32
      %dma_start3A_96 = arith.constant 0 : i32
      %dma_start3A_97 = tpu.memref_slice %arg12[%dma_start3A, %dma_start3A_96] : memref<128x128xf32, #tpu.memory_space<vmem>> -> memref<128x128xf32, #tpu.memory_space<vmem>>
      %dma_start3A_98 = arith.constant 0 : i32
      %dma_start3A_99 = tpu.memref_slice %arg15[%add3A_63, %dma_start3A_98] : memref<10112x128xf32, #tpu.memory_space<vmem_shared>> -> memref<128x128xf32, #tpu.memory_space<vmem_shared>>
      %dma_start3A_100 = arith.constant 0 : i32
      %dma_start3A_101 = arith.constant 0 : i32
      %dma_start3A_102 = tpu.memref_slice %arg12[%dma_start3A_100, %dma_start3A_101] : memref<128x128xf32, #tpu.memory_space<vmem>> -> memref<128x128xf32, #tpu.memory_space<vmem>>
      %dma_start3A_103 = arith.constant 0 : i32
      %dma_start3A_104 = tpu.memref_slice %arg15[%add3A_63, %dma_start3A_103] : memref<10112x128xf32, #tpu.memory_space<vmem_shared>> -> memref<128x128xf32, #tpu.memory_space<vmem_shared>>
      tpu.enqueue_dma source(%dma_start3A_104 : memref<128x128xf32, #tpu.memory_space<vmem_shared>>) target(%dma_start3A_102 : memref<128x128xf32, #tpu.memory_space<vmem>>) target_semaphore(%run_scoped3A_95 : memref<!tpu.dma_semaphore, #tpu.memory_space<semaphore_mem>>)
      %dma_wait3A_105 = arith.constant 0 : i32
      %dma_wait3A_106 = arith.constant 0 : i32
      %dma_wait3A_107 = tpu.memref_slice %arg12[%dma_wait3A_105, %dma_wait3A_106] : memref<128x128xf32, #tpu.memory_space<vmem>> -> memref<128x128xf32, #tpu.memory_space<vmem>>
      %dma_wait3A_108 = arith.constant 0 : i32
      %dma_wait3A_109 = tpu.memref_slice %arg15[%add3A_63, %dma_wait3A_108] : memref<10112x128xf32, #tpu.memory_space<vmem_shared>> -> memref<128x128xf32, #tpu.memory_space<vmem_shared>>
      %dma_wait3A_110 = arith.constant 0 : i32
      %dma_wait3A_111 = arith.constant 0 : i32
      %dma_wait3A_112 = tpu.memref_slice %arg12[%dma_wait3A_110, %dma_wait3A_111] : memref<128x128xf32, #tpu.memory_space<vmem>> -> memref<128x128xf32, #tpu.memory_space<vmem>>
      %dma_wait3A_113 = arith.constant 0 : i32
      %dma_wait3A_114 = tpu.memref_slice %arg15[%add3A_63, %dma_wait3A_113] : memref<10112x128xf32, #tpu.memory_space<vmem_shared>> -> memref<128x128xf32, #tpu.memory_space<vmem_shared>>
      tpu.wait_dma2 semaphore(%run_scoped3A_95 : memref<!tpu.dma_semaphore, #tpu.memory_space<semaphore_mem>>) src(%dma_wait3A_114 : memref<128x128xf32, #tpu.memory_space<vmem_shared>>) dst(%dma_wait3A_112 : memref<128x128xf32, #tpu.memory_space<vmem>>)
      tpu.yield
    }) : () -> ()
    %mul3A_64 = arith.constant 10112 : i32
    %mul3A_65 = arith.muli %arg0, %mul3A_64 : i32
    %add3A_66 = arith.addi %mul3A_65, %add3A_63 : i32
    "tpu.region"() ({
      %run_scoped3A_95 = tpu.sem_alloc : memref<!tpu.dma_semaphore, #tpu.memory_space<semaphore_mem>>
      %dma_start3A = arith.constant 0 : i32
      %dma_start3A_96 = arith.constant 0 : i32
      %dma_start3A_97 = tpu.memref_slice %arg12[%dma_start3A, %dma_start3A_96] : memref<128x128xf32, #tpu.memory_space<vmem>> -> memref<128x128xf32, #tpu.memory_space<vmem>>
      %dma_start3A_98 = arith.constant 0 : i32
      %dma_start3A_99 = tpu.memref_slice %arg7[%add3A_66, %dma_start3A_98] : memref<20224x128xf32, #tpu.memory_space<hbm>> -> memref<128x128xf32, #tpu.memory_space<hbm>>
      %dma_start3A_100 = arith.constant 0 : i32
      %dma_start3A_101 = tpu.memref_slice %arg7[%add3A_66, %dma_start3A_100] : memref<20224x128xf32, #tpu.memory_space<hbm>> -> memref<128x128xf32, #tpu.memory_space<hbm>>
      %dma_start3A_102 = arith.constant 0 : i32
      %dma_start3A_103 = arith.constant 0 : i32
      %dma_start3A_104 = tpu.memref_slice %arg12[%dma_start3A_102, %dma_start3A_103] : memref<128x128xf32, #tpu.memory_space<vmem>> -> memref<128x128xf32, #tpu.memory_space<vmem>>
      tpu.enqueue_dma source(%dma_start3A_104 : memref<128x128xf32, #tpu.memory_space<vmem>>) target(%dma_start3A_101 : memref<128x128xf32, #tpu.memory_space<hbm>>) target_semaphore(%run_scoped3A_95 : memref<!tpu.dma_semaphore, #tpu.memory_space<semaphore_mem>>)
      %dma_wait3A_105 = arith.constant 0 : i32
      %dma_wait3A_106 = arith.constant 0 : i32
      %dma_wait3A_107 = tpu.memref_slice %arg12[%dma_wait3A_105, %dma_wait3A_106] : memref<128x128xf32, #tpu.memory_space<vmem>> -> memref<128x128xf32, #tpu.memory_space<vmem>>
      %dma_wait3A_108 = arith.constant 0 : i32
      %dma_wait3A_109 = tpu.memref_slice %arg7[%add3A_66, %dma_wait3A_108] : memref<20224x128xf32, #tpu.memory_space<hbm>> -> memref<128x128xf32, #tpu.memory_space<hbm>>
      %dma_wait3A_110 = arith.constant 0 : i32
      %dma_wait3A_111 = tpu.memref_slice %arg7[%add3A_66, %dma_wait3A_110] : memref<20224x128xf32, #tpu.memory_space<hbm>> -> memref<128x128xf32, #tpu.memory_space<hbm>>
      %dma_wait3A_112 = arith.constant 0 : i32
      %dma_wait3A_113 = arith.constant 0 : i32
      %dma_wait3A_114 = tpu.memref_slice %arg12[%dma_wait3A_112, %dma_wait3A_113] : memref<128x128xf32, #tpu.memory_space<vmem>> -> memref<128x128xf32, #tpu.memory_space<vmem>>
      tpu.wait_dma2 semaphore(%run_scoped3A_95 : memref<!tpu.dma_semaphore, #tpu.memory_space<semaphore_mem>>) src(%dma_wait3A_114 : memref<128x128xf32, #tpu.memory_space<vmem>>) dst(%dma_wait3A_111 : memref<128x128xf32, #tpu.memory_space<hbm>>)
      tpu.yield
    }) : () -> ()
    %mul3A_67 = arith.constant 632 : i32
    %mul3A_68 = arith.muli %arg1, %mul3A_67 : i32
    %add3A_69 = arith.constant 128 : i32
    %add3A_70 = arith.addi %mul3A_68, %add3A_69 : i32
    "tpu.region"() ({
      %run_scoped3A_95 = tpu.sem_alloc : memref<!tpu.dma_semaphore, #tpu.memory_space<semaphore_mem>>
      %dma_start3A = arith.constant 0 : i32
      %dma_start3A_96 = arith.constant 0 : i32
      %dma_start3A_97 = tpu.memref_slice %arg12[%dma_start3A, %dma_start3A_96] : memref<128x128xf32, #tpu.memory_space<vmem>> -> memref<128x128xf32, #tpu.memory_space<vmem>>
      %dma_start3A_98 = arith.constant 0 : i32
      %dma_start3A_99 = tpu.memref_slice %arg15[%add3A_70, %dma_start3A_98] : memref<10112x128xf32, #tpu.memory_space<vmem_shared>> -> memref<128x128xf32, #tpu.memory_space<vmem_shared>>
      %dma_start3A_100 = arith.constant 0 : i32
      %dma_start3A_101 = arith.constant 0 : i32
      %dma_start3A_102 = tpu.memref_slice %arg12[%dma_start3A_100, %dma_start3A_101] : memref<128x128xf32, #tpu.memory_space<vmem>> -> memref<128x128xf32, #tpu.memory_space<vmem>>
      %dma_start3A_103 = arith.constant 0 : i32
      %dma_start3A_104 = tpu.memref_slice %arg15[%add3A_70, %dma_start3A_103] : memref<10112x128xf32, #tpu.memory_space<vmem_shared>> -> memref<128x128xf32, #tpu.memory_space<vmem_shared>>
      tpu.enqueue_dma source(%dma_start3A_104 : memref<128x128xf32, #tpu.memory_space<vmem_shared>>) target(%dma_start3A_102 : memref<128x128xf32, #tpu.memory_space<vmem>>) target_semaphore(%run_scoped3A_95 : memref<!tpu.dma_semaphore, #tpu.memory_space<semaphore_mem>>)
      %dma_wait3A_105 = arith.constant 0 : i32
      %dma_wait3A_106 = arith.constant 0 : i32
      %dma_wait3A_107 = tpu.memref_slice %arg12[%dma_wait3A_105, %dma_wait3A_106] : memref<128x128xf32, #tpu.memory_space<vmem>> -> memref<128x128xf32, #tpu.memory_space<vmem>>
      %dma_wait3A_108 = arith.constant 0 : i32
      %dma_wait3A_109 = tpu.memref_slice %arg15[%add3A_70, %dma_wait3A_108] : memref<10112x128xf32, #tpu.memory_space<vmem_shared>> -> memref<128x128xf32, #tpu.memory_space<vmem_shared>>
      %dma_wait3A_110 = arith.constant 0 : i32
      %dma_wait3A_111 = arith.constant 0 : i32
      %dma_wait3A_112 = tpu.memref_slice %arg12[%dma_wait3A_110, %dma_wait3A_111] : memref<128x128xf32, #tpu.memory_space<vmem>> -> memref<128x128xf32, #tpu.memory_space<vmem>>
      %dma_wait3A_113 = arith.constant 0 : i32
      %dma_wait3A_114 = tpu.memref_slice %arg15[%add3A_70, %dma_wait3A_113] : memref<10112x128xf32, #tpu.memory_space<vmem_shared>> -> memref<128x128xf32, #tpu.memory_space<vmem_shared>>
      tpu.wait_dma2 semaphore(%run_scoped3A_95 : memref<!tpu.dma_semaphore, #tpu.memory_space<semaphore_mem>>) src(%dma_wait3A_114 : memref<128x128xf32, #tpu.memory_space<vmem_shared>>) dst(%dma_wait3A_112 : memref<128x128xf32, #tpu.memory_space<vmem>>)
      tpu.yield
    }) : () -> ()
    %mul3A_71 = arith.constant 10112 : i32
    %mul3A_72 = arith.muli %arg0, %mul3A_71 : i32
    %add3A_73 = arith.addi %mul3A_72, %add3A_70 : i32
    "tpu.region"() ({
      %run_scoped3A_95 = tpu.sem_alloc : memref<!tpu.dma_semaphore, #tpu.memory_space<semaphore_mem>>
      %dma_start3A = arith.constant 0 : i32
      %dma_start3A_96 = arith.constant 0 : i32
      %dma_start3A_97 = tpu.memref_slice %arg12[%dma_start3A, %dma_start3A_96] : memref<128x128xf32, #tpu.memory_space<vmem>> -> memref<128x128xf32, #tpu.memory_space<vmem>>
      %dma_start3A_98 = arith.constant 0 : i32
      %dma_start3A_99 = tpu.memref_slice %arg7[%add3A_73, %dma_start3A_98] : memref<20224x128xf32, #tpu.memory_space<hbm>> -> memref<128x128xf32, #tpu.memory_space<hbm>>
      %dma_start3A_100 = arith.constant 0 : i32
      %dma_start3A_101 = tpu.memref_slice %arg7[%add3A_73, %dma_start3A_100] : memref<20224x128xf32, #tpu.memory_space<hbm>> -> memref<128x128xf32, #tpu.memory_space<hbm>>
      %dma_start3A_102 = arith.constant 0 : i32
      %dma_start3A_103 = arith.constant 0 : i32
      %dma_start3A_104 = tpu.memref_slice %arg12[%dma_start3A_102, %dma_start3A_103] : memref<128x128xf32, #tpu.memory_space<vmem>> -> memref<128x128xf32, #tpu.memory_space<vmem>>
      tpu.enqueue_dma source(%dma_start3A_104 : memref<128x128xf32, #tpu.memory_space<vmem>>) target(%dma_start3A_101 : memref<128x128xf32, #tpu.memory_space<hbm>>) target_semaphore(%run_scoped3A_95 : memref<!tpu.dma_semaphore, #tpu.memory_space<semaphore_mem>>)
      %dma_wait3A_105 = arith.constant 0 : i32
      %dma_wait3A_106 = arith.constant 0 : i32
      %dma_wait3A_107 = tpu.memref_slice %arg12[%dma_wait3A_105, %dma_wait3A_106] : memref<128x128xf32, #tpu.memory_space<vmem>> -> memref<128x128xf32, #tpu.memory_space<vmem>>
      %dma_wait3A_108 = arith.constant 0 : i32
      %dma_wait3A_109 = tpu.memref_slice %arg7[%add3A_73, %dma_wait3A_108] : memref<20224x128xf32, #tpu.memory_space<hbm>> -> memref<128x128xf32, #tpu.memory_space<hbm>>
      %dma_wait3A_110 = arith.constant 0 : i32
      %dma_wait3A_111 = tpu.memref_slice %arg7[%add3A_73, %dma_wait3A_110] : memref<20224x128xf32, #tpu.memory_space<hbm>> -> memref<128x128xf32, #tpu.memory_space<hbm>>
      %dma_wait3A_112 = arith.constant 0 : i32
      %dma_wait3A_113 = arith.constant 0 : i32
      %dma_wait3A_114 = tpu.memref_slice %arg12[%dma_wait3A_112, %dma_wait3A_113] : memref<128x128xf32, #tpu.memory_space<vmem>> -> memref<128x128xf32, #tpu.memory_space<vmem>>
      tpu.wait_dma2 semaphore(%run_scoped3A_95 : memref<!tpu.dma_semaphore, #tpu.memory_space<semaphore_mem>>) src(%dma_wait3A_114 : memref<128x128xf32, #tpu.memory_space<vmem>>) dst(%dma_wait3A_111 : memref<128x128xf32, #tpu.memory_space<hbm>>)
      tpu.yield
    }) : () -> ()
    %mul3A_74 = arith.constant 632 : i32
    %mul3A_75 = arith.muli %arg1, %mul3A_74 : i32
    %add3A_76 = arith.constant 256 : i32
    %add3A_77 = arith.addi %mul3A_75, %add3A_76 : i32
    "tpu.region"() ({
      %run_scoped3A_95 = tpu.sem_alloc : memref<!tpu.dma_semaphore, #tpu.memory_space<semaphore_mem>>
      %dma_start3A = arith.constant 0 : i32
      %dma_start3A_96 = arith.constant 0 : i32
      %dma_start3A_97 = tpu.memref_slice %arg12[%dma_start3A, %dma_start3A_96] : memref<128x128xf32, #tpu.memory_space<vmem>> -> memref<128x128xf32, #tpu.memory_space<vmem>>
      %dma_start3A_98 = arith.constant 0 : i32
      %dma_start3A_99 = tpu.memref_slice %arg15[%add3A_77, %dma_start3A_98] : memref<10112x128xf32, #tpu.memory_space<vmem_shared>> -> memref<128x128xf32, #tpu.memory_space<vmem_shared>>
      %dma_start3A_100 = arith.constant 0 : i32
      %dma_start3A_101 = arith.constant 0 : i32
      %dma_start3A_102 = tpu.memref_slice %arg12[%dma_start3A_100, %dma_start3A_101] : memref<128x128xf32, #tpu.memory_space<vmem>> -> memref<128x128xf32, #tpu.memory_space<vmem>>
      %dma_start3A_103 = arith.constant 0 : i32
      %dma_start3A_104 = tpu.memref_slice %arg15[%add3A_77, %dma_start3A_103] : memref<10112x128xf32, #tpu.memory_space<vmem_shared>> -> memref<128x128xf32, #tpu.memory_space<vmem_shared>>
      tpu.enqueue_dma source(%dma_start3A_104 : memref<128x128xf32, #tpu.memory_space<vmem_shared>>) target(%dma_start3A_102 : memref<128x128xf32, #tpu.memory_space<vmem>>) target_semaphore(%run_scoped3A_95 : memref<!tpu.dma_semaphore, #tpu.memory_space<semaphore_mem>>)
      %dma_wait3A_105 = arith.constant 0 : i32
      %dma_wait3A_106 = arith.constant 0 : i32
      %dma_wait3A_107 = tpu.memref_slice %arg12[%dma_wait3A_105, %dma_wait3A_106] : memref<128x128xf32, #tpu.memory_space<vmem>> -> memref<128x128xf32, #tpu.memory_space<vmem>>
      %dma_wait3A_108 = arith.constant 0 : i32
      %dma_wait3A_109 = tpu.memref_slice %arg15[%add3A_77, %dma_wait3A_108] : memref<10112x128xf32, #tpu.memory_space<vmem_shared>> -> memref<128x128xf32, #tpu.memory_space<vmem_shared>>
      %dma_wait3A_110 = arith.constant 0 : i32
      %dma_wait3A_111 = arith.constant 0 : i32
      %dma_wait3A_112 = tpu.memref_slice %arg12[%dma_wait3A_110, %dma_wait3A_111] : memref<128x128xf32, #tpu.memory_space<vmem>> -> memref<128x128xf32, #tpu.memory_space<vmem>>
      %dma_wait3A_113 = arith.constant 0 : i32
      %dma_wait3A_114 = tpu.memref_slice %arg15[%add3A_77, %dma_wait3A_113] : memref<10112x128xf32, #tpu.memory_space<vmem_shared>> -> memref<128x128xf32, #tpu.memory_space<vmem_shared>>
      tpu.wait_dma2 semaphore(%run_scoped3A_95 : memref<!tpu.dma_semaphore, #tpu.memory_space<semaphore_mem>>) src(%dma_wait3A_114 : memref<128x128xf32, #tpu.memory_space<vmem_shared>>) dst(%dma_wait3A_112 : memref<128x128xf32, #tpu.memory_space<vmem>>)
      tpu.yield
    }) : () -> ()
    %mul3A_78 = arith.constant 10112 : i32
    %mul3A_79 = arith.muli %arg0, %mul3A_78 : i32
    %add3A_80 = arith.addi %mul3A_79, %add3A_77 : i32
    "tpu.region"() ({
      %run_scoped3A_95 = tpu.sem_alloc : memref<!tpu.dma_semaphore, #tpu.memory_space<semaphore_mem>>
      %dma_start3A = arith.constant 0 : i32
      %dma_start3A_96 = arith.constant 0 : i32
      %dma_start3A_97 = tpu.memref_slice %arg12[%dma_start3A, %dma_start3A_96] : memref<128x128xf32, #tpu.memory_space<vmem>> -> memref<128x128xf32, #tpu.memory_space<vmem>>
      %dma_start3A_98 = arith.constant 0 : i32
      %dma_start3A_99 = tpu.memref_slice %arg7[%add3A_80, %dma_start3A_98] : memref<20224x128xf32, #tpu.memory_space<hbm>> -> memref<128x128xf32, #tpu.memory_space<hbm>>
      %dma_start3A_100 = arith.constant 0 : i32
      %dma_start3A_101 = tpu.memref_slice %arg7[%add3A_80, %dma_start3A_100] : memref<20224x128xf32, #tpu.memory_space<hbm>> -> memref<128x128xf32, #tpu.memory_space<hbm>>
      %dma_start3A_102 = arith.constant 0 : i32
      %dma_start3A_103 = arith.constant 0 : i32
      %dma_start3A_104 = tpu.memref_slice %arg12[%dma_start3A_102, %dma_start3A_103] : memref<128x128xf32, #tpu.memory_space<vmem>> -> memref<128x128xf32, #tpu.memory_space<vmem>>
      tpu.enqueue_dma source(%dma_start3A_104 : memref<128x128xf32, #tpu.memory_space<vmem>>) target(%dma_start3A_101 : memref<128x128xf32, #tpu.memory_space<hbm>>) target_semaphore(%run_scoped3A_95 : memref<!tpu.dma_semaphore, #tpu.memory_space<semaphore_mem>>)
      %dma_wait3A_105 = arith.constant 0 : i32
      %dma_wait3A_106 = arith.constant 0 : i32
      %dma_wait3A_107 = tpu.memref_slice %arg12[%dma_wait3A_105, %dma_wait3A_106] : memref<128x128xf32, #tpu.memory_space<vmem>> -> memref<128x128xf32, #tpu.memory_space<vmem>>
      %dma_wait3A_108 = arith.constant 0 : i32
      %dma_wait3A_109 = tpu.memref_slice %arg7[%add3A_80, %dma_wait3A_108] : memref<20224x128xf32, #tpu.memory_space<hbm>> -> memref<128x128xf32, #tpu.memory_space<hbm>>
      %dma_wait3A_110 = arith.constant 0 : i32
      %dma_wait3A_111 = tpu.memref_slice %arg7[%add3A_80, %dma_wait3A_110] : memref<20224x128xf32, #tpu.memory_space<hbm>> -> memref<128x128xf32, #tpu.memory_space<hbm>>
      %dma_wait3A_112 = arith.constant 0 : i32
      %dma_wait3A_113 = arith.constant 0 : i32
      %dma_wait3A_114 = tpu.memref_slice %arg12[%dma_wait3A_112, %dma_wait3A_113] : memref<128x128xf32, #tpu.memory_space<vmem>> -> memref<128x128xf32, #tpu.memory_space<vmem>>
      tpu.wait_dma2 semaphore(%run_scoped3A_95 : memref<!tpu.dma_semaphore, #tpu.memory_space<semaphore_mem>>) src(%dma_wait3A_114 : memref<128x128xf32, #tpu.memory_space<vmem>>) dst(%dma_wait3A_111 : memref<128x128xf32, #tpu.memory_space<hbm>>)
      tpu.yield
    }) : () -> ()
    %mul3A_81 = arith.constant 632 : i32
    %mul3A_82 = arith.muli %arg1, %mul3A_81 : i32
    %add3A_83 = arith.constant 384 : i32
    %add3A_84 = arith.addi %mul3A_82, %add3A_83 : i32
    "tpu.region"() ({
      %run_scoped3A_95 = tpu.sem_alloc : memref<!tpu.dma_semaphore, #tpu.memory_space<semaphore_mem>>
      %dma_start3A = arith.constant 0 : i32
      %dma_start3A_96 = arith.constant 0 : i32
      %dma_start3A_97 = tpu.memref_slice %arg12[%dma_start3A, %dma_start3A_96] : memref<128x128xf32, #tpu.memory_space<vmem>> -> memref<128x128xf32, #tpu.memory_space<vmem>>
      %dma_start3A_98 = arith.constant 0 : i32
      %dma_start3A_99 = tpu.memref_slice %arg15[%add3A_84, %dma_start3A_98] : memref<10112x128xf32, #tpu.memory_space<vmem_shared>> -> memref<128x128xf32, #tpu.memory_space<vmem_shared>>
      %dma_start3A_100 = arith.constant 0 : i32
      %dma_start3A_101 = arith.constant 0 : i32
      %dma_start3A_102 = tpu.memref_slice %arg12[%dma_start3A_100, %dma_start3A_101] : memref<128x128xf32, #tpu.memory_space<vmem>> -> memref<128x128xf32, #tpu.memory_space<vmem>>
      %dma_start3A_103 = arith.constant 0 : i32
      %dma_start3A_104 = tpu.memref_slice %arg15[%add3A_84, %dma_start3A_103] : memref<10112x128xf32, #tpu.memory_space<vmem_shared>> -> memref<128x128xf32, #tpu.memory_space<vmem_shared>>
      tpu.enqueue_dma source(%dma_start3A_104 : memref<128x128xf32, #tpu.memory_space<vmem_shared>>) target(%dma_start3A_102 : memref<128x128xf32, #tpu.memory_space<vmem>>) target_semaphore(%run_scoped3A_95 : memref<!tpu.dma_semaphore, #tpu.memory_space<semaphore_mem>>)
      %dma_wait3A_105 = arith.constant 0 : i32
      %dma_wait3A_106 = arith.constant 0 : i32
      %dma_wait3A_107 = tpu.memref_slice %arg12[%dma_wait3A_105, %dma_wait3A_106] : memref<128x128xf32, #tpu.memory_space<vmem>> -> memref<128x128xf32, #tpu.memory_space<vmem>>
      %dma_wait3A_108 = arith.constant 0 : i32
      %dma_wait3A_109 = tpu.memref_slice %arg15[%add3A_84, %dma_wait3A_108] : memref<10112x128xf32, #tpu.memory_space<vmem_shared>> -> memref<128x128xf32, #tpu.memory_space<vmem_shared>>
      %dma_wait3A_110 = arith.constant 0 : i32
      %dma_wait3A_111 = arith.constant 0 : i32
      %dma_wait3A_112 = tpu.memref_slice %arg12[%dma_wait3A_110, %dma_wait3A_111] : memref<128x128xf32, #tpu.memory_space<vmem>> -> memref<128x128xf32, #tpu.memory_space<vmem>>
      %dma_wait3A_113 = arith.constant 0 : i32
      %dma_wait3A_114 = tpu.memref_slice %arg15[%add3A_84, %dma_wait3A_113] : memref<10112x128xf32, #tpu.memory_space<vmem_shared>> -> memref<128x128xf32, #tpu.memory_space<vmem_shared>>
      tpu.wait_dma2 semaphore(%run_scoped3A_95 : memref<!tpu.dma_semaphore, #tpu.memory_space<semaphore_mem>>) src(%dma_wait3A_114 : memref<128x128xf32, #tpu.memory_space<vmem_shared>>) dst(%dma_wait3A_112 : memref<128x128xf32, #tpu.memory_space<vmem>>)
      tpu.yield
    }) : () -> ()
    %mul3A_85 = arith.constant 10112 : i32
    %mul3A_86 = arith.muli %arg0, %mul3A_85 : i32
    %add3A_87 = arith.addi %mul3A_86, %add3A_84 : i32
    "tpu.region"() ({
      %run_scoped3A_95 = tpu.sem_alloc : memref<!tpu.dma_semaphore, #tpu.memory_space<semaphore_mem>>
      %dma_start3A = arith.constant 0 : i32
      %dma_start3A_96 = arith.constant 0 : i32
      %dma_start3A_97 = tpu.memref_slice %arg12[%dma_start3A, %dma_start3A_96] : memref<128x128xf32, #tpu.memory_space<vmem>> -> memref<128x128xf32, #tpu.memory_space<vmem>>
      %dma_start3A_98 = arith.constant 0 : i32
      %dma_start3A_99 = tpu.memref_slice %arg7[%add3A_87, %dma_start3A_98] : memref<20224x128xf32, #tpu.memory_space<hbm>> -> memref<128x128xf32, #tpu.memory_space<hbm>>
      %dma_start3A_100 = arith.constant 0 : i32
      %dma_start3A_101 = tpu.memref_slice %arg7[%add3A_87, %dma_start3A_100] : memref<20224x128xf32, #tpu.memory_space<hbm>> -> memref<128x128xf32, #tpu.memory_space<hbm>>
      %dma_start3A_102 = arith.constant 0 : i32
      %dma_start3A_103 = arith.constant 0 : i32
      %dma_start3A_104 = tpu.memref_slice %arg12[%dma_start3A_102, %dma_start3A_103] : memref<128x128xf32, #tpu.memory_space<vmem>> -> memref<128x128xf32, #tpu.memory_space<vmem>>
      tpu.enqueue_dma source(%dma_start3A_104 : memref<128x128xf32, #tpu.memory_space<vmem>>) target(%dma_start3A_101 : memref<128x128xf32, #tpu.memory_space<hbm>>) target_semaphore(%run_scoped3A_95 : memref<!tpu.dma_semaphore, #tpu.memory_space<semaphore_mem>>)
      %dma_wait3A_105 = arith.constant 0 : i32
      %dma_wait3A_106 = arith.constant 0 : i32
      %dma_wait3A_107 = tpu.memref_slice %arg12[%dma_wait3A_105, %dma_wait3A_106] : memref<128x128xf32, #tpu.memory_space<vmem>> -> memref<128x128xf32, #tpu.memory_space<vmem>>
      %dma_wait3A_108 = arith.constant 0 : i32
      %dma_wait3A_109 = tpu.memref_slice %arg7[%add3A_87, %dma_wait3A_108] : memref<20224x128xf32, #tpu.memory_space<hbm>> -> memref<128x128xf32, #tpu.memory_space<hbm>>
      %dma_wait3A_110 = arith.constant 0 : i32
      %dma_wait3A_111 = tpu.memref_slice %arg7[%add3A_87, %dma_wait3A_110] : memref<20224x128xf32, #tpu.memory_space<hbm>> -> memref<128x128xf32, #tpu.memory_space<hbm>>
      %dma_wait3A_112 = arith.constant 0 : i32
      %dma_wait3A_113 = arith.constant 0 : i32
      %dma_wait3A_114 = tpu.memref_slice %arg12[%dma_wait3A_112, %dma_wait3A_113] : memref<128x128xf32, #tpu.memory_space<vmem>> -> memref<128x128xf32, #tpu.memory_space<vmem>>
      tpu.wait_dma2 semaphore(%run_scoped3A_95 : memref<!tpu.dma_semaphore, #tpu.memory_space<semaphore_mem>>) src(%dma_wait3A_114 : memref<128x128xf32, #tpu.memory_space<vmem>>) dst(%dma_wait3A_111 : memref<128x128xf32, #tpu.memory_space<hbm>>)
      tpu.yield
    }) : () -> ()
    %mul3A_88 = arith.constant 632 : i32
    %mul3A_89 = arith.muli %arg1, %mul3A_88 : i32
    %add3A_90 = arith.constant 512 : i32
    %add3A_91 = arith.addi %mul3A_89, %add3A_90 : i32
    "tpu.region"() ({
      %run_scoped3A_95 = tpu.sem_alloc : memref<!tpu.dma_semaphore, #tpu.memory_space<semaphore_mem>>
      %dma_start3A = arith.constant 0 : i32
      %dma_start3A_96 = arith.constant 0 : i32
      %dma_start3A_97 = tpu.memref_slice %arg12[%dma_start3A, %dma_start3A_96] : memref<128x128xf32, #tpu.memory_space<vmem>> -> memref<120x128xf32, #tpu.memory_space<vmem>>
      %dma_start3A_98 = arith.constant 0 : i32
      %dma_start3A_99 = tpu.memref_slice %arg15[%add3A_91, %dma_start3A_98] : memref<10112x128xf32, #tpu.memory_space<vmem_shared>> -> memref<120x128xf32, #tpu.memory_space<vmem_shared>>
      %dma_start3A_100 = arith.constant 0 : i32
      %dma_start3A_101 = arith.constant 0 : i32
      %dma_start3A_102 = tpu.memref_slice %arg12[%dma_start3A_100, %dma_start3A_101] : memref<128x128xf32, #tpu.memory_space<vmem>> -> memref<120x128xf32, #tpu.memory_space<vmem>>
      %dma_start3A_103 = arith.constant 0 : i32
      %dma_start3A_104 = tpu.memref_slice %arg15[%add3A_91, %dma_start3A_103] : memref<10112x128xf32, #tpu.memory_space<vmem_shared>> -> memref<120x128xf32, #tpu.memory_space<vmem_shared>>
      tpu.enqueue_dma source(%dma_start3A_104 : memref<120x128xf32, #tpu.memory_space<vmem_shared>>) target(%dma_start3A_102 : memref<120x128xf32, #tpu.memory_space<vmem>>) target_semaphore(%run_scoped3A_95 : memref<!tpu.dma_semaphore, #tpu.memory_space<semaphore_mem>>)
      %dma_wait3A_105 = arith.constant 0 : i32
      %dma_wait3A_106 = arith.constant 0 : i32
      %dma_wait3A_107 = tpu.memref_slice %arg12[%dma_wait3A_105, %dma_wait3A_106] : memref<128x128xf32, #tpu.memory_space<vmem>> -> memref<120x128xf32, #tpu.memory_space<vmem>>
      %dma_wait3A_108 = arith.constant 0 : i32
      %dma_wait3A_109 = tpu.memref_slice %arg15[%add3A_91, %dma_wait3A_108] : memref<10112x128xf32, #tpu.memory_space<vmem_shared>> -> memref<120x128xf32, #tpu.memory_space<vmem_shared>>
      %dma_wait3A_110 = arith.constant 0 : i32
      %dma_wait3A_111 = arith.constant 0 : i32
      %dma_wait3A_112 = tpu.memref_slice %arg12[%dma_wait3A_110, %dma_wait3A_111] : memref<128x128xf32, #tpu.memory_space<vmem>> -> memref<120x128xf32, #tpu.memory_space<vmem>>
      %dma_wait3A_113 = arith.constant 0 : i32
      %dma_wait3A_114 = tpu.memref_slice %arg15[%add3A_91, %dma_wait3A_113] : memref<10112x128xf32, #tpu.memory_space<vmem_shared>> -> memref<120x128xf32, #tpu.memory_space<vmem_shared>>
      tpu.wait_dma2 semaphore(%run_scoped3A_95 : memref<!tpu.dma_semaphore, #tpu.memory_space<semaphore_mem>>) src(%dma_wait3A_114 : memref<120x128xf32, #tpu.memory_space<vmem_shared>>) dst(%dma_wait3A_112 : memref<120x128xf32, #tpu.memory_space<vmem>>)
      tpu.yield
    }) : () -> ()
    %mul3A_92 = arith.constant 10112 : i32
    %mul3A_93 = arith.muli %arg0, %mul3A_92 : i32
    %add3A_94 = arith.addi %mul3A_93, %add3A_91 : i32
    "tpu.region"() ({
      %run_scoped3A_95 = tpu.sem_alloc : memref<!tpu.dma_semaphore, #tpu.memory_space<semaphore_mem>>
      %dma_start3A = arith.constant 0 : i32
      %dma_start3A_96 = arith.constant 0 : i32
      %dma_start3A_97 = tpu.memref_slice %arg12[%dma_start3A, %dma_start3A_96] : memref<128x128xf32, #tpu.memory_space<vmem>> -> memref<120x128xf32, #tpu.memory_space<vmem>>
      %dma_start3A_98 = arith.constant 0 : i32
      %dma_start3A_99 = tpu.memref_slice %arg7[%add3A_94, %dma_start3A_98] : memref<20224x128xf32, #tpu.memory_space<hbm>> -> memref<120x128xf32, #tpu.memory_space<hbm>>
      %dma_start3A_100 = arith.constant 0 : i32
      %dma_start3A_101 = tpu.memref_slice %arg7[%add3A_94, %dma_start3A_100] : memref<20224x128xf32, #tpu.memory_space<hbm>> -> memref<120x128xf32, #tpu.memory_space<hbm>>
      %dma_start3A_102 = arith.constant 0 : i32
      %dma_start3A_103 = arith.constant 0 : i32
      %dma_start3A_104 = tpu.memref_slice %arg12[%dma_start3A_102, %dma_start3A_103] : memref<128x128xf32, #tpu.memory_space<vmem>> -> memref<120x128xf32, #tpu.memory_space<vmem>>
      tpu.enqueue_dma source(%dma_start3A_104 : memref<120x128xf32, #tpu.memory_space<vmem>>) target(%dma_start3A_101 : memref<120x128xf32, #tpu.memory_space<hbm>>) target_semaphore(%run_scoped3A_95 : memref<!tpu.dma_semaphore, #tpu.memory_space<semaphore_mem>>)
      %dma_wait3A_105 = arith.constant 0 : i32
      %dma_wait3A_106 = arith.constant 0 : i32
      %dma_wait3A_107 = tpu.memref_slice %arg12[%dma_wait3A_105, %dma_wait3A_106] : memref<128x128xf32, #tpu.memory_space<vmem>> -> memref<120x128xf32, #tpu.memory_space<vmem>>
      %dma_wait3A_108 = arith.constant 0 : i32
      %dma_wait3A_109 = tpu.memref_slice %arg7[%add3A_94, %dma_wait3A_108] : memref<20224x128xf32, #tpu.memory_space<hbm>> -> memref<120x128xf32, #tpu.memory_space<hbm>>
      %dma_wait3A_110 = arith.constant 0 : i32
      %dma_wait3A_111 = tpu.memref_slice %arg7[%add3A_94, %dma_wait3A_110] : memref<20224x128xf32, #tpu.memory_space<hbm>> -> memref<120x128xf32, #tpu.memory_space<hbm>>
      %dma_wait3A_112 = arith.constant 0 : i32
      %dma_wait3A_113 = arith.constant 0 : i32
      %dma_wait3A_114 = tpu.memref_slice %arg12[%dma_wait3A_112, %dma_wait3A_113] : memref<128x128xf32, #tpu.memory_space<vmem>> -> memref<120x128xf32, #tpu.memory_space<vmem>>
      tpu.wait_dma2 semaphore(%run_scoped3A_95 : memref<!tpu.dma_semaphore, #tpu.memory_space<semaphore_mem>>) src(%dma_wait3A_114 : memref<120x128xf32, #tpu.memory_space<vmem>>) dst(%dma_wait3A_111 : memref<120x128xf32, #tpu.memory_space<hbm>>)
      tpu.yield
    }) : () -> ()
    return
  }
}

#map = affine_map<(d0, d1) -> (0, 0, 0)>
#map1 = affine_map<(d0, d1) -> (0)>
#map2 = affine_map<(d0, d1) -> (0, 0)>
module attributes {stable_mosaic.version = 14 : i64} {
  func.func @sk(%arg0: i32, %arg1: i32, %arg2: memref<2500x128x128xf32, #tpu.memory_space<hbm>>, %arg3: memref<320000xi32, #tpu.memory_space<hbm>>, %arg4: memref<128x128xf32, #tpu.memory_space<hbm>>, %arg5: memref<20224x128xf32, #tpu.memory_space<hbm>>, %arg6: memref<128xi32, #tpu.memory_space<vmem>>, %arg7: memref<128xi32, #tpu.memory_space<vmem>>, %arg8: memref<128x128xf32, #tpu.memory_space<vmem>>, %arg9: memref<128x128xf32, #tpu.memory_space<vmem>>, %arg10: memref<10112x128xf32, #tpu.memory_space<vmem_shared>>, %arg11: memref<!tpu.dma_semaphore, #tpu.memory_space<semaphore_mem>>, %arg12: memref<!tpu.dma_semaphore, #tpu.memory_space<semaphore_mem>>, %arg13: memref<!tpu.dma_semaphore, #tpu.memory_space<semaphore_mem>>, %arg14: memref<!tpu.dma_semaphore, #tpu.memory_space<semaphore_mem>>) attributes {dimension_semantics = [#tpu.dimension_semantics<core_parallel>, #tpu.dimension_semantics<subcore_parallel>], iteration_bounds = array<i64: 2, 16>, scalar_prefetch = 0 : i64, scratch_operands = 9 : i64, tpu.core_type = #tpu.core_type<sc_vector_subcore>, window_params = [{transform_indices = #map}, {transform_indices = #map1}, {transform_indices = #map2}, {transform_indices = #map2}]} {
    %mul3A = arith.constant 16 : i32
    %mul3A_0 = arith.muli %arg0, %mul3A : i32
    %add3A = arith.addi %mul3A_0, %arg1 : i32
    %mul3A_1 = arith.constant 78 : i32
    %mul3A_2 = arith.muli %mul3A_1, %add3A : i32
    %min3A = arith.constant 4 : i32
    %min3A_3 = arith.minsi %add3A, %min3A : i32
    %add3A_4 = arith.addi %mul3A_2, %min3A_3 : i32
    %lt3A = arith.constant 4 : i32
    %lt3A_5 = arith.cmpi slt, %add3A, %lt3A : i32
    %jit3A = arith.constant 1 : i32
    %jit3A_6 = arith.constant 0 : i32
    %select_n3A = arith.select %lt3A_5, %jit3A, %jit3A_6 : i32
    %add3A_7 = arith.constant 78 : i32
    %add3A_8 = arith.addi %add3A_7, %select_n3A : i32
    %min3A_9 = arith.constant 2421 : i32
    %min3A_10 = arith.minsi %add3A_4, %min3A_9 : i32
    %sub3A = arith.subi %add3A_4, %min3A_10 : i32
    "tpu.region"() ({
      %run_scoped3A = tpu.sem_alloc : memref<!tpu.dma_semaphore, #tpu.memory_space<semaphore_mem>>
      tpu.enqueue_dma source(%arg4 : memref<128x128xf32, #tpu.memory_space<hbm>>) target(%arg8 : memref<128x128xf32, #tpu.memory_space<vmem>>) target_semaphore(%run_scoped3A : memref<!tpu.dma_semaphore, #tpu.memory_space<semaphore_mem>>)
      tpu.wait_dma2 semaphore(%run_scoped3A : memref<!tpu.dma_semaphore, #tpu.memory_space<semaphore_mem>>) src(%arg4 : memref<128x128xf32, #tpu.memory_space<hbm>>) dst(%arg8 : memref<128x128xf32, #tpu.memory_space<vmem>>)
      tpu.yield
    }) : () -> ()
    %mul3A_11 = arith.constant 632 : i32
    %mul3A_12 = arith.muli %arg1, %mul3A_11 : i32
    %add3A_13 = arith.constant 0 : i32
    %add3A_14 = arith.addi %mul3A_12, %add3A_13 : i32
    "tpu.region"() ({
      %run_scoped3A = tpu.sem_alloc : memref<!tpu.dma_semaphore, #tpu.memory_space<semaphore_mem>>
      %dma_start3A = arith.constant 0 : i32
      %dma_start3A_74 = arith.constant 0 : i32
      %dma_start3A_75 = tpu.memref_slice %arg8[%dma_start3A, %dma_start3A_74] : memref<128x128xf32, #tpu.memory_space<vmem>> -> memref<128x128xf32, #tpu.memory_space<vmem>>
      %dma_start3A_76 = arith.constant 0 : i32
      %dma_start3A_77 = tpu.memref_slice %arg10[%add3A_14, %dma_start3A_76] : memref<10112x128xf32, #tpu.memory_space<vmem_shared>> -> memref<128x128xf32, #tpu.memory_space<vmem_shared>>
      %dma_start3A_78 = arith.constant 0 : i32
      %dma_start3A_79 = tpu.memref_slice %arg10[%add3A_14, %dma_start3A_78] : memref<10112x128xf32, #tpu.memory_space<vmem_shared>> -> memref<128x128xf32, #tpu.memory_space<vmem_shared>>
      %dma_start3A_80 = arith.constant 0 : i32
      %dma_start3A_81 = arith.constant 0 : i32
      %dma_start3A_82 = tpu.memref_slice %arg8[%dma_start3A_80, %dma_start3A_81] : memref<128x128xf32, #tpu.memory_space<vmem>> -> memref<128x128xf32, #tpu.memory_space<vmem>>
      tpu.enqueue_dma source(%dma_start3A_82 : memref<128x128xf32, #tpu.memory_space<vmem>>) target(%dma_start3A_79 : memref<128x128xf32, #tpu.memory_space<vmem_shared>>) target_semaphore(%run_scoped3A : memref<!tpu.dma_semaphore, #tpu.memory_space<semaphore_mem>>)
      %dma_wait3A = arith.constant 0 : i32
      %dma_wait3A_83 = arith.constant 0 : i32
      %dma_wait3A_84 = tpu.memref_slice %arg8[%dma_wait3A, %dma_wait3A_83] : memref<128x128xf32, #tpu.memory_space<vmem>> -> memref<128x128xf32, #tpu.memory_space<vmem>>
      %dma_wait3A_85 = arith.constant 0 : i32
      %dma_wait3A_86 = tpu.memref_slice %arg10[%add3A_14, %dma_wait3A_85] : memref<10112x128xf32, #tpu.memory_space<vmem_shared>> -> memref<128x128xf32, #tpu.memory_space<vmem_shared>>
      %dma_wait3A_87 = arith.constant 0 : i32
      %dma_wait3A_88 = tpu.memref_slice %arg10[%add3A_14, %dma_wait3A_87] : memref<10112x128xf32, #tpu.memory_space<vmem_shared>> -> memref<128x128xf32, #tpu.memory_space<vmem_shared>>
      %dma_wait3A_89 = arith.constant 0 : i32
      %dma_wait3A_90 = arith.constant 0 : i32
      %dma_wait3A_91 = tpu.memref_slice %arg8[%dma_wait3A_89, %dma_wait3A_90] : memref<128x128xf32, #tpu.memory_space<vmem>> -> memref<128x128xf32, #tpu.memory_space<vmem>>
      tpu.wait_dma2 semaphore(%run_scoped3A : memref<!tpu.dma_semaphore, #tpu.memory_space<semaphore_mem>>) src(%dma_wait3A_91 : memref<128x128xf32, #tpu.memory_space<vmem>>) dst(%dma_wait3A_88 : memref<128x128xf32, #tpu.memory_space<vmem_shared>>)
      tpu.yield
    }) : () -> ()
    %mul3A_15 = arith.constant 632 : i32
    %mul3A_16 = arith.muli %arg1, %mul3A_15 : i32
    %add3A_17 = arith.constant 128 : i32
    %add3A_18 = arith.addi %mul3A_16, %add3A_17 : i32
    "tpu.region"() ({
      %run_scoped3A = tpu.sem_alloc : memref<!tpu.dma_semaphore, #tpu.memory_space<semaphore_mem>>
      %dma_start3A = arith.constant 0 : i32
      %dma_start3A_74 = arith.constant 0 : i32
      %dma_start3A_75 = tpu.memref_slice %arg8[%dma_start3A, %dma_start3A_74] : memref<128x128xf32, #tpu.memory_space<vmem>> -> memref<128x128xf32, #tpu.memory_space<vmem>>
      %dma_start3A_76 = arith.constant 0 : i32
      %dma_start3A_77 = tpu.memref_slice %arg10[%add3A_18, %dma_start3A_76] : memref<10112x128xf32, #tpu.memory_space<vmem_shared>> -> memref<128x128xf32, #tpu.memory_space<vmem_shared>>
      %dma_start3A_78 = arith.constant 0 : i32
      %dma_start3A_79 = tpu.memref_slice %arg10[%add3A_18, %dma_start3A_78] : memref<10112x128xf32, #tpu.memory_space<vmem_shared>> -> memref<128x128xf32, #tpu.memory_space<vmem_shared>>
      %dma_start3A_80 = arith.constant 0 : i32
      %dma_start3A_81 = arith.constant 0 : i32
      %dma_start3A_82 = tpu.memref_slice %arg8[%dma_start3A_80, %dma_start3A_81] : memref<128x128xf32, #tpu.memory_space<vmem>> -> memref<128x128xf32, #tpu.memory_space<vmem>>
      tpu.enqueue_dma source(%dma_start3A_82 : memref<128x128xf32, #tpu.memory_space<vmem>>) target(%dma_start3A_79 : memref<128x128xf32, #tpu.memory_space<vmem_shared>>) target_semaphore(%run_scoped3A : memref<!tpu.dma_semaphore, #tpu.memory_space<semaphore_mem>>)
      %dma_wait3A = arith.constant 0 : i32
      %dma_wait3A_83 = arith.constant 0 : i32
      %dma_wait3A_84 = tpu.memref_slice %arg8[%dma_wait3A, %dma_wait3A_83] : memref<128x128xf32, #tpu.memory_space<vmem>> -> memref<128x128xf32, #tpu.memory_space<vmem>>
      %dma_wait3A_85 = arith.constant 0 : i32
      %dma_wait3A_86 = tpu.memref_slice %arg10[%add3A_18, %dma_wait3A_85] : memref<10112x128xf32, #tpu.memory_space<vmem_shared>> -> memref<128x128xf32, #tpu.memory_space<vmem_shared>>
      %dma_wait3A_87 = arith.constant 0 : i32
      %dma_wait3A_88 = tpu.memref_slice %arg10[%add3A_18, %dma_wait3A_87] : memref<10112x128xf32, #tpu.memory_space<vmem_shared>> -> memref<128x128xf32, #tpu.memory_space<vmem_shared>>
      %dma_wait3A_89 = arith.constant 0 : i32
      %dma_wait3A_90 = arith.constant 0 : i32
      %dma_wait3A_91 = tpu.memref_slice %arg8[%dma_wait3A_89, %dma_wait3A_90] : memref<128x128xf32, #tpu.memory_space<vmem>> -> memref<128x128xf32, #tpu.memory_space<vmem>>
      tpu.wait_dma2 semaphore(%run_scoped3A : memref<!tpu.dma_semaphore, #tpu.memory_space<semaphore_mem>>) src(%dma_wait3A_91 : memref<128x128xf32, #tpu.memory_space<vmem>>) dst(%dma_wait3A_88 : memref<128x128xf32, #tpu.memory_space<vmem_shared>>)
      tpu.yield
    }) : () -> ()
    %mul3A_19 = arith.constant 632 : i32
    %mul3A_20 = arith.muli %arg1, %mul3A_19 : i32
    %add3A_21 = arith.constant 256 : i32
    %add3A_22 = arith.addi %mul3A_20, %add3A_21 : i32
    "tpu.region"() ({
      %run_scoped3A = tpu.sem_alloc : memref<!tpu.dma_semaphore, #tpu.memory_space<semaphore_mem>>
      %dma_start3A = arith.constant 0 : i32
      %dma_start3A_74 = arith.constant 0 : i32
      %dma_start3A_75 = tpu.memref_slice %arg8[%dma_start3A, %dma_start3A_74] : memref<128x128xf32, #tpu.memory_space<vmem>> -> memref<128x128xf32, #tpu.memory_space<vmem>>
      %dma_start3A_76 = arith.constant 0 : i32
      %dma_start3A_77 = tpu.memref_slice %arg10[%add3A_22, %dma_start3A_76] : memref<10112x128xf32, #tpu.memory_space<vmem_shared>> -> memref<128x128xf32, #tpu.memory_space<vmem_shared>>
      %dma_start3A_78 = arith.constant 0 : i32
      %dma_start3A_79 = tpu.memref_slice %arg10[%add3A_22, %dma_start3A_78] : memref<10112x128xf32, #tpu.memory_space<vmem_shared>> -> memref<128x128xf32, #tpu.memory_space<vmem_shared>>
      %dma_start3A_80 = arith.constant 0 : i32
      %dma_start3A_81 = arith.constant 0 : i32
      %dma_start3A_82 = tpu.memref_slice %arg8[%dma_start3A_80, %dma_start3A_81] : memref<128x128xf32, #tpu.memory_space<vmem>> -> memref<128x128xf32, #tpu.memory_space<vmem>>
      tpu.enqueue_dma source(%dma_start3A_82 : memref<128x128xf32, #tpu.memory_space<vmem>>) target(%dma_start3A_79 : memref<128x128xf32, #tpu.memory_space<vmem_shared>>) target_semaphore(%run_scoped3A : memref<!tpu.dma_semaphore, #tpu.memory_space<semaphore_mem>>)
      %dma_wait3A = arith.constant 0 : i32
      %dma_wait3A_83 = arith.constant 0 : i32
      %dma_wait3A_84 = tpu.memref_slice %arg8[%dma_wait3A, %dma_wait3A_83] : memref<128x128xf32, #tpu.memory_space<vmem>> -> memref<128x128xf32, #tpu.memory_space<vmem>>
      %dma_wait3A_85 = arith.constant 0 : i32
      %dma_wait3A_86 = tpu.memref_slice %arg10[%add3A_22, %dma_wait3A_85] : memref<10112x128xf32, #tpu.memory_space<vmem_shared>> -> memref<128x128xf32, #tpu.memory_space<vmem_shared>>
      %dma_wait3A_87 = arith.constant 0 : i32
      %dma_wait3A_88 = tpu.memref_slice %arg10[%add3A_22, %dma_wait3A_87] : memref<10112x128xf32, #tpu.memory_space<vmem_shared>> -> memref<128x128xf32, #tpu.memory_space<vmem_shared>>
      %dma_wait3A_89 = arith.constant 0 : i32
      %dma_wait3A_90 = arith.constant 0 : i32
      %dma_wait3A_91 = tpu.memref_slice %arg8[%dma_wait3A_89, %dma_wait3A_90] : memref<128x128xf32, #tpu.memory_space<vmem>> -> memref<128x128xf32, #tpu.memory_space<vmem>>
      tpu.wait_dma2 semaphore(%run_scoped3A : memref<!tpu.dma_semaphore, #tpu.memory_space<semaphore_mem>>) src(%dma_wait3A_91 : memref<128x128xf32, #tpu.memory_space<vmem>>) dst(%dma_wait3A_88 : memref<128x128xf32, #tpu.memory_space<vmem_shared>>)
      tpu.yield
    }) : () -> ()
    %mul3A_23 = arith.constant 632 : i32
    %mul3A_24 = arith.muli %arg1, %mul3A_23 : i32
    %add3A_25 = arith.constant 384 : i32
    %add3A_26 = arith.addi %mul3A_24, %add3A_25 : i32
    "tpu.region"() ({
      %run_scoped3A = tpu.sem_alloc : memref<!tpu.dma_semaphore, #tpu.memory_space<semaphore_mem>>
      %dma_start3A = arith.constant 0 : i32
      %dma_start3A_74 = arith.constant 0 : i32
      %dma_start3A_75 = tpu.memref_slice %arg8[%dma_start3A, %dma_start3A_74] : memref<128x128xf32, #tpu.memory_space<vmem>> -> memref<128x128xf32, #tpu.memory_space<vmem>>
      %dma_start3A_76 = arith.constant 0 : i32
      %dma_start3A_77 = tpu.memref_slice %arg10[%add3A_26, %dma_start3A_76] : memref<10112x128xf32, #tpu.memory_space<vmem_shared>> -> memref<128x128xf32, #tpu.memory_space<vmem_shared>>
      %dma_start3A_78 = arith.constant 0 : i32
      %dma_start3A_79 = tpu.memref_slice %arg10[%add3A_26, %dma_start3A_78] : memref<10112x128xf32, #tpu.memory_space<vmem_shared>> -> memref<128x128xf32, #tpu.memory_space<vmem_shared>>
      %dma_start3A_80 = arith.constant 0 : i32
      %dma_start3A_81 = arith.constant 0 : i32
      %dma_start3A_82 = tpu.memref_slice %arg8[%dma_start3A_80, %dma_start3A_81] : memref<128x128xf32, #tpu.memory_space<vmem>> -> memref<128x128xf32, #tpu.memory_space<vmem>>
      tpu.enqueue_dma source(%dma_start3A_82 : memref<128x128xf32, #tpu.memory_space<vmem>>) target(%dma_start3A_79 : memref<128x128xf32, #tpu.memory_space<vmem_shared>>) target_semaphore(%run_scoped3A : memref<!tpu.dma_semaphore, #tpu.memory_space<semaphore_mem>>)
      %dma_wait3A = arith.constant 0 : i32
      %dma_wait3A_83 = arith.constant 0 : i32
      %dma_wait3A_84 = tpu.memref_slice %arg8[%dma_wait3A, %dma_wait3A_83] : memref<128x128xf32, #tpu.memory_space<vmem>> -> memref<128x128xf32, #tpu.memory_space<vmem>>
      %dma_wait3A_85 = arith.constant 0 : i32
      %dma_wait3A_86 = tpu.memref_slice %arg10[%add3A_26, %dma_wait3A_85] : memref<10112x128xf32, #tpu.memory_space<vmem_shared>> -> memref<128x128xf32, #tpu.memory_space<vmem_shared>>
      %dma_wait3A_87 = arith.constant 0 : i32
      %dma_wait3A_88 = tpu.memref_slice %arg10[%add3A_26, %dma_wait3A_87] : memref<10112x128xf32, #tpu.memory_space<vmem_shared>> -> memref<128x128xf32, #tpu.memory_space<vmem_shared>>
      %dma_wait3A_89 = arith.constant 0 : i32
      %dma_wait3A_90 = arith.constant 0 : i32
      %dma_wait3A_91 = tpu.memref_slice %arg8[%dma_wait3A_89, %dma_wait3A_90] : memref<128x128xf32, #tpu.memory_space<vmem>> -> memref<128x128xf32, #tpu.memory_space<vmem>>
      tpu.wait_dma2 semaphore(%run_scoped3A : memref<!tpu.dma_semaphore, #tpu.memory_space<semaphore_mem>>) src(%dma_wait3A_91 : memref<128x128xf32, #tpu.memory_space<vmem>>) dst(%dma_wait3A_88 : memref<128x128xf32, #tpu.memory_space<vmem_shared>>)
      tpu.yield
    }) : () -> ()
    %mul3A_27 = arith.constant 632 : i32
    %mul3A_28 = arith.muli %arg1, %mul3A_27 : i32
    %add3A_29 = arith.constant 512 : i32
    %add3A_30 = arith.addi %mul3A_28, %add3A_29 : i32
    "tpu.region"() ({
      %run_scoped3A = tpu.sem_alloc : memref<!tpu.dma_semaphore, #tpu.memory_space<semaphore_mem>>
      %dma_start3A = arith.constant 0 : i32
      %dma_start3A_74 = arith.constant 0 : i32
      %dma_start3A_75 = tpu.memref_slice %arg8[%dma_start3A, %dma_start3A_74] : memref<128x128xf32, #tpu.memory_space<vmem>> -> memref<120x128xf32, #tpu.memory_space<vmem>>
      %dma_start3A_76 = arith.constant 0 : i32
      %dma_start3A_77 = tpu.memref_slice %arg10[%add3A_30, %dma_start3A_76] : memref<10112x128xf32, #tpu.memory_space<vmem_shared>> -> memref<120x128xf32, #tpu.memory_space<vmem_shared>>
      %dma_start3A_78 = arith.constant 0 : i32
      %dma_start3A_79 = tpu.memref_slice %arg10[%add3A_30, %dma_start3A_78] : memref<10112x128xf32, #tpu.memory_space<vmem_shared>> -> memref<120x128xf32, #tpu.memory_space<vmem_shared>>
      %dma_start3A_80 = arith.constant 0 : i32
      %dma_start3A_81 = arith.constant 0 : i32
      %dma_start3A_82 = tpu.memref_slice %arg8[%dma_start3A_80, %dma_start3A_81] : memref<128x128xf32, #tpu.memory_space<vmem>> -> memref<120x128xf32, #tpu.memory_space<vmem>>
      tpu.enqueue_dma source(%dma_start3A_82 : memref<120x128xf32, #tpu.memory_space<vmem>>) target(%dma_start3A_79 : memref<120x128xf32, #tpu.memory_space<vmem_shared>>) target_semaphore(%run_scoped3A : memref<!tpu.dma_semaphore, #tpu.memory_space<semaphore_mem>>)
      %dma_wait3A = arith.constant 0 : i32
      %dma_wait3A_83 = arith.constant 0 : i32
      %dma_wait3A_84 = tpu.memref_slice %arg8[%dma_wait3A, %dma_wait3A_83] : memref<128x128xf32, #tpu.memory_space<vmem>> -> memref<120x128xf32, #tpu.memory_space<vmem>>
      %dma_wait3A_85 = arith.constant 0 : i32
      %dma_wait3A_86 = tpu.memref_slice %arg10[%add3A_30, %dma_wait3A_85] : memref<10112x128xf32, #tpu.memory_space<vmem_shared>> -> memref<120x128xf32, #tpu.memory_space<vmem_shared>>
      %dma_wait3A_87 = arith.constant 0 : i32
      %dma_wait3A_88 = tpu.memref_slice %arg10[%add3A_30, %dma_wait3A_87] : memref<10112x128xf32, #tpu.memory_space<vmem_shared>> -> memref<120x128xf32, #tpu.memory_space<vmem_shared>>
      %dma_wait3A_89 = arith.constant 0 : i32
      %dma_wait3A_90 = arith.constant 0 : i32
      %dma_wait3A_91 = tpu.memref_slice %arg8[%dma_wait3A_89, %dma_wait3A_90] : memref<128x128xf32, #tpu.memory_space<vmem>> -> memref<120x128xf32, #tpu.memory_space<vmem>>
      tpu.wait_dma2 semaphore(%run_scoped3A : memref<!tpu.dma_semaphore, #tpu.memory_space<semaphore_mem>>) src(%dma_wait3A_91 : memref<120x128xf32, #tpu.memory_space<vmem>>) dst(%dma_wait3A_88 : memref<120x128xf32, #tpu.memory_space<vmem_shared>>)
      tpu.yield
    }) : () -> ()
    %barrier3A = arith.constant 0 : index
    tpu.barrier barrier_id(%barrier3A)
    %gt3A = arith.constant 0 : i32
    %gt3A_31 = arith.cmpi sgt, %add3A_8, %gt3A : i32
    %convert_element_type3A = arith.extui %gt3A_31 : i1 to i32
    %cond3A = arith.constant 0 : i32
    %cond3A_32 = arith.cmpi ne, %convert_element_type3A, %cond3A : i32
    scf.if %cond3A_32 {
      %add3A_74 = arith.constant 0 : i32
      %add3A_75 = arith.addi %add3A_4, %add3A_74 : i32
      %dma_start3A = arith.constant 0 : i32
      %dma_start3A_76 = arith.constant 0 : i32
      %dma_start3A_77 = tpu.memref_slice %arg2[%add3A_75, %dma_start3A, %dma_start3A_76] : memref<2500x128x128xf32, #tpu.memory_space<hbm>> -> memref<1x128x128xf32, #tpu.memory_space<hbm>>
      %dma_start3A_78 = tpu.memref_squeeze %dma_start3A_77 : memref<1x128x128xf32, #tpu.memory_space<hbm>> -> memref<128x128xf32, #tpu.memory_space<hbm>>
      %dma_start3A_79 = arith.constant 0 : i32
      %dma_start3A_80 = arith.constant 0 : i32
      %dma_start3A_81 = tpu.memref_slice %arg2[%add3A_75, %dma_start3A_79, %dma_start3A_80] : memref<2500x128x128xf32, #tpu.memory_space<hbm>> -> memref<1x128x128xf32, #tpu.memory_space<hbm>>
      %dma_start3A_82 = tpu.memref_squeeze %dma_start3A_81 : memref<1x128x128xf32, #tpu.memory_space<hbm>> -> memref<128x128xf32, #tpu.memory_space<hbm>>
      tpu.enqueue_dma source(%dma_start3A_82 : memref<128x128xf32, #tpu.memory_space<hbm>>) target(%arg8 : memref<128x128xf32, #tpu.memory_space<vmem>>) target_semaphore(%arg11 : memref<!tpu.dma_semaphore, #tpu.memory_space<semaphore_mem>>)
      %add3A_83 = arith.constant 0 : i32
      %add3A_84 = arith.addi %add3A_4, %add3A_83 : i32
      %mul3A_85 = arith.constant 128 : i32
      %mul3A_86 = arith.muli %add3A_84, %mul3A_85 : i32
      %dma_start3A_87 = tpu.memref_slice %arg3[%mul3A_86] : memref<320000xi32, #tpu.memory_space<hbm>> -> memref<128xi32, #tpu.memory_space<hbm>>
      %dma_start3A_88 = tpu.memref_slice %arg3[%mul3A_86] : memref<320000xi32, #tpu.memory_space<hbm>> -> memref<128xi32, #tpu.memory_space<hbm>>
      tpu.enqueue_dma source(%dma_start3A_88 : memref<128xi32, #tpu.memory_space<hbm>>) target(%arg6 : memref<128xi32, #tpu.memory_space<vmem>>) target_semaphore(%arg13 : memref<!tpu.dma_semaphore, #tpu.memory_space<semaphore_mem>>)
    } else {
    }
    %scan3A = arith.constant 0 : i32
    %scan3A_33 = arith.constant 0 : i32
    %scan3A_34 = arith.constant 40 : i32
    %scan3A_35 = arith.addi %scan3A_33, %scan3A_34 : i32
    %scan3A_36 = arith.constant 1 : i32
    scf.for %scan3A_74 = %scan3A_33 to %scan3A_35 step %scan3A_36  : i32 {
      %mul3A_75 = arith.constant 2 : i32
      %mul3A_76 = arith.muli %mul3A_75, %scan3A_74 : i32
      %add3A_77 = arith.constant 0 : i32
      %add3A_78 = arith.addi %mul3A_76, %add3A_77 : i32
      %lt3A_79 = arith.cmpi slt, %add3A_78, %add3A_8 : i32
      %convert_element_type3A_80 = arith.extui %lt3A_79 : i1 to i32
      %cond3A_81 = arith.constant 0 : i32
      %cond3A_82 = arith.cmpi ne, %convert_element_type3A_80, %cond3A_81 : i32
      scf.if %cond3A_82 {
        %add3A_91 = arith.constant 1 : i32
        %add3A_92 = arith.addi %add3A_78, %add3A_91 : i32
        %lt3A_93 = arith.cmpi slt, %add3A_92, %add3A_8 : i32
        %convert_element_type3A_94 = arith.extui %lt3A_93 : i1 to i32
        %cond3A_95 = arith.constant 0 : i32
        %cond3A_96 = arith.cmpi ne, %convert_element_type3A_94, %cond3A_95 : i32
        scf.if %cond3A_96 {
          %add3A_110 = arith.constant 1 : i32
          %add3A_111 = arith.addi %add3A_78, %add3A_110 : i32
          %add3A_112 = arith.addi %add3A_4, %add3A_111 : i32
          %dma_start3A = arith.constant 0 : i32
          %dma_start3A_113 = arith.constant 0 : i32
          %dma_start3A_114 = tpu.memref_slice %arg2[%add3A_112, %dma_start3A, %dma_start3A_113] : memref<2500x128x128xf32, #tpu.memory_space<hbm>> -> memref<1x128x128xf32, #tpu.memory_space<hbm>>
          %dma_start3A_115 = tpu.memref_squeeze %dma_start3A_114 : memref<1x128x128xf32, #tpu.memory_space<hbm>> -> memref<128x128xf32, #tpu.memory_space<hbm>>
          %dma_start3A_116 = arith.constant 0 : i32
          %dma_start3A_117 = arith.constant 0 : i32
          %dma_start3A_118 = tpu.memref_slice %arg2[%add3A_112, %dma_start3A_116, %dma_start3A_117] : memref<2500x128x128xf32, #tpu.memory_space<hbm>> -> memref<1x128x128xf32, #tpu.memory_space<hbm>>
          %dma_start3A_119 = tpu.memref_squeeze %dma_start3A_118 : memref<1x128x128xf32, #tpu.memory_space<hbm>> -> memref<128x128xf32, #tpu.memory_space<hbm>>
          tpu.enqueue_dma source(%dma_start3A_119 : memref<128x128xf32, #tpu.memory_space<hbm>>) target(%arg9 : memref<128x128xf32, #tpu.memory_space<vmem>>) target_semaphore(%arg12 : memref<!tpu.dma_semaphore, #tpu.memory_space<semaphore_mem>>)
          %add3A_120 = arith.addi %add3A_4, %add3A_111 : i32
          %mul3A_121 = arith.constant 128 : i32
          %mul3A_122 = arith.muli %add3A_120, %mul3A_121 : i32
          %dma_start3A_123 = tpu.memref_slice %arg3[%mul3A_122] : memref<320000xi32, #tpu.memory_space<hbm>> -> memref<128xi32, #tpu.memory_space<hbm>>
          %dma_start3A_124 = tpu.memref_slice %arg3[%mul3A_122] : memref<320000xi32, #tpu.memory_space<hbm>> -> memref<128xi32, #tpu.memory_space<hbm>>
          tpu.enqueue_dma source(%dma_start3A_124 : memref<128xi32, #tpu.memory_space<hbm>>) target(%arg7 : memref<128xi32, #tpu.memory_space<vmem>>) target_semaphore(%arg14 : memref<!tpu.dma_semaphore, #tpu.memory_space<semaphore_mem>>)
        } else {
        }
        %add3A_97 = arith.addi %add3A_4, %add3A_78 : i32
        %dma_wait3A = arith.constant 0 : i32
        %dma_wait3A_98 = arith.constant 0 : i32
        %dma_wait3A_99 = tpu.memref_slice %arg2[%add3A_97, %dma_wait3A, %dma_wait3A_98] : memref<2500x128x128xf32, #tpu.memory_space<hbm>> -> memref<1x128x128xf32, #tpu.memory_space<hbm>>
        %dma_wait3A_100 = tpu.memref_squeeze %dma_wait3A_99 : memref<1x128x128xf32, #tpu.memory_space<hbm>> -> memref<128x128xf32, #tpu.memory_space<hbm>>
        %dma_wait3A_101 = arith.constant 0 : i32
        %dma_wait3A_102 = arith.constant 0 : i32
        %dma_wait3A_103 = tpu.memref_slice %arg2[%add3A_97, %dma_wait3A_101, %dma_wait3A_102] : memref<2500x128x128xf32, #tpu.memory_space<hbm>> -> memref<1x128x128xf32, #tpu.memory_space<hbm>>
        %dma_wait3A_104 = tpu.memref_squeeze %dma_wait3A_103 : memref<1x128x128xf32, #tpu.memory_space<hbm>> -> memref<128x128xf32, #tpu.memory_space<hbm>>
        tpu.wait_dma2 semaphore(%arg11 : memref<!tpu.dma_semaphore, #tpu.memory_space<semaphore_mem>>) src(%dma_wait3A_104 : memref<128x128xf32, #tpu.memory_space<hbm>>) dst(%arg8 : memref<128x128xf32, #tpu.memory_space<vmem>>)
        %add3A_105 = arith.addi %add3A_4, %add3A_78 : i32
        %mul3A_106 = arith.constant 128 : i32
        %mul3A_107 = arith.muli %add3A_105, %mul3A_106 : i32
        %dma_wait3A_108 = tpu.memref_slice %arg3[%mul3A_107] : memref<320000xi32, #tpu.memory_space<hbm>> -> memref<128xi32, #tpu.memory_space<hbm>>
        %dma_wait3A_109 = tpu.memref_slice %arg3[%mul3A_107] : memref<320000xi32, #tpu.memory_space<hbm>> -> memref<128xi32, #tpu.memory_space<hbm>>
        tpu.wait_dma2 semaphore(%arg13 : memref<!tpu.dma_semaphore, #tpu.memory_space<semaphore_mem>>) src(%dma_wait3A_109 : memref<128xi32, #tpu.memory_space<hbm>>) dst(%arg6 : memref<128xi32, #tpu.memory_space<vmem>>)
        "tpu.region"() ({
          %run_scoped3A = tpu.sem_alloc : memref<!tpu.dma_semaphore, #tpu.memory_space<semaphore_mem>>
          %dma_start3A = arith.constant 0 : i32
          %dma_start3A_110 = arith.constant 0 : i32
          %dma_start3A_111 = tpu.memref_slice %arg10[%dma_start3A, %dma_start3A_110] : memref<10112x128xf32, #tpu.memory_space<vmem_shared>> -> memref<10112x128xf32, #tpu.memory_space<vmem_shared>>
          tpu.enqueue_indirect_dma source(%arg8 : memref<128x128xf32, #tpu.memory_space<vmem>>) target(%dma_start3A_111 : memref<10112x128xf32, #tpu.memory_space<vmem_shared>>) offsets(%arg6 : memref<128xi32, #tpu.memory_space<vmem>>) semaphore(%run_scoped3A : memref<!tpu.dma_semaphore, #tpu.memory_space<semaphore_mem>>) {add = true}
          %dma_wait3A_112 = arith.constant 0 : i32
          %dma_wait3A_113 = arith.constant 0 : i32
          %dma_wait3A_114 = tpu.memref_slice %arg10[%dma_wait3A_112, %dma_wait3A_113] : memref<10112x128xf32, #tpu.memory_space<vmem_shared>> -> memref<10112x128xf32, #tpu.memory_space<vmem_shared>>
          tpu.wait_indirect_dma semaphore(%run_scoped3A : memref<!tpu.dma_semaphore, #tpu.memory_space<semaphore_mem>>) src(%arg8 : memref<128x128xf32, #tpu.memory_space<vmem>>) dst(%dma_wait3A_114 : memref<10112x128xf32, #tpu.memory_space<vmem_shared>>)
          tpu.yield
        }) : () -> ()
      } else {
      }
      %mul3A_83 = arith.constant 2 : i32
      %mul3A_84 = arith.muli %mul3A_83, %scan3A_74 : i32
      %add3A_85 = arith.constant 1 : i32
      %add3A_86 = arith.addi %mul3A_84, %add3A_85 : i32
      %lt3A_87 = arith.cmpi slt, %add3A_86, %add3A_8 : i32
      %convert_element_type3A_88 = arith.extui %lt3A_87 : i1 to i32
      %cond3A_89 = arith.constant 0 : i32
      %cond3A_90 = arith.cmpi ne, %convert_element_type3A_88, %cond3A_89 : i32
      scf.if %cond3A_90 {
        %add3A_91 = arith.constant 1 : i32
        %add3A_92 = arith.addi %add3A_86, %add3A_91 : i32
        %lt3A_93 = arith.cmpi slt, %add3A_92, %add3A_8 : i32
        %convert_element_type3A_94 = arith.extui %lt3A_93 : i1 to i32
        %cond3A_95 = arith.constant 0 : i32
        %cond3A_96 = arith.cmpi ne, %convert_element_type3A_94, %cond3A_95 : i32
        scf.if %cond3A_96 {
          %add3A_110 = arith.constant 1 : i32
          %add3A_111 = arith.addi %add3A_86, %add3A_110 : i32
          %add3A_112 = arith.addi %add3A_4, %add3A_111 : i32
          %dma_start3A = arith.constant 0 : i32
          %dma_start3A_113 = arith.constant 0 : i32
          %dma_start3A_114 = tpu.memref_slice %arg2[%add3A_112, %dma_start3A, %dma_start3A_113] : memref<2500x128x128xf32, #tpu.memory_space<hbm>> -> memref<1x128x128xf32, #tpu.memory_space<hbm>>
          %dma_start3A_115 = tpu.memref_squeeze %dma_start3A_114 : memref<1x128x128xf32, #tpu.memory_space<hbm>> -> memref<128x128xf32, #tpu.memory_space<hbm>>
          %dma_start3A_116 = arith.constant 0 : i32
          %dma_start3A_117 = arith.constant 0 : i32
          %dma_start3A_118 = tpu.memref_slice %arg2[%add3A_112, %dma_start3A_116, %dma_start3A_117] : memref<2500x128x128xf32, #tpu.memory_space<hbm>> -> memref<1x128x128xf32, #tpu.memory_space<hbm>>
          %dma_start3A_119 = tpu.memref_squeeze %dma_start3A_118 : memref<1x128x128xf32, #tpu.memory_space<hbm>> -> memref<128x128xf32, #tpu.memory_space<hbm>>
          tpu.enqueue_dma source(%dma_start3A_119 : memref<128x128xf32, #tpu.memory_space<hbm>>) target(%arg8 : memref<128x128xf32, #tpu.memory_space<vmem>>) target_semaphore(%arg11 : memref<!tpu.dma_semaphore, #tpu.memory_space<semaphore_mem>>)
          %add3A_120 = arith.addi %add3A_4, %add3A_111 : i32
          %mul3A_121 = arith.constant 128 : i32
          %mul3A_122 = arith.muli %add3A_120, %mul3A_121 : i32
          %dma_start3A_123 = tpu.memref_slice %arg3[%mul3A_122] : memref<320000xi32, #tpu.memory_space<hbm>> -> memref<128xi32, #tpu.memory_space<hbm>>
          %dma_start3A_124 = tpu.memref_slice %arg3[%mul3A_122] : memref<320000xi32, #tpu.memory_space<hbm>> -> memref<128xi32, #tpu.memory_space<hbm>>
          tpu.enqueue_dma source(%dma_start3A_124 : memref<128xi32, #tpu.memory_space<hbm>>) target(%arg6 : memref<128xi32, #tpu.memory_space<vmem>>) target_semaphore(%arg13 : memref<!tpu.dma_semaphore, #tpu.memory_space<semaphore_mem>>)
        } else {
        }
        %add3A_97 = arith.addi %add3A_4, %add3A_86 : i32
        %dma_wait3A = arith.constant 0 : i32
        %dma_wait3A_98 = arith.constant 0 : i32
        %dma_wait3A_99 = tpu.memref_slice %arg2[%add3A_97, %dma_wait3A, %dma_wait3A_98] : memref<2500x128x128xf32, #tpu.memory_space<hbm>> -> memref<1x128x128xf32, #tpu.memory_space<hbm>>
        %dma_wait3A_100 = tpu.memref_squeeze %dma_wait3A_99 : memref<1x128x128xf32, #tpu.memory_space<hbm>> -> memref<128x128xf32, #tpu.memory_space<hbm>>
        %dma_wait3A_101 = arith.constant 0 : i32
        %dma_wait3A_102 = arith.constant 0 : i32
        %dma_wait3A_103 = tpu.memref_slice %arg2[%add3A_97, %dma_wait3A_101, %dma_wait3A_102] : memref<2500x128x128xf32, #tpu.memory_space<hbm>> -> memref<1x128x128xf32, #tpu.memory_space<hbm>>
        %dma_wait3A_104 = tpu.memref_squeeze %dma_wait3A_103 : memref<1x128x128xf32, #tpu.memory_space<hbm>> -> memref<128x128xf32, #tpu.memory_space<hbm>>
        tpu.wait_dma2 semaphore(%arg12 : memref<!tpu.dma_semaphore, #tpu.memory_space<semaphore_mem>>) src(%dma_wait3A_104 : memref<128x128xf32, #tpu.memory_space<hbm>>) dst(%arg9 : memref<128x128xf32, #tpu.memory_space<vmem>>)
        %add3A_105 = arith.addi %add3A_4, %add3A_86 : i32
        %mul3A_106 = arith.constant 128 : i32
        %mul3A_107 = arith.muli %add3A_105, %mul3A_106 : i32
        %dma_wait3A_108 = tpu.memref_slice %arg3[%mul3A_107] : memref<320000xi32, #tpu.memory_space<hbm>> -> memref<128xi32, #tpu.memory_space<hbm>>
        %dma_wait3A_109 = tpu.memref_slice %arg3[%mul3A_107] : memref<320000xi32, #tpu.memory_space<hbm>> -> memref<128xi32, #tpu.memory_space<hbm>>
        tpu.wait_dma2 semaphore(%arg14 : memref<!tpu.dma_semaphore, #tpu.memory_space<semaphore_mem>>) src(%dma_wait3A_109 : memref<128xi32, #tpu.memory_space<hbm>>) dst(%arg7 : memref<128xi32, #tpu.memory_space<vmem>>)
        "tpu.region"() ({
          %run_scoped3A = tpu.sem_alloc : memref<!tpu.dma_semaphore, #tpu.memory_space<semaphore_mem>>
          %dma_start3A = arith.constant 0 : i32
          %dma_start3A_110 = arith.constant 0 : i32
          %dma_start3A_111 = tpu.memref_slice %arg10[%dma_start3A, %dma_start3A_110] : memref<10112x128xf32, #tpu.memory_space<vmem_shared>> -> memref<10112x128xf32, #tpu.memory_space<vmem_shared>>
          tpu.enqueue_indirect_dma source(%arg9 : memref<128x128xf32, #tpu.memory_space<vmem>>) target(%dma_start3A_111 : memref<10112x128xf32, #tpu.memory_space<vmem_shared>>) offsets(%arg7 : memref<128xi32, #tpu.memory_space<vmem>>) semaphore(%run_scoped3A : memref<!tpu.dma_semaphore, #tpu.memory_space<semaphore_mem>>) {add = true}
          %dma_wait3A_112 = arith.constant 0 : i32
          %dma_wait3A_113 = arith.constant 0 : i32
          %dma_wait3A_114 = tpu.memref_slice %arg10[%dma_wait3A_112, %dma_wait3A_113] : memref<10112x128xf32, #tpu.memory_space<vmem_shared>> -> memref<10112x128xf32, #tpu.memory_space<vmem_shared>>
          tpu.wait_indirect_dma semaphore(%run_scoped3A : memref<!tpu.dma_semaphore, #tpu.memory_space<semaphore_mem>>) src(%arg9 : memref<128x128xf32, #tpu.memory_space<vmem>>) dst(%dma_wait3A_114 : memref<10112x128xf32, #tpu.memory_space<vmem_shared>>)
          tpu.yield
        }) : () -> ()
      } else {
      }
    }
    %scan3A_37 = arith.constant 40 : i32
    %barrier3A_38 = arith.constant 0 : index
    tpu.barrier barrier_id(%barrier3A_38)
    %mul3A_39 = arith.constant 632 : i32
    %mul3A_40 = arith.muli %arg1, %mul3A_39 : i32
    %add3A_41 = arith.constant 0 : i32
    %add3A_42 = arith.addi %mul3A_40, %add3A_41 : i32
    "tpu.region"() ({
      %run_scoped3A = tpu.sem_alloc : memref<!tpu.dma_semaphore, #tpu.memory_space<semaphore_mem>>
      %dma_start3A = arith.constant 0 : i32
      %dma_start3A_74 = arith.constant 0 : i32
      %dma_start3A_75 = tpu.memref_slice %arg8[%dma_start3A, %dma_start3A_74] : memref<128x128xf32, #tpu.memory_space<vmem>> -> memref<128x128xf32, #tpu.memory_space<vmem>>
      %dma_start3A_76 = arith.constant 0 : i32
      %dma_start3A_77 = tpu.memref_slice %arg10[%add3A_42, %dma_start3A_76] : memref<10112x128xf32, #tpu.memory_space<vmem_shared>> -> memref<128x128xf32, #tpu.memory_space<vmem_shared>>
      %dma_start3A_78 = arith.constant 0 : i32
      %dma_start3A_79 = arith.constant 0 : i32
      %dma_start3A_80 = tpu.memref_slice %arg8[%dma_start3A_78, %dma_start3A_79] : memref<128x128xf32, #tpu.memory_space<vmem>> -> memref<128x128xf32, #tpu.memory_space<vmem>>
      %dma_start3A_81 = arith.constant 0 : i32
      %dma_start3A_82 = tpu.memref_slice %arg10[%add3A_42, %dma_start3A_81] : memref<10112x128xf32, #tpu.memory_space<vmem_shared>> -> memref<128x128xf32, #tpu.memory_space<vmem_shared>>
      tpu.enqueue_dma source(%dma_start3A_82 : memref<128x128xf32, #tpu.memory_space<vmem_shared>>) target(%dma_start3A_80 : memref<128x128xf32, #tpu.memory_space<vmem>>) target_semaphore(%run_scoped3A : memref<!tpu.dma_semaphore, #tpu.memory_space<semaphore_mem>>)
      %dma_wait3A = arith.constant 0 : i32
      %dma_wait3A_83 = arith.constant 0 : i32
      %dma_wait3A_84 = tpu.memref_slice %arg8[%dma_wait3A, %dma_wait3A_83] : memref<128x128xf32, #tpu.memory_space<vmem>> -> memref<128x128xf32, #tpu.memory_space<vmem>>
      %dma_wait3A_85 = arith.constant 0 : i32
      %dma_wait3A_86 = tpu.memref_slice %arg10[%add3A_42, %dma_wait3A_85] : memref<10112x128xf32, #tpu.memory_space<vmem_shared>> -> memref<128x128xf32, #tpu.memory_space<vmem_shared>>
      %dma_wait3A_87 = arith.constant 0 : i32
      %dma_wait3A_88 = arith.constant 0 : i32
      %dma_wait3A_89 = tpu.memref_slice %arg8[%dma_wait3A_87, %dma_wait3A_88] : memref<128x128xf32, #tpu.memory_space<vmem>> -> memref<128x128xf32, #tpu.memory_space<vmem>>
      %dma_wait3A_90 = arith.constant 0 : i32
      %dma_wait3A_91 = tpu.memref_slice %arg10[%add3A_42, %dma_wait3A_90] : memref<10112x128xf32, #tpu.memory_space<vmem_shared>> -> memref<128x128xf32, #tpu.memory_space<vmem_shared>>
      tpu.wait_dma2 semaphore(%run_scoped3A : memref<!tpu.dma_semaphore, #tpu.memory_space<semaphore_mem>>) src(%dma_wait3A_91 : memref<128x128xf32, #tpu.memory_space<vmem_shared>>) dst(%dma_wait3A_89 : memref<128x128xf32, #tpu.memory_space<vmem>>)
      tpu.yield
    }) : () -> ()
    %mul3A_43 = arith.constant 10112 : i32
    %mul3A_44 = arith.muli %arg0, %mul3A_43 : i32
    %add3A_45 = arith.addi %mul3A_44, %add3A_42 : i32
    "tpu.region"() ({
      %run_scoped3A = tpu.sem_alloc : memref<!tpu.dma_semaphore, #tpu.memory_space<semaphore_mem>>
      %dma_start3A = arith.constant 0 : i32
      %dma_start3A_74 = arith.constant 0 : i32
      %dma_start3A_75 = tpu.memref_slice %arg8[%dma_start3A, %dma_start3A_74] : memref<128x128xf32, #tpu.memory_space<vmem>> -> memref<128x128xf32, #tpu.memory_space<vmem>>
      %dma_start3A_76 = arith.constant 0 : i32
      %dma_start3A_77 = tpu.memref_slice %arg5[%add3A_45, %dma_start3A_76] : memref<20224x128xf32, #tpu.memory_space<hbm>> -> memref<128x128xf32, #tpu.memory_space<hbm>>
      %dma_start3A_78 = arith.constant 0 : i32
      %dma_start3A_79 = tpu.memref_slice %arg5[%add3A_45, %dma_start3A_78] : memref<20224x128xf32, #tpu.memory_space<hbm>> -> memref<128x128xf32, #tpu.memory_space<hbm>>
      %dma_start3A_80 = arith.constant 0 : i32
      %dma_start3A_81 = arith.constant 0 : i32
      %dma_start3A_82 = tpu.memref_slice %arg8[%dma_start3A_80, %dma_start3A_81] : memref<128x128xf32, #tpu.memory_space<vmem>> -> memref<128x128xf32, #tpu.memory_space<vmem>>
      tpu.enqueue_dma source(%dma_start3A_82 : memref<128x128xf32, #tpu.memory_space<vmem>>) target(%dma_start3A_79 : memref<128x128xf32, #tpu.memory_space<hbm>>) target_semaphore(%run_scoped3A : memref<!tpu.dma_semaphore, #tpu.memory_space<semaphore_mem>>)
      %dma_wait3A = arith.constant 0 : i32
      %dma_wait3A_83 = arith.constant 0 : i32
      %dma_wait3A_84 = tpu.memref_slice %arg8[%dma_wait3A, %dma_wait3A_83] : memref<128x128xf32, #tpu.memory_space<vmem>> -> memref<128x128xf32, #tpu.memory_space<vmem>>
      %dma_wait3A_85 = arith.constant 0 : i32
      %dma_wait3A_86 = tpu.memref_slice %arg5[%add3A_45, %dma_wait3A_85] : memref<20224x128xf32, #tpu.memory_space<hbm>> -> memref<128x128xf32, #tpu.memory_space<hbm>>
      %dma_wait3A_87 = arith.constant 0 : i32
      %dma_wait3A_88 = tpu.memref_slice %arg5[%add3A_45, %dma_wait3A_87] : memref<20224x128xf32, #tpu.memory_space<hbm>> -> memref<128x128xf32, #tpu.memory_space<hbm>>
      %dma_wait3A_89 = arith.constant 0 : i32
      %dma_wait3A_90 = arith.constant 0 : i32
      %dma_wait3A_91 = tpu.memref_slice %arg8[%dma_wait3A_89, %dma_wait3A_90] : memref<128x128xf32, #tpu.memory_space<vmem>> -> memref<128x128xf32, #tpu.memory_space<vmem>>
      tpu.wait_dma2 semaphore(%run_scoped3A : memref<!tpu.dma_semaphore, #tpu.memory_space<semaphore_mem>>) src(%dma_wait3A_91 : memref<128x128xf32, #tpu.memory_space<vmem>>) dst(%dma_wait3A_88 : memref<128x128xf32, #tpu.memory_space<hbm>>)
      tpu.yield
    }) : () -> ()
    %mul3A_46 = arith.constant 632 : i32
    %mul3A_47 = arith.muli %arg1, %mul3A_46 : i32
    %add3A_48 = arith.constant 128 : i32
    %add3A_49 = arith.addi %mul3A_47, %add3A_48 : i32
    "tpu.region"() ({
      %run_scoped3A = tpu.sem_alloc : memref<!tpu.dma_semaphore, #tpu.memory_space<semaphore_mem>>
      %dma_start3A = arith.constant 0 : i32
      %dma_start3A_74 = arith.constant 0 : i32
      %dma_start3A_75 = tpu.memref_slice %arg8[%dma_start3A, %dma_start3A_74] : memref<128x128xf32, #tpu.memory_space<vmem>> -> memref<128x128xf32, #tpu.memory_space<vmem>>
      %dma_start3A_76 = arith.constant 0 : i32
      %dma_start3A_77 = tpu.memref_slice %arg10[%add3A_49, %dma_start3A_76] : memref<10112x128xf32, #tpu.memory_space<vmem_shared>> -> memref<128x128xf32, #tpu.memory_space<vmem_shared>>
      %dma_start3A_78 = arith.constant 0 : i32
      %dma_start3A_79 = arith.constant 0 : i32
      %dma_start3A_80 = tpu.memref_slice %arg8[%dma_start3A_78, %dma_start3A_79] : memref<128x128xf32, #tpu.memory_space<vmem>> -> memref<128x128xf32, #tpu.memory_space<vmem>>
      %dma_start3A_81 = arith.constant 0 : i32
      %dma_start3A_82 = tpu.memref_slice %arg10[%add3A_49, %dma_start3A_81] : memref<10112x128xf32, #tpu.memory_space<vmem_shared>> -> memref<128x128xf32, #tpu.memory_space<vmem_shared>>
      tpu.enqueue_dma source(%dma_start3A_82 : memref<128x128xf32, #tpu.memory_space<vmem_shared>>) target(%dma_start3A_80 : memref<128x128xf32, #tpu.memory_space<vmem>>) target_semaphore(%run_scoped3A : memref<!tpu.dma_semaphore, #tpu.memory_space<semaphore_mem>>)
      %dma_wait3A = arith.constant 0 : i32
      %dma_wait3A_83 = arith.constant 0 : i32
      %dma_wait3A_84 = tpu.memref_slice %arg8[%dma_wait3A, %dma_wait3A_83] : memref<128x128xf32, #tpu.memory_space<vmem>> -> memref<128x128xf32, #tpu.memory_space<vmem>>
      %dma_wait3A_85 = arith.constant 0 : i32
      %dma_wait3A_86 = tpu.memref_slice %arg10[%add3A_49, %dma_wait3A_85] : memref<10112x128xf32, #tpu.memory_space<vmem_shared>> -> memref<128x128xf32, #tpu.memory_space<vmem_shared>>
      %dma_wait3A_87 = arith.constant 0 : i32
      %dma_wait3A_88 = arith.constant 0 : i32
      %dma_wait3A_89 = tpu.memref_slice %arg8[%dma_wait3A_87, %dma_wait3A_88] : memref<128x128xf32, #tpu.memory_space<vmem>> -> memref<128x128xf32, #tpu.memory_space<vmem>>
      %dma_wait3A_90 = arith.constant 0 : i32
      %dma_wait3A_91 = tpu.memref_slice %arg10[%add3A_49, %dma_wait3A_90] : memref<10112x128xf32, #tpu.memory_space<vmem_shared>> -> memref<128x128xf32, #tpu.memory_space<vmem_shared>>
      tpu.wait_dma2 semaphore(%run_scoped3A : memref<!tpu.dma_semaphore, #tpu.memory_space<semaphore_mem>>) src(%dma_wait3A_91 : memref<128x128xf32, #tpu.memory_space<vmem_shared>>) dst(%dma_wait3A_89 : memref<128x128xf32, #tpu.memory_space<vmem>>)
      tpu.yield
    }) : () -> ()
    %mul3A_50 = arith.constant 10112 : i32
    %mul3A_51 = arith.muli %arg0, %mul3A_50 : i32
    %add3A_52 = arith.addi %mul3A_51, %add3A_49 : i32
    "tpu.region"() ({
      %run_scoped3A = tpu.sem_alloc : memref<!tpu.dma_semaphore, #tpu.memory_space<semaphore_mem>>
      %dma_start3A = arith.constant 0 : i32
      %dma_start3A_74 = arith.constant 0 : i32
      %dma_start3A_75 = tpu.memref_slice %arg8[%dma_start3A, %dma_start3A_74] : memref<128x128xf32, #tpu.memory_space<vmem>> -> memref<128x128xf32, #tpu.memory_space<vmem>>
      %dma_start3A_76 = arith.constant 0 : i32
      %dma_start3A_77 = tpu.memref_slice %arg5[%add3A_52, %dma_start3A_76] : memref<20224x128xf32, #tpu.memory_space<hbm>> -> memref<128x128xf32, #tpu.memory_space<hbm>>
      %dma_start3A_78 = arith.constant 0 : i32
      %dma_start3A_79 = tpu.memref_slice %arg5[%add3A_52, %dma_start3A_78] : memref<20224x128xf32, #tpu.memory_space<hbm>> -> memref<128x128xf32, #tpu.memory_space<hbm>>
      %dma_start3A_80 = arith.constant 0 : i32
      %dma_start3A_81 = arith.constant 0 : i32
      %dma_start3A_82 = tpu.memref_slice %arg8[%dma_start3A_80, %dma_start3A_81] : memref<128x128xf32, #tpu.memory_space<vmem>> -> memref<128x128xf32, #tpu.memory_space<vmem>>
      tpu.enqueue_dma source(%dma_start3A_82 : memref<128x128xf32, #tpu.memory_space<vmem>>) target(%dma_start3A_79 : memref<128x128xf32, #tpu.memory_space<hbm>>) target_semaphore(%run_scoped3A : memref<!tpu.dma_semaphore, #tpu.memory_space<semaphore_mem>>)
      %dma_wait3A = arith.constant 0 : i32
      %dma_wait3A_83 = arith.constant 0 : i32
      %dma_wait3A_84 = tpu.memref_slice %arg8[%dma_wait3A, %dma_wait3A_83] : memref<128x128xf32, #tpu.memory_space<vmem>> -> memref<128x128xf32, #tpu.memory_space<vmem>>
      %dma_wait3A_85 = arith.constant 0 : i32
      %dma_wait3A_86 = tpu.memref_slice %arg5[%add3A_52, %dma_wait3A_85] : memref<20224x128xf32, #tpu.memory_space<hbm>> -> memref<128x128xf32, #tpu.memory_space<hbm>>
      %dma_wait3A_87 = arith.constant 0 : i32
      %dma_wait3A_88 = tpu.memref_slice %arg5[%add3A_52, %dma_wait3A_87] : memref<20224x128xf32, #tpu.memory_space<hbm>> -> memref<128x128xf32, #tpu.memory_space<hbm>>
      %dma_wait3A_89 = arith.constant 0 : i32
      %dma_wait3A_90 = arith.constant 0 : i32
      %dma_wait3A_91 = tpu.memref_slice %arg8[%dma_wait3A_89, %dma_wait3A_90] : memref<128x128xf32, #tpu.memory_space<vmem>> -> memref<128x128xf32, #tpu.memory_space<vmem>>
      tpu.wait_dma2 semaphore(%run_scoped3A : memref<!tpu.dma_semaphore, #tpu.memory_space<semaphore_mem>>) src(%dma_wait3A_91 : memref<128x128xf32, #tpu.memory_space<vmem>>) dst(%dma_wait3A_88 : memref<128x128xf32, #tpu.memory_space<hbm>>)
      tpu.yield
    }) : () -> ()
    %mul3A_53 = arith.constant 632 : i32
    %mul3A_54 = arith.muli %arg1, %mul3A_53 : i32
    %add3A_55 = arith.constant 256 : i32
    %add3A_56 = arith.addi %mul3A_54, %add3A_55 : i32
    "tpu.region"() ({
      %run_scoped3A = tpu.sem_alloc : memref<!tpu.dma_semaphore, #tpu.memory_space<semaphore_mem>>
      %dma_start3A = arith.constant 0 : i32
      %dma_start3A_74 = arith.constant 0 : i32
      %dma_start3A_75 = tpu.memref_slice %arg8[%dma_start3A, %dma_start3A_74] : memref<128x128xf32, #tpu.memory_space<vmem>> -> memref<128x128xf32, #tpu.memory_space<vmem>>
      %dma_start3A_76 = arith.constant 0 : i32
      %dma_start3A_77 = tpu.memref_slice %arg10[%add3A_56, %dma_start3A_76] : memref<10112x128xf32, #tpu.memory_space<vmem_shared>> -> memref<128x128xf32, #tpu.memory_space<vmem_shared>>
      %dma_start3A_78 = arith.constant 0 : i32
      %dma_start3A_79 = arith.constant 0 : i32
      %dma_start3A_80 = tpu.memref_slice %arg8[%dma_start3A_78, %dma_start3A_79] : memref<128x128xf32, #tpu.memory_space<vmem>> -> memref<128x128xf32, #tpu.memory_space<vmem>>
      %dma_start3A_81 = arith.constant 0 : i32
      %dma_start3A_82 = tpu.memref_slice %arg10[%add3A_56, %dma_start3A_81] : memref<10112x128xf32, #tpu.memory_space<vmem_shared>> -> memref<128x128xf32, #tpu.memory_space<vmem_shared>>
      tpu.enqueue_dma source(%dma_start3A_82 : memref<128x128xf32, #tpu.memory_space<vmem_shared>>) target(%dma_start3A_80 : memref<128x128xf32, #tpu.memory_space<vmem>>) target_semaphore(%run_scoped3A : memref<!tpu.dma_semaphore, #tpu.memory_space<semaphore_mem>>)
      %dma_wait3A = arith.constant 0 : i32
      %dma_wait3A_83 = arith.constant 0 : i32
      %dma_wait3A_84 = tpu.memref_slice %arg8[%dma_wait3A, %dma_wait3A_83] : memref<128x128xf32, #tpu.memory_space<vmem>> -> memref<128x128xf32, #tpu.memory_space<vmem>>
      %dma_wait3A_85 = arith.constant 0 : i32
      %dma_wait3A_86 = tpu.memref_slice %arg10[%add3A_56, %dma_wait3A_85] : memref<10112x128xf32, #tpu.memory_space<vmem_shared>> -> memref<128x128xf32, #tpu.memory_space<vmem_shared>>
      %dma_wait3A_87 = arith.constant 0 : i32
      %dma_wait3A_88 = arith.constant 0 : i32
      %dma_wait3A_89 = tpu.memref_slice %arg8[%dma_wait3A_87, %dma_wait3A_88] : memref<128x128xf32, #tpu.memory_space<vmem>> -> memref<128x128xf32, #tpu.memory_space<vmem>>
      %dma_wait3A_90 = arith.constant 0 : i32
      %dma_wait3A_91 = tpu.memref_slice %arg10[%add3A_56, %dma_wait3A_90] : memref<10112x128xf32, #tpu.memory_space<vmem_shared>> -> memref<128x128xf32, #tpu.memory_space<vmem_shared>>
      tpu.wait_dma2 semaphore(%run_scoped3A : memref<!tpu.dma_semaphore, #tpu.memory_space<semaphore_mem>>) src(%dma_wait3A_91 : memref<128x128xf32, #tpu.memory_space<vmem_shared>>) dst(%dma_wait3A_89 : memref<128x128xf32, #tpu.memory_space<vmem>>)
      tpu.yield
    }) : () -> ()
    %mul3A_57 = arith.constant 10112 : i32
    %mul3A_58 = arith.muli %arg0, %mul3A_57 : i32
    %add3A_59 = arith.addi %mul3A_58, %add3A_56 : i32
    "tpu.region"() ({
      %run_scoped3A = tpu.sem_alloc : memref<!tpu.dma_semaphore, #tpu.memory_space<semaphore_mem>>
      %dma_start3A = arith.constant 0 : i32
      %dma_start3A_74 = arith.constant 0 : i32
      %dma_start3A_75 = tpu.memref_slice %arg8[%dma_start3A, %dma_start3A_74] : memref<128x128xf32, #tpu.memory_space<vmem>> -> memref<128x128xf32, #tpu.memory_space<vmem>>
      %dma_start3A_76 = arith.constant 0 : i32
      %dma_start3A_77 = tpu.memref_slice %arg5[%add3A_59, %dma_start3A_76] : memref<20224x128xf32, #tpu.memory_space<hbm>> -> memref<128x128xf32, #tpu.memory_space<hbm>>
      %dma_start3A_78 = arith.constant 0 : i32
      %dma_start3A_79 = tpu.memref_slice %arg5[%add3A_59, %dma_start3A_78] : memref<20224x128xf32, #tpu.memory_space<hbm>> -> memref<128x128xf32, #tpu.memory_space<hbm>>
      %dma_start3A_80 = arith.constant 0 : i32
      %dma_start3A_81 = arith.constant 0 : i32
      %dma_start3A_82 = tpu.memref_slice %arg8[%dma_start3A_80, %dma_start3A_81] : memref<128x128xf32, #tpu.memory_space<vmem>> -> memref<128x128xf32, #tpu.memory_space<vmem>>
      tpu.enqueue_dma source(%dma_start3A_82 : memref<128x128xf32, #tpu.memory_space<vmem>>) target(%dma_start3A_79 : memref<128x128xf32, #tpu.memory_space<hbm>>) target_semaphore(%run_scoped3A : memref<!tpu.dma_semaphore, #tpu.memory_space<semaphore_mem>>)
      %dma_wait3A = arith.constant 0 : i32
      %dma_wait3A_83 = arith.constant 0 : i32
      %dma_wait3A_84 = tpu.memref_slice %arg8[%dma_wait3A, %dma_wait3A_83] : memref<128x128xf32, #tpu.memory_space<vmem>> -> memref<128x128xf32, #tpu.memory_space<vmem>>
      %dma_wait3A_85 = arith.constant 0 : i32
      %dma_wait3A_86 = tpu.memref_slice %arg5[%add3A_59, %dma_wait3A_85] : memref<20224x128xf32, #tpu.memory_space<hbm>> -> memref<128x128xf32, #tpu.memory_space<hbm>>
      %dma_wait3A_87 = arith.constant 0 : i32
      %dma_wait3A_88 = tpu.memref_slice %arg5[%add3A_59, %dma_wait3A_87] : memref<20224x128xf32, #tpu.memory_space<hbm>> -> memref<128x128xf32, #tpu.memory_space<hbm>>
      %dma_wait3A_89 = arith.constant 0 : i32
      %dma_wait3A_90 = arith.constant 0 : i32
      %dma_wait3A_91 = tpu.memref_slice %arg8[%dma_wait3A_89, %dma_wait3A_90] : memref<128x128xf32, #tpu.memory_space<vmem>> -> memref<128x128xf32, #tpu.memory_space<vmem>>
      tpu.wait_dma2 semaphore(%run_scoped3A : memref<!tpu.dma_semaphore, #tpu.memory_space<semaphore_mem>>) src(%dma_wait3A_91 : memref<128x128xf32, #tpu.memory_space<vmem>>) dst(%dma_wait3A_88 : memref<128x128xf32, #tpu.memory_space<hbm>>)
      tpu.yield
    }) : () -> ()
    %mul3A_60 = arith.constant 632 : i32
    %mul3A_61 = arith.muli %arg1, %mul3A_60 : i32
    %add3A_62 = arith.constant 384 : i32
    %add3A_63 = arith.addi %mul3A_61, %add3A_62 : i32
    "tpu.region"() ({
      %run_scoped3A = tpu.sem_alloc : memref<!tpu.dma_semaphore, #tpu.memory_space<semaphore_mem>>
      %dma_start3A = arith.constant 0 : i32
      %dma_start3A_74 = arith.constant 0 : i32
      %dma_start3A_75 = tpu.memref_slice %arg8[%dma_start3A, %dma_start3A_74] : memref<128x128xf32, #tpu.memory_space<vmem>> -> memref<128x128xf32, #tpu.memory_space<vmem>>
      %dma_start3A_76 = arith.constant 0 : i32
      %dma_start3A_77 = tpu.memref_slice %arg10[%add3A_63, %dma_start3A_76] : memref<10112x128xf32, #tpu.memory_space<vmem_shared>> -> memref<128x128xf32, #tpu.memory_space<vmem_shared>>
      %dma_start3A_78 = arith.constant 0 : i32
      %dma_start3A_79 = arith.constant 0 : i32
      %dma_start3A_80 = tpu.memref_slice %arg8[%dma_start3A_78, %dma_start3A_79] : memref<128x128xf32, #tpu.memory_space<vmem>> -> memref<128x128xf32, #tpu.memory_space<vmem>>
      %dma_start3A_81 = arith.constant 0 : i32
      %dma_start3A_82 = tpu.memref_slice %arg10[%add3A_63, %dma_start3A_81] : memref<10112x128xf32, #tpu.memory_space<vmem_shared>> -> memref<128x128xf32, #tpu.memory_space<vmem_shared>>
      tpu.enqueue_dma source(%dma_start3A_82 : memref<128x128xf32, #tpu.memory_space<vmem_shared>>) target(%dma_start3A_80 : memref<128x128xf32, #tpu.memory_space<vmem>>) target_semaphore(%run_scoped3A : memref<!tpu.dma_semaphore, #tpu.memory_space<semaphore_mem>>)
      %dma_wait3A = arith.constant 0 : i32
      %dma_wait3A_83 = arith.constant 0 : i32
      %dma_wait3A_84 = tpu.memref_slice %arg8[%dma_wait3A, %dma_wait3A_83] : memref<128x128xf32, #tpu.memory_space<vmem>> -> memref<128x128xf32, #tpu.memory_space<vmem>>
      %dma_wait3A_85 = arith.constant 0 : i32
      %dma_wait3A_86 = tpu.memref_slice %arg10[%add3A_63, %dma_wait3A_85] : memref<10112x128xf32, #tpu.memory_space<vmem_shared>> -> memref<128x128xf32, #tpu.memory_space<vmem_shared>>
      %dma_wait3A_87 = arith.constant 0 : i32
      %dma_wait3A_88 = arith.constant 0 : i32
      %dma_wait3A_89 = tpu.memref_slice %arg8[%dma_wait3A_87, %dma_wait3A_88] : memref<128x128xf32, #tpu.memory_space<vmem>> -> memref<128x128xf32, #tpu.memory_space<vmem>>
      %dma_wait3A_90 = arith.constant 0 : i32
      %dma_wait3A_91 = tpu.memref_slice %arg10[%add3A_63, %dma_wait3A_90] : memref<10112x128xf32, #tpu.memory_space<vmem_shared>> -> memref<128x128xf32, #tpu.memory_space<vmem_shared>>
      tpu.wait_dma2 semaphore(%run_scoped3A : memref<!tpu.dma_semaphore, #tpu.memory_space<semaphore_mem>>) src(%dma_wait3A_91 : memref<128x128xf32, #tpu.memory_space<vmem_shared>>) dst(%dma_wait3A_89 : memref<128x128xf32, #tpu.memory_space<vmem>>)
      tpu.yield
    }) : () -> ()
    %mul3A_64 = arith.constant 10112 : i32
    %mul3A_65 = arith.muli %arg0, %mul3A_64 : i32
    %add3A_66 = arith.addi %mul3A_65, %add3A_63 : i32
    "tpu.region"() ({
      %run_scoped3A = tpu.sem_alloc : memref<!tpu.dma_semaphore, #tpu.memory_space<semaphore_mem>>
      %dma_start3A = arith.constant 0 : i32
      %dma_start3A_74 = arith.constant 0 : i32
      %dma_start3A_75 = tpu.memref_slice %arg8[%dma_start3A, %dma_start3A_74] : memref<128x128xf32, #tpu.memory_space<vmem>> -> memref<128x128xf32, #tpu.memory_space<vmem>>
      %dma_start3A_76 = arith.constant 0 : i32
      %dma_start3A_77 = tpu.memref_slice %arg5[%add3A_66, %dma_start3A_76] : memref<20224x128xf32, #tpu.memory_space<hbm>> -> memref<128x128xf32, #tpu.memory_space<hbm>>
      %dma_start3A_78 = arith.constant 0 : i32
      %dma_start3A_79 = tpu.memref_slice %arg5[%add3A_66, %dma_start3A_78] : memref<20224x128xf32, #tpu.memory_space<hbm>> -> memref<128x128xf32, #tpu.memory_space<hbm>>
      %dma_start3A_80 = arith.constant 0 : i32
      %dma_start3A_81 = arith.constant 0 : i32
      %dma_start3A_82 = tpu.memref_slice %arg8[%dma_start3A_80, %dma_start3A_81] : memref<128x128xf32, #tpu.memory_space<vmem>> -> memref<128x128xf32, #tpu.memory_space<vmem>>
      tpu.enqueue_dma source(%dma_start3A_82 : memref<128x128xf32, #tpu.memory_space<vmem>>) target(%dma_start3A_79 : memref<128x128xf32, #tpu.memory_space<hbm>>) target_semaphore(%run_scoped3A : memref<!tpu.dma_semaphore, #tpu.memory_space<semaphore_mem>>)
      %dma_wait3A = arith.constant 0 : i32
      %dma_wait3A_83 = arith.constant 0 : i32
      %dma_wait3A_84 = tpu.memref_slice %arg8[%dma_wait3A, %dma_wait3A_83] : memref<128x128xf32, #tpu.memory_space<vmem>> -> memref<128x128xf32, #tpu.memory_space<vmem>>
      %dma_wait3A_85 = arith.constant 0 : i32
      %dma_wait3A_86 = tpu.memref_slice %arg5[%add3A_66, %dma_wait3A_85] : memref<20224x128xf32, #tpu.memory_space<hbm>> -> memref<128x128xf32, #tpu.memory_space<hbm>>
      %dma_wait3A_87 = arith.constant 0 : i32
      %dma_wait3A_88 = tpu.memref_slice %arg5[%add3A_66, %dma_wait3A_87] : memref<20224x128xf32, #tpu.memory_space<hbm>> -> memref<128x128xf32, #tpu.memory_space<hbm>>
      %dma_wait3A_89 = arith.constant 0 : i32
      %dma_wait3A_90 = arith.constant 0 : i32
      %dma_wait3A_91 = tpu.memref_slice %arg8[%dma_wait3A_89, %dma_wait3A_90] : memref<128x128xf32, #tpu.memory_space<vmem>> -> memref<128x128xf32, #tpu.memory_space<vmem>>
      tpu.wait_dma2 semaphore(%run_scoped3A : memref<!tpu.dma_semaphore, #tpu.memory_space<semaphore_mem>>) src(%dma_wait3A_91 : memref<128x128xf32, #tpu.memory_space<vmem>>) dst(%dma_wait3A_88 : memref<128x128xf32, #tpu.memory_space<hbm>>)
      tpu.yield
    }) : () -> ()
    %mul3A_67 = arith.constant 632 : i32
    %mul3A_68 = arith.muli %arg1, %mul3A_67 : i32
    %add3A_69 = arith.constant 512 : i32
    %add3A_70 = arith.addi %mul3A_68, %add3A_69 : i32
    "tpu.region"() ({
      %run_scoped3A = tpu.sem_alloc : memref<!tpu.dma_semaphore, #tpu.memory_space<semaphore_mem>>
      %dma_start3A = arith.constant 0 : i32
      %dma_start3A_74 = arith.constant 0 : i32
      %dma_start3A_75 = tpu.memref_slice %arg8[%dma_start3A, %dma_start3A_74] : memref<128x128xf32, #tpu.memory_space<vmem>> -> memref<120x128xf32, #tpu.memory_space<vmem>>
      %dma_start3A_76 = arith.constant 0 : i32
      %dma_start3A_77 = tpu.memref_slice %arg10[%add3A_70, %dma_start3A_76] : memref<10112x128xf32, #tpu.memory_space<vmem_shared>> -> memref<120x128xf32, #tpu.memory_space<vmem_shared>>
      %dma_start3A_78 = arith.constant 0 : i32
      %dma_start3A_79 = arith.constant 0 : i32
      %dma_start3A_80 = tpu.memref_slice %arg8[%dma_start3A_78, %dma_start3A_79] : memref<128x128xf32, #tpu.memory_space<vmem>> -> memref<120x128xf32, #tpu.memory_space<vmem>>
      %dma_start3A_81 = arith.constant 0 : i32
      %dma_start3A_82 = tpu.memref_slice %arg10[%add3A_70, %dma_start3A_81] : memref<10112x128xf32, #tpu.memory_space<vmem_shared>> -> memref<120x128xf32, #tpu.memory_space<vmem_shared>>
      tpu.enqueue_dma source(%dma_start3A_82 : memref<120x128xf32, #tpu.memory_space<vmem_shared>>) target(%dma_start3A_80 : memref<120x128xf32, #tpu.memory_space<vmem>>) target_semaphore(%run_scoped3A : memref<!tpu.dma_semaphore, #tpu.memory_space<semaphore_mem>>)
      %dma_wait3A = arith.constant 0 : i32
      %dma_wait3A_83 = arith.constant 0 : i32
      %dma_wait3A_84 = tpu.memref_slice %arg8[%dma_wait3A, %dma_wait3A_83] : memref<128x128xf32, #tpu.memory_space<vmem>> -> memref<120x128xf32, #tpu.memory_space<vmem>>
      %dma_wait3A_85 = arith.constant 0 : i32
      %dma_wait3A_86 = tpu.memref_slice %arg10[%add3A_70, %dma_wait3A_85] : memref<10112x128xf32, #tpu.memory_space<vmem_shared>> -> memref<120x128xf32, #tpu.memory_space<vmem_shared>>
      %dma_wait3A_87 = arith.constant 0 : i32
      %dma_wait3A_88 = arith.constant 0 : i32
      %dma_wait3A_89 = tpu.memref_slice %arg8[%dma_wait3A_87, %dma_wait3A_88] : memref<128x128xf32, #tpu.memory_space<vmem>> -> memref<120x128xf32, #tpu.memory_space<vmem>>
      %dma_wait3A_90 = arith.constant 0 : i32
      %dma_wait3A_91 = tpu.memref_slice %arg10[%add3A_70, %dma_wait3A_90] : memref<10112x128xf32, #tpu.memory_space<vmem_shared>> -> memref<120x128xf32, #tpu.memory_space<vmem_shared>>
      tpu.wait_dma2 semaphore(%run_scoped3A : memref<!tpu.dma_semaphore, #tpu.memory_space<semaphore_mem>>) src(%dma_wait3A_91 : memref<120x128xf32, #tpu.memory_space<vmem_shared>>) dst(%dma_wait3A_89 : memref<120x128xf32, #tpu.memory_space<vmem>>)
      tpu.yield
    }) : () -> ()
    %mul3A_71 = arith.constant 10112 : i32
    %mul3A_72 = arith.muli %arg0, %mul3A_71 : i32
    %add3A_73 = arith.addi %mul3A_72, %add3A_70 : i32
    "tpu.region"() ({
      %run_scoped3A = tpu.sem_alloc : memref<!tpu.dma_semaphore, #tpu.memory_space<semaphore_mem>>
      %dma_start3A = arith.constant 0 : i32
      %dma_start3A_74 = arith.constant 0 : i32
      %dma_start3A_75 = tpu.memref_slice %arg8[%dma_start3A, %dma_start3A_74] : memref<128x128xf32, #tpu.memory_space<vmem>> -> memref<120x128xf32, #tpu.memory_space<vmem>>
      %dma_start3A_76 = arith.constant 0 : i32
      %dma_start3A_77 = tpu.memref_slice %arg5[%add3A_73, %dma_start3A_76] : memref<20224x128xf32, #tpu.memory_space<hbm>> -> memref<120x128xf32, #tpu.memory_space<hbm>>
      %dma_start3A_78 = arith.constant 0 : i32
      %dma_start3A_79 = tpu.memref_slice %arg5[%add3A_73, %dma_start3A_78] : memref<20224x128xf32, #tpu.memory_space<hbm>> -> memref<120x128xf32, #tpu.memory_space<hbm>>
      %dma_start3A_80 = arith.constant 0 : i32
      %dma_start3A_81 = arith.constant 0 : i32
      %dma_start3A_82 = tpu.memref_slice %arg8[%dma_start3A_80, %dma_start3A_81] : memref<128x128xf32, #tpu.memory_space<vmem>> -> memref<120x128xf32, #tpu.memory_space<vmem>>
      tpu.enqueue_dma source(%dma_start3A_82 : memref<120x128xf32, #tpu.memory_space<vmem>>) target(%dma_start3A_79 : memref<120x128xf32, #tpu.memory_space<hbm>>) target_semaphore(%run_scoped3A : memref<!tpu.dma_semaphore, #tpu.memory_space<semaphore_mem>>)
      %dma_wait3A = arith.constant 0 : i32
      %dma_wait3A_83 = arith.constant 0 : i32
      %dma_wait3A_84 = tpu.memref_slice %arg8[%dma_wait3A, %dma_wait3A_83] : memref<128x128xf32, #tpu.memory_space<vmem>> -> memref<120x128xf32, #tpu.memory_space<vmem>>
      %dma_wait3A_85 = arith.constant 0 : i32
      %dma_wait3A_86 = tpu.memref_slice %arg5[%add3A_73, %dma_wait3A_85] : memref<20224x128xf32, #tpu.memory_space<hbm>> -> memref<120x128xf32, #tpu.memory_space<hbm>>
      %dma_wait3A_87 = arith.constant 0 : i32
      %dma_wait3A_88 = tpu.memref_slice %arg5[%add3A_73, %dma_wait3A_87] : memref<20224x128xf32, #tpu.memory_space<hbm>> -> memref<120x128xf32, #tpu.memory_space<hbm>>
      %dma_wait3A_89 = arith.constant 0 : i32
      %dma_wait3A_90 = arith.constant 0 : i32
      %dma_wait3A_91 = tpu.memref_slice %arg8[%dma_wait3A_89, %dma_wait3A_90] : memref<128x128xf32, #tpu.memory_space<vmem>> -> memref<120x128xf32, #tpu.memory_space<vmem>>
      tpu.wait_dma2 semaphore(%run_scoped3A : memref<!tpu.dma_semaphore, #tpu.memory_space<semaphore_mem>>) src(%dma_wait3A_91 : memref<120x128xf32, #tpu.memory_space<vmem>>) dst(%dma_wait3A_88 : memref<120x128xf32, #tpu.memory_space<hbm>>)
      tpu.yield
    }) : () -> ()
    return
  }
}

module attributes {stable_mosaic.version = 14 : i64} {
  func.func @body(%arg0: i32, %arg1: memref<8000x128xf32, #tpu.memory_space<vmem>>, %arg2: memref<8000x128xf32, #tpu.memory_space<vmem>>, %arg3: memref<128x512xbf16, #tpu.memory_space<vmem>>, %arg4: memref<128x512xbf16, #tpu.memory_space<vmem>>, %arg5: memref<1x512xf32, #tpu.memory_space<vmem>>, %arg6: memref<512x128xbf16, #tpu.memory_space<vmem>>, %arg7: memref<1x128xf32, #tpu.memory_space<vmem>>, %arg8: memref<8000x128xf32, #tpu.memory_space<vmem>>) attributes {dimension_semantics = [#tpu.dimension_semantics<arbitrary>], iteration_bounds = array<i64: 40>, scalar_prefetch = 0 : i64, scratch_operands = 0 : i64, tpu.core_type = #tpu.core_type<tc>, window_params = [{transform_indices = @transform_0, window_bounds = array<i64: 8000, 128>}, {transform_indices = @transform_1, window_bounds = array<i64: 8000, 128>}, {pipeline_mode = #tpu.pipeline_mode<synchronous>, transform_indices = @transform_2, window_bounds = array<i64: 128, 512>}, {pipeline_mode = #tpu.pipeline_mode<synchronous>, transform_indices = @transform_3, window_bounds = array<i64: 128, 512>}, {pipeline_mode = #tpu.pipeline_mode<synchronous>, transform_indices = @transform_4, window_bounds = array<i64: 1, 512>}, {pipeline_mode = #tpu.pipeline_mode<synchronous>, transform_indices = @transform_5, window_bounds = array<i64: 512, 128>}, {pipeline_mode = #tpu.pipeline_mode<synchronous>, transform_indices = @transform_6, window_bounds = array<i64: 1, 128>}, {transform_indices = @transform_7, window_bounds = array<i64: 8000, 128>}]} {
    %get3A = arith.constant 0 : index
    %get3A_0 = arith.constant 0 : index
    %get3A_1 = vector.load %arg1[%get3A, %get3A_0] : memref<8000x128xf32, #tpu.memory_space<vmem>>, vector<8000x128xf32>
    %convert_element_type3A = arith.truncf %get3A_1 : vector<8000x128xf32> to vector<8000x128xbf16>
    %get3A_2 = arith.constant 0 : index
    %get3A_3 = arith.constant 0 : index
    %get3A_4 = vector.load %arg2[%get3A_2, %get3A_3] : memref<8000x128xf32, #tpu.memory_space<vmem>>, vector<8000x128xf32>
    %convert_element_type3A_5 = arith.truncf %get3A_4 : vector<8000x128xf32> to vector<8000x128xbf16>
    %concatenate3A = tpu.concatenate %convert_element_type3A, %convert_element_type3A_5 in 1 : vector<8000x128xbf16>, vector<8000x128xbf16> -> vector<8000x256xbf16>
    %get3A_6 = arith.constant 0 : index
    %get3A_7 = arith.constant 0 : index
    %get3A_8 = vector.load %arg3[%get3A_6, %get3A_7] : memref<128x512xbf16, #tpu.memory_space<vmem>>, vector<128x512xbf16>
    %get3A_9 = arith.constant 0 : index
    %get3A_10 = arith.constant 0 : index
    %get3A_11 = vector.load %arg4[%get3A_9, %get3A_10] : memref<128x512xbf16, #tpu.memory_space<vmem>>, vector<128x512xbf16>
    %concatenate3A_12 = tpu.concatenate %get3A_8, %get3A_11 in 0 : vector<128x512xbf16>, vector<128x512xbf16> -> vector<256x512xbf16>
    %dot_general3A = arith.constant dense<0.000000e+00> : vector<8000x512xf32>
    %dot_general3A_13 = tpu.matmul %concatenate3A, %concatenate3A_12, %dot_general3A {dimension_numbers = #tpu.dot_dimension_numbers<[1], [0], [0], [1], [0, 0, 1, 1], [], []>, transpose_lhs_hint = false} : vector<8000x256xbf16>, vector<256x512xbf16>, vector<8000x512xf32> -> vector<8000x512xf32>
    %get3A_14 = arith.constant 0 : index
    %get3A_15 = arith.constant 0 : index
    %get3A_16 = vector.load %arg5[%get3A_14, %get3A_15] : memref<1x512xf32, #tpu.memory_space<vmem>>, vector<1x512xf32>
    %add3A = vector.broadcast %get3A_16 : vector<1x512xf32> to vector<8000x512xf32>
    %add3A_17 = arith.addf %dot_general3A_13, %add3A : vector<8000x512xf32>
    %max3A = arith.constant 0.000000e+00 : f32
    %max3A_18 = vector.broadcast %max3A : f32 to vector<8000x512xf32>
    %max3A_19 = arith.maximumf %add3A_17, %max3A_18 : vector<8000x512xf32>
    %convert_element_type3A_20 = arith.truncf %max3A_19 : vector<8000x512xf32> to vector<8000x512xbf16>
    %get3A_21 = arith.constant 0 : index
    %get3A_22 = arith.constant 0 : index
    %get3A_23 = vector.load %arg6[%get3A_21, %get3A_22] : memref<512x128xbf16, #tpu.memory_space<vmem>>, vector<512x128xbf16>
    %dot_general3A_24 = arith.constant dense<0.000000e+00> : vector<8000x128xf32>
    %dot_general3A_25 = tpu.matmul %convert_element_type3A_20, %get3A_23, %dot_general3A_24 {dimension_numbers = #tpu.dot_dimension_numbers<[1], [0], [0], [1], [0, 0, 1, 1], [], []>, transpose_lhs_hint = false} : vector<8000x512xbf16>, vector<512x128xbf16>, vector<8000x128xf32> -> vector<8000x128xf32>
    %get3A_26 = arith.constant 0 : index
    %get3A_27 = arith.constant 0 : index
    %get3A_28 = vector.load %arg7[%get3A_26, %get3A_27] : memref<1x128xf32, #tpu.memory_space<vmem>>, vector<1x128xf32>
    %add3A_29 = vector.broadcast %get3A_28 : vector<1x128xf32> to vector<8000x128xf32>
    %add3A_30 = arith.addf %dot_general3A_25, %add3A_29 : vector<8000x128xf32>
    %swap3A = arith.constant 0 : index
    %swap3A_31 = arith.constant 0 : index
    %swap3A_32 = vector.load %arg8[%swap3A, %swap3A_31] : memref<8000x128xf32, #tpu.memory_space<vmem>>, vector<8000x128xf32>
    tpu.vector_store %arg8[%swap3A, %swap3A_31], %add3A_30 {strides = array<i32>} : memref<8000x128xf32, #tpu.memory_space<vmem>>, vector<8000x128xf32>,
    return
  }
  func.func @transform_0(%arg0: i32) -> (i32, i32) {
    %c0_i32 = arith.constant 0 : i32
    %c0_i32_0 = arith.constant 0 : i32
    return %arg0, %c0_i32 : i32, i32
  }
  func.func @transform_1(%arg0: i32) -> (i32, i32) {
    %c0_i32 = arith.constant 0 : i32
    %c0_i32_0 = arith.constant 0 : i32
    return %arg0, %c0_i32 : i32, i32
  }
  func.func @transform_2(%arg0: i32) -> (i32, i32) {
    %c0_i32 = arith.constant 0 : i32
    %c0_i32_0 = arith.constant 0 : i32
    %c0_i32_1 = arith.constant 0 : i32
    return %c0_i32, %c0_i32_0 : i32, i32
  }
  func.func @transform_3(%arg0: i32) -> (i32, i32) {
    %c0_i32 = arith.constant 0 : i32
    %c0_i32_0 = arith.constant 0 : i32
    %c0_i32_1 = arith.constant 0 : i32
    return %c0_i32, %c0_i32_0 : i32, i32
  }
  func.func @transform_4(%arg0: i32) -> (i32, i32) {
    %c0_i32 = arith.constant 0 : i32
    %c0_i32_0 = arith.constant 0 : i32
    %c0_i32_1 = arith.constant 0 : i32
    return %c0_i32, %c0_i32_0 : i32, i32
  }
  func.func @transform_5(%arg0: i32) -> (i32, i32) {
    %c0_i32 = arith.constant 0 : i32
    %c0_i32_0 = arith.constant 0 : i32
    %c0_i32_1 = arith.constant 0 : i32
    return %c0_i32, %c0_i32_0 : i32, i32
  }
  func.func @transform_6(%arg0: i32) -> (i32, i32) {
    %c0_i32 = arith.constant 0 : i32
    %c0_i32_0 = arith.constant 0 : i32
    %c0_i32_1 = arith.constant 0 : i32
    return %c0_i32, %c0_i32_0 : i32, i32
  }
  func.func @transform_7(%arg0: i32) -> (i32, i32) {
    %c0_i32 = arith.constant 0 : i32
    %c0_i32_0 = arith.constant 0 : i32
    return %arg0, %c0_i32 : i32, i32
  }
}

module attributes {stable_mosaic.version = 14 : i64} {
  func.func @body(%arg0: i32, %arg1: memref<1000x128xf32, #tpu.memory_space<vmem>>, %arg2: memref<1000x128xf32, #tpu.memory_space<vmem>>, %arg3: memref<1000x128xf32, #tpu.memory_space<vmem>>, %arg4: memref<1000x128xf32, #tpu.memory_space<vmem>>, %arg5: memref<1000x128xf32, #tpu.memory_space<vmem>>, %arg6: memref<16x64xf32, #tpu.memory_space<vmem>>, %arg7: memref<1x1x1000xi32, #tpu.memory_space<vmem>>, %arg8: memref<128x512xf32, #tpu.memory_space<vmem>>, %arg9: memref<128x512xf32, #tpu.memory_space<vmem>>, %arg10: memref<64x512xf32, #tpu.memory_space<vmem>>, %arg11: memref<1x512xf32, #tpu.memory_space<vmem>>, %arg12: memref<512x128xf32, #tpu.memory_space<vmem>>, %arg13: memref<1x128xf32, #tpu.memory_space<vmem>>, %arg14: memref<1000x128xf32, #tpu.memory_space<vmem>>, %arg15: memref<16x128xf32, #tpu.memory_space<vmem>>, %arg16: memref<16x128xf32, #tpu.memory_space<vmem>>, %arg17: memref<16x128xf32, #tpu.memory_space<vmem>>) attributes {dimension_semantics = [#tpu.dimension_semantics<arbitrary>], iteration_bounds = array<i64: 10>, scalar_prefetch = 0 : i64, scratch_operands = 0 : i64, tpu.core_type = #tpu.core_type<tc>, window_params = [{transform_indices = @transform_0, window_bounds = array<i64: 1000, 128>}, {transform_indices = @transform_1, window_bounds = array<i64: 1000, 128>}, {transform_indices = @transform_2, window_bounds = array<i64: 1000, 128>}, {transform_indices = @transform_3, window_bounds = array<i64: 1000, 128>}, {transform_indices = @transform_4, window_bounds = array<i64: 1000, 128>}, {pipeline_mode = #tpu.pipeline_mode<synchronous>, transform_indices = @transform_5, window_bounds = array<i64: 16, 64>}, {transform_indices = @transform_6, window_bounds = array<i64: 1, 1, 1000>}, {pipeline_mode = #tpu.pipeline_mode<synchronous>, transform_indices = @transform_7, window_bounds = array<i64: 128, 512>}, {pipeline_mode = #tpu.pipeline_mode<synchronous>, transform_indices = @transform_8, window_bounds = array<i64: 128, 512>}, {pipeline_mode = #tpu.pipeline_mode<synchronous>, transform_indices = @transform_9, window_bounds = array<i64: 64, 512>}, {pipeline_mode = #tpu.pipeline_mode<synchronous>, transform_indices = @transform_10, window_bounds = array<i64: 1, 512>}, {pipeline_mode = #tpu.pipeline_mode<synchronous>, transform_indices = @transform_11, window_bounds = array<i64: 512, 128>}, {pipeline_mode = #tpu.pipeline_mode<synchronous>, transform_indices = @transform_12, window_bounds = array<i64: 1, 128>}, {transform_indices = @transform_13, window_bounds = array<i64: 1000, 128>}, {pipeline_mode = #tpu.pipeline_mode<synchronous>, transform_indices = @transform_14, window_bounds = array<i64: 16, 128>}, {pipeline_mode = #tpu.pipeline_mode<synchronous>, transform_indices = @transform_15, window_bounds = array<i64: 16, 128>}, {pipeline_mode = #tpu.pipeline_mode<synchronous>, transform_indices = @transform_16, window_bounds = array<i64: 16, 128>}]} {
    %get3A = arith.constant 0 : index
    %get3A_0 = arith.constant 0 : index
    %get3A_1 = vector.load %arg1[%get3A, %get3A_0] : memref<1000x128xf32, #tpu.memory_space<vmem>>, vector<1000x128xf32>
    %get3A_2 = arith.constant 0 : index
    %get3A_3 = arith.constant 0 : index
    %get3A_4 = vector.load %arg2[%get3A_2, %get3A_3] : memref<1000x128xf32, #tpu.memory_space<vmem>>, vector<1000x128xf32>
    %get3A_5 = arith.constant 0 : index
    %get3A_6 = arith.constant 0 : index
    %get3A_7 = vector.load %arg3[%get3A_5, %get3A_6] : memref<1000x128xf32, #tpu.memory_space<vmem>>, vector<1000x128xf32>
    %add3A = arith.addf %get3A_4, %get3A_7 : vector<1000x128xf32>
    %get3A_8 = arith.constant 0 : index
    %get3A_9 = arith.constant 0 : index
    %get3A_10 = vector.load %arg4[%get3A_8, %get3A_9] : memref<1000x128xf32, #tpu.memory_space<vmem>>, vector<1000x128xf32>
    %get3A_11 = arith.constant 0 : index
    %get3A_12 = arith.constant 0 : index
    %get3A_13 = vector.load %arg5[%get3A_11, %get3A_12] : memref<1000x128xf32, #tpu.memory_space<vmem>>, vector<1000x128xf32>
    %add3A_14 = arith.addf %get3A_10, %get3A_13 : vector<1000x128xf32>
    %reduce_max3A = arith.constant dense<0xFF800000> : vector<1000xf32>
    %reduce_max3A_15 = vector.multi_reduction <maximumf>, %add3A_14, %reduce_max3A [1] : vector<1000x128xf32> to vector<1000xf32>
    %broadcast_in_dim3A = vector.shape_cast %reduce_max3A_15 : vector<1000xf32> to vector<1000x1xf32>
    %jit3A = arith.constant 1.000000e+00 : f32
    %max3A = vector.broadcast %jit3A : f32 to vector<1000x1xf32>
    %max3A_16 = arith.maximumf %max3A, %broadcast_in_dim3A : vector<1000x1xf32>
    %div3A = vector.broadcast %max3A_16 : vector<1000x1xf32> to vector<1000x128xf32>
    %div3A_17 = arith.divf %add3A, %div3A : vector<1000x128xf32>
    %get3A_18 = arith.constant 0 : index
    %get3A_19 = arith.constant 0 : index
    %get3A_20 = arith.constant 0 : index
    %get3A_21 = vector.load %arg7[%get3A_18, %get3A_19, %get3A_20] : memref<1x1x1000xi32, #tpu.memory_space<vmem>>, vector<1x1x1000xi32>
    %get3A_22 = vector.shape_cast %get3A_21 : vector<1x1x1000xi32> to vector<1000xi32>
    %broadcast_in_dim3A_23 = vector.shape_cast %get3A_22 : vector<1000xi32> to vector<1000x1xi32>
    %iota3A = tpu.iota {dimensions = array<i32: 1>} : vector<1000x16xi32>
    %eq3A = vector.broadcast %broadcast_in_dim3A_23 : vector<1000x1xi32> to vector<1000x16xi32>
    %eq3A_24 = arith.cmpi eq, %eq3A, %iota3A : vector<1000x16xi32>
    %convert_element_type3A = arith.extui %eq3A_24 : vector<1000x16xi1> to vector<1000x16xi32>
    %convert_element_type3A_25 = arith.sitofp %convert_element_type3A : vector<1000x16xi32> to vector<1000x16xf32>
    %get3A_26 = arith.constant 0 : index
    %get3A_27 = arith.constant 0 : index
    %get3A_28 = vector.load %arg6[%get3A_26, %get3A_27] : memref<16x64xf32, #tpu.memory_space<vmem>>, vector<16x64xf32>
    %dot_general3A = arith.constant dense<0.000000e+00> : vector<1000x64xf32>
    %dot_general3A_29 = tpu.matmul %convert_element_type3A_25, %get3A_28, %dot_general3A {dimension_numbers = #tpu.dot_dimension_numbers<[1], [0], [0], [1], [0, 0, 1, 1], [], []>, transpose_lhs_hint = false} : vector<1000x16xf32>, vector<16x64xf32>, vector<1000x64xf32> -> vector<1000x64xf32>
    %get3A_30 = arith.constant 0 : index
    %get3A_31 = arith.constant 0 : index
    %get3A_32 = vector.load %arg8[%get3A_30, %get3A_31] : memref<128x512xf32, #tpu.memory_space<vmem>>, vector<128x512xf32>
    %dot_general3A_33 = arith.constant dense<0.000000e+00> : vector<1000x512xf32>
    %dot_general3A_34 = tpu.matmul %get3A_1, %get3A_32, %dot_general3A_33 {dimension_numbers = #tpu.dot_dimension_numbers<[1], [0], [0], [1], [0, 0, 1, 1], [], []>, transpose_lhs_hint = false} : vector<1000x128xf32>, vector<128x512xf32>, vector<1000x512xf32> -> vector<1000x512xf32>
    %get3A_35 = arith.constant 0 : index
    %get3A_36 = arith.constant 0 : index
    %get3A_37 = vector.load %arg9[%get3A_35, %get3A_36] : memref<128x512xf32, #tpu.memory_space<vmem>>, vector<128x512xf32>
    %dot_general3A_38 = arith.constant dense<0.000000e+00> : vector<1000x512xf32>
    %dot_general3A_39 = tpu.matmul %div3A_17, %get3A_37, %dot_general3A_38 {dimension_numbers = #tpu.dot_dimension_numbers<[1], [0], [0], [1], [0, 0, 1, 1], [], []>, transpose_lhs_hint = false} : vector<1000x128xf32>, vector<128x512xf32>, vector<1000x512xf32> -> vector<1000x512xf32>
    %add3A_40 = arith.addf %dot_general3A_34, %dot_general3A_39 : vector<1000x512xf32>
    %get3A_41 = arith.constant 0 : index
    %get3A_42 = arith.constant 0 : index
    %get3A_43 = vector.load %arg10[%get3A_41, %get3A_42] : memref<64x512xf32, #tpu.memory_space<vmem>>, vector<64x512xf32>
    %dot_general3A_44 = arith.constant dense<0.000000e+00> : vector<1000x512xf32>
    %dot_general3A_45 = tpu.matmul %dot_general3A_29, %get3A_43, %dot_general3A_44 {dimension_numbers = #tpu.dot_dimension_numbers<[1], [0], [0], [1], [0, 0, 1, 1], [], []>, transpose_lhs_hint = false} : vector<1000x64xf32>, vector<64x512xf32>, vector<1000x512xf32> -> vector<1000x512xf32>
    %add3A_46 = arith.addf %add3A_40, %dot_general3A_45 : vector<1000x512xf32>
    %get3A_47 = arith.constant 0 : index
    %get3A_48 = arith.constant 0 : index
    %get3A_49 = vector.load %arg11[%get3A_47, %get3A_48] : memref<1x512xf32, #tpu.memory_space<vmem>>, vector<1x512xf32>
    %add3A_50 = vector.broadcast %get3A_49 : vector<1x512xf32> to vector<1000x512xf32>
    %add3A_51 = arith.addf %add3A_46, %add3A_50 : vector<1000x512xf32>
    %max3A_52 = arith.constant 0.000000e+00 : f32
    %max3A_53 = vector.broadcast %max3A_52 : f32 to vector<1000x512xf32>
    %max3A_54 = arith.maximumf %add3A_51, %max3A_53 : vector<1000x512xf32>
    %get3A_55 = arith.constant 0 : index
    %get3A_56 = arith.constant 0 : index
    %get3A_57 = vector.load %arg12[%get3A_55, %get3A_56] : memref<512x128xf32, #tpu.memory_space<vmem>>, vector<512x128xf32>
    %dot_general3A_58 = arith.constant dense<0.000000e+00> : vector<1000x128xf32>
    %dot_general3A_59 = tpu.matmul %max3A_54, %get3A_57, %dot_general3A_58 {dimension_numbers = #tpu.dot_dimension_numbers<[1], [0], [0], [1], [0, 0, 1, 1], [], []>, transpose_lhs_hint = false} : vector<1000x512xf32>, vector<512x128xf32>, vector<1000x128xf32> -> vector<1000x128xf32>
    %get3A_60 = arith.constant 0 : index
    %get3A_61 = arith.constant 0 : index
    %get3A_62 = vector.load %arg13[%get3A_60, %get3A_61] : memref<1x128xf32, #tpu.memory_space<vmem>>, vector<1x128xf32>
    %add3A_63 = vector.broadcast %get3A_62 : vector<1x128xf32> to vector<1000x128xf32>
    %add3A_64 = arith.addf %dot_general3A_59, %add3A_63 : vector<1000x128xf32>
    %add3A_65 = arith.addf %add3A_64, %get3A_1 : vector<1000x128xf32>
    %swap3A = arith.constant 0 : index
    %swap3A_66 = arith.constant 0 : index
    %swap3A_67 = vector.load %arg14[%swap3A, %swap3A_66] : memref<1000x128xf32, #tpu.memory_space<vmem>>, vector<1000x128xf32>
    tpu.vector_store %arg14[%swap3A, %swap3A_66], %add3A_65 {strides = array<i32>} : memref<1000x128xf32, #tpu.memory_space<vmem>>, vector<1000x128xf32>,
    %eq3A_68 = arith.constant 0 : i32
    %eq3A_69 = arith.cmpi eq, %arg0, %eq3A_68 : i32
    %convert_element_type3A_70 = arith.extui %eq3A_69 : i1 to i32
    %cond3A = arith.constant 0 : i32
    %cond3A_71 = arith.cmpi ne, %convert_element_type3A_70, %cond3A : i32
    scf.if %cond3A_71 {
      %broadcast_in_dim3A_101 = arith.constant 0.000000e+00 : f32
      %broadcast_in_dim3A_102 = vector.broadcast %broadcast_in_dim3A_101 : f32 to vector<16x128xf32>
      %swap3A_103 = arith.constant 0 : index
      %swap3A_104 = arith.constant 0 : index
      %swap3A_105 = vector.load %arg15[%swap3A_103, %swap3A_104] : memref<16x128xf32, #tpu.memory_space<vmem>>, vector<16x128xf32>
      tpu.vector_store %arg15[%swap3A_103, %swap3A_104], %broadcast_in_dim3A_102 {strides = array<i32>} : memref<16x128xf32, #tpu.memory_space<vmem>>, vector<16x128xf32>,
      %broadcast_in_dim3A_106 = arith.constant 0.000000e+00 : f32
      %broadcast_in_dim3A_107 = vector.broadcast %broadcast_in_dim3A_106 : f32 to vector<16x128xf32>
      %swap3A_108 = arith.constant 0 : index
      %swap3A_109 = arith.constant 0 : index
      %swap3A_110 = vector.load %arg16[%swap3A_108, %swap3A_109] : memref<16x128xf32, #tpu.memory_space<vmem>>, vector<16x128xf32>
      tpu.vector_store %arg16[%swap3A_108, %swap3A_109], %broadcast_in_dim3A_107 {strides = array<i32>} : memref<16x128xf32, #tpu.memory_space<vmem>>, vector<16x128xf32>,
      %broadcast_in_dim3A_111 = arith.constant 0.000000e+00 : f32
      %broadcast_in_dim3A_112 = vector.broadcast %broadcast_in_dim3A_111 : f32 to vector<16x128xf32>
      %swap3A_113 = arith.constant 0 : index
      %swap3A_114 = arith.constant 0 : index
      %swap3A_115 = vector.load %arg17[%swap3A_113, %swap3A_114] : memref<16x128xf32, #tpu.memory_space<vmem>>, vector<16x128xf32>
      tpu.vector_store %arg17[%swap3A_113, %swap3A_114], %broadcast_in_dim3A_112 {strides = array<i32>} : memref<16x128xf32, #tpu.memory_space<vmem>>, vector<16x128xf32>,
    } else {
    }
    %get3A_72 = arith.constant 0 : index
    %get3A_73 = arith.constant 0 : index
    %get3A_74 = vector.load %arg15[%get3A_72, %get3A_73] : memref<16x128xf32, #tpu.memory_space<vmem>>, vector<16x128xf32>
    %broadcast_in_dim3A_75 = arith.constant 1.000000e+00 : f32
    %broadcast_in_dim3A_76 = vector.broadcast %broadcast_in_dim3A_75 : f32 to vector<1000x128xf32>
    %dot_general3A_77 = arith.constant dense<0.000000e+00> : vector<16x128xf32>
    %dot_general3A_78 = tpu.matmul %convert_element_type3A_25, %broadcast_in_dim3A_76, %dot_general3A_77 {dimension_numbers = #tpu.dot_dimension_numbers<[0], [0], [1], [1], [0, 1, 1, 1], [], []>, transpose_lhs_hint = false} : vector<1000x16xf32>, vector<1000x128xf32>, vector<16x128xf32> -> vector<16x128xf32>
    %add3A_79 = arith.addf %get3A_74, %dot_general3A_78 : vector<16x128xf32>
    %swap3A_80 = arith.constant 0 : index
    %swap3A_81 = arith.constant 0 : index
    %swap3A_82 = vector.load %arg15[%swap3A_80, %swap3A_81] : memref<16x128xf32, #tpu.memory_space<vmem>>, vector<16x128xf32>
    tpu.vector_store %arg15[%swap3A_80, %swap3A_81], %add3A_79 {strides = array<i32>} : memref<16x128xf32, #tpu.memory_space<vmem>>, vector<16x128xf32>,
    %get3A_83 = arith.constant 0 : index
    %get3A_84 = arith.constant 0 : index
    %get3A_85 = vector.load %arg16[%get3A_83, %get3A_84] : memref<16x128xf32, #tpu.memory_space<vmem>>, vector<16x128xf32>
    %dot_general3A_86 = arith.constant dense<0.000000e+00> : vector<16x128xf32>
    %dot_general3A_87 = tpu.matmul %convert_element_type3A_25, %add3A_65, %dot_general3A_86 {dimension_numbers = #tpu.dot_dimension_numbers<[0], [0], [1], [1], [0, 1, 1, 1], [], []>, transpose_lhs_hint = false} : vector<1000x16xf32>, vector<1000x128xf32>, vector<16x128xf32> -> vector<16x128xf32>
    %add3A_88 = arith.addf %get3A_85, %dot_general3A_87 : vector<16x128xf32>
    %swap3A_89 = arith.constant 0 : index
    %swap3A_90 = arith.constant 0 : index
    %swap3A_91 = vector.load %arg16[%swap3A_89, %swap3A_90] : memref<16x128xf32, #tpu.memory_space<vmem>>, vector<16x128xf32>
    tpu.vector_store %arg16[%swap3A_89, %swap3A_90], %add3A_88 {strides = array<i32>} : memref<16x128xf32, #tpu.memory_space<vmem>>, vector<16x128xf32>,
    %get3A_92 = arith.constant 0 : index
    %get3A_93 = arith.constant 0 : index
    %get3A_94 = vector.load %arg17[%get3A_92, %get3A_93] : memref<16x128xf32, #tpu.memory_space<vmem>>, vector<16x128xf32>
    %mul3A = arith.mulf %add3A_65, %add3A_65 : vector<1000x128xf32>
    %dot_general3A_95 = arith.constant dense<0.000000e+00> : vector<16x128xf32>
    %dot_general3A_96 = tpu.matmul %convert_element_type3A_25, %mul3A, %dot_general3A_95 {dimension_numbers = #tpu.dot_dimension_numbers<[0], [0], [1], [1], [0, 1, 1, 1], [], []>, transpose_lhs_hint = false} : vector<1000x16xf32>, vector<1000x128xf32>, vector<16x128xf32> -> vector<16x128xf32>
    %add3A_97 = arith.addf %get3A_94, %dot_general3A_96 : vector<16x128xf32>
    %swap3A_98 = arith.constant 0 : index
    %swap3A_99 = arith.constant 0 : index
    %swap3A_100 = vector.load %arg17[%swap3A_98, %swap3A_99] : memref<16x128xf32, #tpu.memory_space<vmem>>, vector<16x128xf32>
    tpu.vector_store %arg17[%swap3A_98, %swap3A_99], %add3A_97 {strides = array<i32>} : memref<16x128xf32, #tpu.memory_space<vmem>>, vector<16x128xf32>,
    return
  }
  func.func @transform_0(%arg0: i32) -> (i32, i32) {
    %c0_i32 = arith.constant 0 : i32
    %c0_i32_0 = arith.constant 0 : i32
    return %arg0, %c0_i32 : i32, i32
  }
  func.func @transform_1(%arg0: i32) -> (i32, i32) {
    %c0_i32 = arith.constant 0 : i32
    %c0_i32_0 = arith.constant 0 : i32
    return %arg0, %c0_i32 : i32, i32
  }
  func.func @transform_2(%arg0: i32) -> (i32, i32) {
    %c0_i32 = arith.constant 0 : i32
    %c0_i32_0 = arith.constant 0 : i32
    return %arg0, %c0_i32 : i32, i32
  }
  func.func @transform_3(%arg0: i32) -> (i32, i32) {
    %c0_i32 = arith.constant 0 : i32
    %c0_i32_0 = arith.constant 0 : i32
    return %arg0, %c0_i32 : i32, i32
  }
  func.func @transform_4(%arg0: i32) -> (i32, i32) {
    %c0_i32 = arith.constant 0 : i32
    %c0_i32_0 = arith.constant 0 : i32
    return %arg0, %c0_i32 : i32, i32
  }
  func.func @transform_5(%arg0: i32) -> (i32, i32) {
    %c0_i32 = arith.constant 0 : i32
    %c0_i32_0 = arith.constant 0 : i32
    %c0_i32_1 = arith.constant 0 : i32
    return %c0_i32, %c0_i32_0 : i32, i32
  }
  func.func @transform_6(%arg0: i32) -> (i32, i32, i32) {
    %c0_i32 = arith.constant 0 : i32
    %c0_i32_0 = arith.constant 0 : i32
    %c0_i32_1 = arith.constant 0 : i32
    return %arg0, %c0_i32, %c0_i32_0 : i32, i32, i32
  }
  func.func @transform_7(%arg0: i32) -> (i32, i32) {
    %c0_i32 = arith.constant 0 : i32
    %c0_i32_0 = arith.constant 0 : i32
    %c0_i32_1 = arith.constant 0 : i32
    return %c0_i32, %c0_i32_0 : i32, i32
  }
  func.func @transform_8(%arg0: i32) -> (i32, i32) {
    %c0_i32 = arith.constant 0 : i32
    %c0_i32_0 = arith.constant 0 : i32
    %c0_i32_1 = arith.constant 0 : i32
    return %c0_i32, %c0_i32_0 : i32, i32
  }
  func.func @transform_9(%arg0: i32) -> (i32, i32) {
    %c0_i32 = arith.constant 0 : i32
    %c0_i32_0 = arith.constant 0 : i32
    %c0_i32_1 = arith.constant 0 : i32
    return %c0_i32, %c0_i32_0 : i32, i32
  }
  func.func @transform_10(%arg0: i32) -> (i32, i32) {
    %c0_i32 = arith.constant 0 : i32
    %c0_i32_0 = arith.constant 0 : i32
    %c0_i32_1 = arith.constant 0 : i32
    return %c0_i32, %c0_i32_0 : i32, i32
  }
  func.func @transform_11(%arg0: i32) -> (i32, i32) {
    %c0_i32 = arith.constant 0 : i32
    %c0_i32_0 = arith.constant 0 : i32
    %c0_i32_1 = arith.constant 0 : i32
    return %c0_i32, %c0_i32_0 : i32, i32
  }
  func.func @transform_12(%arg0: i32) -> (i32, i32) {
    %c0_i32 = arith.constant 0 : i32
    %c0_i32_0 = arith.constant 0 : i32
    %c0_i32_1 = arith.constant 0 : i32
    return %c0_i32, %c0_i32_0 : i32, i32
  }
  func.func @transform_13(%arg0: i32) -> (i32, i32) {
    %c0_i32 = arith.constant 0 : i32
    %c0_i32_0 = arith.constant 0 : i32
    return %arg0, %c0_i32 : i32, i32
  }
  func.func @transform_14(%arg0: i32) -> (i32, i32) {
    %c0_i32 = arith.constant 0 : i32
    %c0_i32_0 = arith.constant 0 : i32
    %c0_i32_1 = arith.constant 0 : i32
    return %c0_i32, %c0_i32_0 : i32, i32
  }
  func.func @transform_15(%arg0: i32) -> (i32, i32) {
    %c0_i32 = arith.constant 0 : i32
    %c0_i32_0 = arith.constant 0 : i32
    %c0_i32_1 = arith.constant 0 : i32
    return %c0_i32, %c0_i32_0 : i32, i32
  }
  func.func @transform_16(%arg0: i32) -> (i32, i32) {
    %c0_i32 = arith.constant 0 : i32
    %c0_i32_0 = arith.constant 0 : i32
    %c0_i32_1 = arith.constant 0 : i32
    return %c0_i32, %c0_i32_0 : i32, i32
  }
}

module attributes {stable_mosaic.version = 14 : i64} {
  func.func @body(%arg0: i32, %arg1: memref<1000x128xf32, #tpu.memory_space<vmem>>, %arg2: memref<1x1x1000xi32, #tpu.memory_space<vmem>>, %arg3: memref<16x128xf32, #tpu.memory_space<vmem>>, %arg4: memref<16x128xf32, #tpu.memory_space<vmem>>, %arg5: memref<16x128xf32, #tpu.memory_space<vmem>>, %arg6: memref<1x128xf32, #tpu.memory_space<vmem>>, %arg7: memref<1x128xf32, #tpu.memory_space<vmem>>, %arg8: memref<1x128xf32, #tpu.memory_space<vmem>>, %arg9: memref<1000x128xf32, #tpu.memory_space<vmem>>) attributes {dimension_semantics = [#tpu.dimension_semantics<arbitrary>], iteration_bounds = array<i64: 10>, scalar_prefetch = 0 : i64, scratch_operands = 0 : i64, tpu.core_type = #tpu.core_type<tc>, window_params = [{transform_indices = @transform_0, window_bounds = array<i64: 1000, 128>}, {transform_indices = @transform_1, window_bounds = array<i64: 1, 1, 1000>}, {pipeline_mode = #tpu.pipeline_mode<synchronous>, transform_indices = @transform_2, window_bounds = array<i64: 16, 128>}, {pipeline_mode = #tpu.pipeline_mode<synchronous>, transform_indices = @transform_3, window_bounds = array<i64: 16, 128>}, {pipeline_mode = #tpu.pipeline_mode<synchronous>, transform_indices = @transform_4, window_bounds = array<i64: 16, 128>}, {pipeline_mode = #tpu.pipeline_mode<synchronous>, transform_indices = @transform_5, window_bounds = array<i64: 1, 128>}, {pipeline_mode = #tpu.pipeline_mode<synchronous>, transform_indices = @transform_6, window_bounds = array<i64: 1, 128>}, {pipeline_mode = #tpu.pipeline_mode<synchronous>, transform_indices = @transform_7, window_bounds = array<i64: 1, 128>}, {transform_indices = @transform_8, window_bounds = array<i64: 1000, 128>}]} {
    %get3A = arith.constant 0 : index
    %get3A_0 = arith.constant 0 : index
    %get3A_1 = vector.load %arg3[%get3A, %get3A_0] : memref<16x128xf32, #tpu.memory_space<vmem>>, vector<16x128xf32>
    %jit3A = arith.constant 1.000000e+00 : f32
    %max3A = vector.broadcast %jit3A : f32 to vector<16x128xf32>
    %max3A_2 = arith.maximumf %max3A, %get3A_1 : vector<16x128xf32>
    %get3A_3 = arith.constant 0 : index
    %get3A_4 = arith.constant 0 : index
    %get3A_5 = vector.load %arg4[%get3A_3, %get3A_4] : memref<16x128xf32, #tpu.memory_space<vmem>>, vector<16x128xf32>
    %div3A = arith.divf %get3A_5, %max3A_2 : vector<16x128xf32>
    %get3A_6 = arith.constant 0 : index
    %get3A_7 = arith.constant 0 : index
    %get3A_8 = vector.load %arg6[%get3A_6, %get3A_7] : memref<1x128xf32, #tpu.memory_space<vmem>>, vector<1x128xf32>
    %mul3A = vector.broadcast %get3A_8 : vector<1x128xf32> to vector<16x128xf32>
    %mul3A_9 = arith.mulf %mul3A, %div3A : vector<16x128xf32>
    %get3A_10 = arith.constant 0 : index
    %get3A_11 = arith.constant 0 : index
    %get3A_12 = vector.load %arg5[%get3A_10, %get3A_11] : memref<16x128xf32, #tpu.memory_space<vmem>>, vector<16x128xf32>
    %div3A_13 = arith.divf %get3A_12, %max3A_2 : vector<16x128xf32>
    %mul3A_14 = arith.constant 2.000000e+00 : f32
    %mul3A_15 = vector.broadcast %mul3A_14 : f32 to vector<16x128xf32>
    %mul3A_16 = arith.mulf %mul3A_15, %div3A : vector<16x128xf32>
    %sub3A = arith.subf %mul3A_16, %mul3A_9 : vector<16x128xf32>
    %mul3A_17 = arith.mulf %mul3A_9, %sub3A : vector<16x128xf32>
    %sub3A_18 = arith.subf %div3A_13, %mul3A_17 : vector<16x128xf32>
    %get3A_19 = arith.constant 0 : index
    %get3A_20 = arith.constant 0 : index
    %get3A_21 = vector.load %arg7[%get3A_19, %get3A_20] : memref<1x128xf32, #tpu.memory_space<vmem>>, vector<1x128xf32>
    %add3A = arith.constant 9.99999974E-6 : f32
    %add3A_22 = vector.broadcast %add3A : f32 to vector<16x128xf32>
    %add3A_23 = arith.addf %sub3A_18, %add3A_22 : vector<16x128xf32>
    %sqrt3A = math.sqrt %add3A_23 : vector<16x128xf32>
    %div3A_24 = vector.broadcast %get3A_21 : vector<1x128xf32> to vector<16x128xf32>
    %div3A_25 = arith.divf %div3A_24, %sqrt3A : vector<16x128xf32>
    %get3A_26 = arith.constant 0 : index
    %get3A_27 = arith.constant 0 : index
    %get3A_28 = vector.load %arg8[%get3A_26, %get3A_27] : memref<1x128xf32, #tpu.memory_space<vmem>>, vector<1x128xf32>
    %mul3A_29 = arith.mulf %div3A_25, %mul3A_9 : vector<16x128xf32>
    %sub3A_30 = vector.broadcast %get3A_28 : vector<1x128xf32> to vector<16x128xf32>
    %sub3A_31 = arith.subf %sub3A_30, %mul3A_29 : vector<16x128xf32>
    %get3A_32 = arith.constant 0 : index
    %get3A_33 = arith.constant 0 : index
    %get3A_34 = arith.constant 0 : index
    %get3A_35 = vector.load %arg2[%get3A_32, %get3A_33, %get3A_34] : memref<1x1x1000xi32, #tpu.memory_space<vmem>>, vector<1x1x1000xi32>
    %get3A_36 = vector.shape_cast %get3A_35 : vector<1x1x1000xi32> to vector<1000xi32>
    %broadcast_in_dim3A = vector.shape_cast %get3A_36 : vector<1000xi32> to vector<1000x1xi32>
    %iota3A = tpu.iota {dimensions = array<i32: 1>} : vector<1000x16xi32>
    %eq3A = vector.broadcast %broadcast_in_dim3A : vector<1000x1xi32> to vector<1000x16xi32>
    %eq3A_37 = arith.cmpi eq, %eq3A, %iota3A : vector<1000x16xi32>
    %convert_element_type3A = arith.extui %eq3A_37 : vector<1000x16xi1> to vector<1000x16xi32>
    %convert_element_type3A_38 = arith.sitofp %convert_element_type3A : vector<1000x16xi32> to vector<1000x16xf32>
    %dot_general3A = arith.constant dense<0.000000e+00> : vector<1000x128xf32>
    %dot_general3A_39 = tpu.matmul %convert_element_type3A_38, %div3A_25, %dot_general3A {dimension_numbers = #tpu.dot_dimension_numbers<[1], [0], [0], [1], [0, 0, 1, 1], [], []>, transpose_lhs_hint = false} : vector<1000x16xf32>, vector<16x128xf32>, vector<1000x128xf32> -> vector<1000x128xf32>
    %get3A_40 = arith.constant 0 : index
    %get3A_41 = arith.constant 0 : index
    %get3A_42 = vector.load %arg1[%get3A_40, %get3A_41] : memref<1000x128xf32, #tpu.memory_space<vmem>>, vector<1000x128xf32>
    %mul3A_43 = arith.mulf %dot_general3A_39, %get3A_42 : vector<1000x128xf32>
    %dot_general3A_44 = arith.constant dense<0.000000e+00> : vector<1000x128xf32>
    %dot_general3A_45 = tpu.matmul %convert_element_type3A_38, %sub3A_31, %dot_general3A_44 {dimension_numbers = #tpu.dot_dimension_numbers<[1], [0], [0], [1], [0, 0, 1, 1], [], []>, transpose_lhs_hint = false} : vector<1000x16xf32>, vector<16x128xf32>, vector<1000x128xf32> -> vector<1000x128xf32>
    %add3A_46 = arith.addf %mul3A_43, %dot_general3A_45 : vector<1000x128xf32>
    %swap3A = arith.constant 0 : index
    %swap3A_47 = arith.constant 0 : index
    %swap3A_48 = vector.load %arg9[%swap3A, %swap3A_47] : memref<1000x128xf32, #tpu.memory_space<vmem>>, vector<1000x128xf32>
    tpu.vector_store %arg9[%swap3A, %swap3A_47], %add3A_46 {strides = array<i32>} : memref<1000x128xf32, #tpu.memory_space<vmem>>, vector<1000x128xf32>,
    return
  }
  func.func @transform_0(%arg0: i32) -> (i32, i32) {
    %c0_i32 = arith.constant 0 : i32
    %c0_i32_0 = arith.constant 0 : i32
    return %arg0, %c0_i32 : i32, i32
  }
  func.func @transform_1(%arg0: i32) -> (i32, i32, i32) {
    %c0_i32 = arith.constant 0 : i32
    %c0_i32_0 = arith.constant 0 : i32
    %c0_i32_1 = arith.constant 0 : i32
    return %arg0, %c0_i32, %c0_i32_0 : i32, i32, i32
  }
  func.func @transform_2(%arg0: i32) -> (i32, i32) {
    %c0_i32 = arith.constant 0 : i32
    %c0_i32_0 = arith.constant 0 : i32
    %c0_i32_1 = arith.constant 0 : i32
    return %c0_i32, %c0_i32_0 : i32, i32
  }
  func.func @transform_3(%arg0: i32) -> (i32, i32) {
    %c0_i32 = arith.constant 0 : i32
    %c0_i32_0 = arith.constant 0 : i32
    %c0_i32_1 = arith.constant 0 : i32
    return %c0_i32, %c0_i32_0 : i32, i32
  }
  func.func @transform_4(%arg0: i32) -> (i32, i32) {
    %c0_i32 = arith.constant 0 : i32
    %c0_i32_0 = arith.constant 0 : i32
    %c0_i32_1 = arith.constant 0 : i32
    return %c0_i32, %c0_i32_0 : i32, i32
  }
  func.func @transform_5(%arg0: i32) -> (i32, i32) {
    %c0_i32 = arith.constant 0 : i32
    %c0_i32_0 = arith.constant 0 : i32
    %c0_i32_1 = arith.constant 0 : i32
    return %c0_i32, %c0_i32_0 : i32, i32
  }
  func.func @transform_6(%arg0: i32) -> (i32, i32) {
    %c0_i32 = arith.constant 0 : i32
    %c0_i32_0 = arith.constant 0 : i32
    %c0_i32_1 = arith.constant 0 : i32
    return %c0_i32, %c0_i32_0 : i32, i32
  }
  func.func @transform_7(%arg0: i32) -> (i32, i32) {
    %c0_i32 = arith.constant 0 : i32
    %c0_i32_0 = arith.constant 0 : i32
    %c0_i32_1 = arith.constant 0 : i32
    return %c0_i32, %c0_i32_0 : i32, i32
  }
  func.func @transform_8(%arg0: i32) -> (i32, i32) {
    %c0_i32 = arith.constant 0 : i32
    %c0_i32_0 = arith.constant 0 : i32
    return %arg0, %c0_i32 : i32, i32
  }
}

</mosaic_0001>

<sc_bundles>
// kernel: kernel.10.cloned.1.call-start
scs
__scs_entry_jumppad:
0x0: {  	(pc) =	sbr.rel $0x88, $3  }
0x1: {  	(tag) =	ssettag $0x0;
	lr =	simm.s32 $0x1  }
0x2: {  	[smem:$0x3F91] =	sst lr;
	_ =	strace $0xD0000000  }
0x3: {  	_ = 	snop  }
0x4: {  	_ = 	snop  }
0x5: {  	_ = 	snop  }
0x6: {  	_ = 	snop  }
0x7: {  	_ = 	snop  }
__scs_overlays_trampoline_lowered:
0x8: {  	[smem:$0x3FA0] =	sst s0  }
0x9: {  	[smem:$0x3FA1] =	sst s1  }
0xa: {  	[smem:$0x3FA2] =	sst s2  }
0xb: {  	[smem:$0x3FA3] =	sst s3  }
0xc: {  	[smem:$0x3FA4] =	sst s4  }
0xd: {  	[smem:$0x3FA5] =	sst s5  }
0xe: {  	[smem:$0x3FA6] =	sst s6  }
0xf: {  	[smem:$0x3FA7] =	sst s7  }
0x10: {  	[smem:$0x3FA8] =	sst s8  }
0x11: {  	[smem:$0x3FA9] =	sst s9;
	s0 =	simm.s32 @!p0 $0x0  }
0x12: {  	s1 =	sld [smem:$0x3F8F];
	s0 =	simm.s32 @p0 $0x1  }
0x13: {  	[smem:$0x3FAA] =	sst s0;
	s0 =	simm.s32 @!p1 $0x0  }
0x14: {  	s2 =	sld [smem:$0x3F8E];
	s0 =	simm.s32 @p1 $0x1  }
0x15: {  	[smem:$0x3FAB] =	sst s0;
	s0 =	simm.s32 @!p2 $0x0  }
0x16: {  	s3 =	sld [smem:$0x3FDB];
	s0 =	simm.s32 @p2 $0x1  }
0x17: {  	s4 =	simm.s32 $0x1BF5;
	[smem:$0x3FAD] =	sst s0  }
0x18: {  	s0 =	sld [smem:$0x3F90];
	_ =	swait.ge [sflag:s4], $0x0  }
0x19: {  	s7 =	sld [smem:$0x3F91]  }
0x1a: {  	s8 =	sadd.s32 $0xFFFFE003, lr  }
0x1b: {  	s9 =	sadd.s32 $0xFFFFFEF7, lr;
	s5 =	simm.s32 $0xFFFFFFFF;
	p2 =	slt.u32 s8, $0xFFFFF086  }
0x1c: {  	p1 =	slt.u32 s9, $0xF7A;
	s5 =	simm.s32 @!p2 $0x0  }
0x1d: {  	s5 =	simm.s32 @p1 $0x1;
	p0 =	seq.s32 s7, s2  }
0x1e: {  	s7 =	smul.u32 @!p0 $0xF7A, s2;
	p2 =	seq.s32 @!p0 s5, $0x0  }
0x1f: {  	s9 =	smul.u32 $0xF7A, s1;
	s8 =	simm.s32 @!p0 $0x1BF5;
	p2 =	por !p2, p0  }
0x20: {  	[sflag:s8] =	ssyncset.s32 @!p0 $0xFFFFF086;
	s6 =	sadd.s32 @!p0 s3, s7;
	s7 =	simm.s32 @!p0 $0x108  }
0x21: {  	s3 =	sadd.s32 s3, s9;
	s6 =	sadd.s32 @!p0 $0x88, s6;
	s7 =	simm.s32 @p2 $0x1082  }
0x22: {  	[simem:s7], [sflag:s8] =	dma.local @!p0 [hbm:s6], $0xF7A  }
0x23: {  	s9 =	sor.u32 $0xD0000000, s2;
	s6 =	simm.s32 $0x108;
	_ =	swait.ge @!p0 [sflag:s8], $0x0  }
0x24: {  	s3 =	sadd.s32 $0x88, s3;
	s6 =	simm.s32 @!p1 $0x1082;
	[sflag:s4] =	ssyncset.s32 $0xFFFFF086  }
0x25: {  	[simem:s6], [sflag:s4] =	dma.local [hbm:s3], $0xF7A  }
0x26: {  	[smem:$0x3F91] =	sst s1;
	(tag) =	ssettag s2;
	_ =	strace s9  }
0x27: {  	s1 =	sld [smem:$0x3FA1]  }
0x28: {  	s2 =	sld [smem:$0x3FA2]  }
0x29: {  	s4 =	sld [smem:$0x3FA4]  }
0x2a: {  	p0 =	seq.s32 s5, $0x0;
	s5 =	sld [smem:$0x3FA5]  }
0x2b: {  	s6 =	sld [smem:$0x3FA6]  }
0x2c: {  	s7 =	sld [smem:$0x3FA7]  }
0x2d: {  	s3 =	simm.s32 $0x108;
	s8 =	sld [smem:$0x3FA8]  }
0x2e: {  	s3 =	simm.s32 @!p0 $0x1082;
	s9 =	sld [smem:$0x3FA9]  }
0x2f: {  	lr =	sadd.s32 s0, s3;
	s0 =	sld [smem:$0x3FA0]  }
0x30: {  	s3 =	sld [smem:$0x3FA3]  }
0x31: {  	[smem:$0x3FAC] =	sst s10  }
0x32: {  	s10 =	sld [smem:$0x3FAA];
	_ =	sdelay $0x3  }
0x33: {  	p0 =	seq.s32 s10, $0x1;
	s10 =	sld [smem:$0x3FAC];
	_ =	sdelay $0x3  }
0x34: {  	[smem:$0x3FAC] =	sst s10  }
0x35: {  	s10 =	sld [smem:$0x3FAB];
	_ =	sdelay $0x3  }
0x36: {  	p1 =	seq.s32 s10, $0x1;
	s10 =	sld [smem:$0x3FAC];
	_ =	sdelay $0x3  }
0x37: {  	[smem:$0x3FAC] =	sst s10  }
0x38: {  	s10 =	sld [smem:$0x3FAD]  }
0x39: {  	_ = 	snop;
	(pc) =	sbr.ind lr, $3  }
0x3a: {  	_ = 	snop  }
0x3b: {  	_ = 	snop  }
0x3c: {  	p2 =	seq.s32 s10, $0x1;
	s10 =	sld [smem:$0x3FAC]  }
0x3d: {  	_ =	shalt  }
0x3e: {  	_ =	shalt  }
0x3f: {  	_ =	shalt  }
0x40: {  	_ =	shalt  }
0x41: {  	_ =	shalt  }
0x42: {  	_ =	shalt  }
0x43: {  	_ =	shalt  }
0x44: {  	_ =	shalt  }
0x45: {  	_ =	shalt  }
0x46: {  	_ =	shalt  }
0x47: {  	_ =	shalt  }
0x48: {  	_ =	shalt  }
0x49: {  	_ =	shalt  }
0x4a: {  	_ =	shalt  }
0x4b: {  	_ =	shalt  }
0x4c: {  	_ =	shalt  }
0x4d: {  	_ =	shalt  }
0x4e: {  	_ =	shalt  }
0x4f: {  	_ =	shalt  }
0x50: {  	_ =	shalt  }
0x51: {  	_ =	shalt  }
0x52: {  	_ =	shalt  }
0x53: {  	_ =	shalt  }
0x54: {  	_ =	shalt  }
0x55: {  	_ =	shalt  }
0x56: {  	_ =	shalt  }
0x57: {  	_ =	shalt  }
0x58: {  	_ =	shalt  }
0x59: {  	_ =	shalt  }
0x5a: {  	_ =	shalt  }
0x5b: {  	_ =	shalt  }
0x5c: {  	_ =	shalt  }
0x5d: {  	_ =	shalt  }
0x5e: {  	_ =	shalt  }
0x5f: {  	_ =	shalt  }
0x60: {  	_ =	shalt  }
0x61: {  	_ =	shalt  }
0x62: {  	_ =	shalt  }
0x63: {  	_ =	shalt  }
0x64: {  	_ =	shalt  }
0x65: {  	_ =	shalt  }
0x66: {  	_ =	shalt  }
0x67: {  	_ =	shalt  }
0x68: {  	_ =	shalt  }
0x69: {  	_ =	shalt  }
0x6a: {  	_ =	shalt  }
0x6b: {  	_ =	shalt  }
0x6c: {  	_ =	shalt  }
0x6d: {  	_ =	shalt  }
0x6e: {  	_ =	shalt  }
0x6f: {  	_ =	shalt  }
0x70: {  	_ =	shalt  }
0x71: {  	_ =	shalt  }
0x72: {  	_ =	shalt  }
0x73: {  	_ =	shalt  }
0x74: {  	_ =	shalt  }
0x75: {  	_ =	shalt  }
0x76: {  	_ =	shalt  }
0x77: {  	_ =	shalt  }
0x78: {  	_ =	shalt  }
0x79: {  	_ =	shalt  }
0x7a: {  	_ =	shalt  }
0x7b: {  	_ =	shalt  }
0x7c: {  	_ =	shalt  }
0x7d: {  	_ =	shalt  }
0x7e: {  	_ =	shalt  }
0x7f: {  	_ =	shalt  }
0x80: {  	_ =	shalt  }
0x81: {  	_ =	shalt  }
0x82: {  	_ =	shalt  }
0x83: {  	_ =	shalt  }
0x84: {  	_ =	shalt  }
0x85: {  	_ =	shalt  }
0x86: {  	_ =	shalt  }
0x87: {  	_ =	shalt  }
.Lfunc_end0:
.L_simem_size_0:
called_computation.1_lowered:
.L_overlay_start_0:
0x88: {  	s2 =	sld [smem:$0x3FD9]  }
0x89: {  	s3 =	sld [smem:$0x3FFE];
	_ =	sdelay $0x1  }
0x8a: {  	s1 =	srdreg.scid  }
0x8b: {  	s0 =	sand.u32 $0x1, s1  }
0x8c: {  	s17 =	sshll.u32 s0, $0xA;
	s2 =	sadd.s32 s3, s2  }
0x8d: {  	s2 =	sadd.s32 s2, s17  }
0x8e: {  	[smem:$0x3FB8] =	sst s2  }
0x8f: {  	_ = 	snop  }
0x90: {  	s2 =	sld [smem:$0x3FD0];
	(tm) =	ssettm $0x1  }
0x91: {  	s18 =	sld [smem:$0x3FFB];
	_ =	sdelay $0x3  }
0x92: {  	_ =	strace s18  }
0x93: {  	s3 =	sld [smem:$0x3FFC];
	_ =	sdelay $0x3  }
0x94: {  	_ =	strace s3  }
0x95: {  	s3 =	sld [smem:$0x3FFD];
	_ =	sdelay $0x3  }
0x96: {  	_ =	strace s3  }
0x97: {  	_ =	strace $0x8FFFFFFF  }
0x98: {  	s19 =	sld [smem:$0x3FDB];
	_ =	sdelay $0x1  }
0x99: {  	s4 =	simm.s32 $_scs_section_size  }
0x9a: {  	s5 =	simm.s32 $_size__tile_overlayer_lowered;
	s6 =	simm.s32 $_tile_overlayer_lowered  }
0x9b: {  	s22 =	simm.s32 $0x1BFF;
	s21 =	sshll.u32 s6, $0x1;
	s3 =	sadd.s32 s4, s19  }
0x9c: {  	s7 =	simm.s32 $0x0;
	s20 =	sshll.u32 s5, $0x1;
	s5 =	sadd.s32 s21, s3  }
0x9d: {  	[timem:s7], [sflag:s22] =	dma.local [hbm:s5], s20  }
0x9e: {  	_ =	swait.ge [sflag:s22], s20  }
0x9f: {  	s4 =	ssub.s32 $0x0, s20;
	[sflag:s22] =	ssyncset.done $0x0  }
0xa0: {  	[sflag:s22] =	ssyncadd.s32 s4;
	_ =	sdelay $0x1  }
0xa1: {  	s23 =	simm.s32 $0x1B8B  }
0xa2: {  	_ =	swait.ge [sflag:s23], $0x1  }
0xa3: {  	[sflag:s23] =	ssyncset.done $0x0  }
0xa4: {  	s25 =	simm.s32 $0x1B8E;
	s24 =	sld [smem:$0x3FFE];
	[sflag:s23] =	ssyncadd.s32 $0xFFFFFFFF  }
0xa5: {  	s26 =	simm.s32 $execute0_lowered;
	[smem:$0x3FD2] =	sst s25  }
0xa6: {  	s5 =	sshll.u32 s26, $0x1;
	_ =	strace $0x80000049;
	[dreg:$0x1] =	wrdreg $0xFFFFFFFF  }
0xa7: {  	s28 =	simm.s32 $_size_execute0_lowered;
	s3 =	sadd.s32 s3, s5;
	[dreg:$0x0] =	wrdreg $0x0  }
0xa8: {  	s5 =	sshll.u32 s28, $0x1;
	[dreg:$0x2] =	wrdreg s3  }
0xa9: {  	[dreg:$0x3] =	wrdreg s5  }
0xaa: {  	[dreg:$0x4] =	wrdreg $0xC0  }
0xab: {  	_ =	task [dreg:s7], $0x5FFFF  }
0xac: {  	[dreg:$0x1] =	wrdreg $0xFFFFFFFF  }
0xad: {  	[dreg:$0x0] =	wrdreg $0x60  }
0xae: {  	[dreg:$0x2] =	wrdreg s24  }
0xaf: {  	[dreg:$0x3] =	wrdreg s2  }
0xb0: {  	[dreg:$0x4] =	wrdreg $0x81000  }
0xb1: {  	[dreg:$0x5] =	wrdreg $0x9  }
0xb2: {  	_ =	task.clear_ibuf [dreg:s7], $0x6FFFF;
	_ =	strace $0x90000049  }
0xb3: {  	s29 =	simm.s32 $0x9;
	_ =	strace $0x8000004B  }
0xb4: {  	_ =	swait.ge [sflag:s29], $0x1  }
0xb5: {  	[sflag:s29] =	ssyncadd.s32 $0xFFFFFFFF  }
0xb6: {  	_ =	strace $0x9000004B  }
0xb7: {  	_ =	sfence  }
0xb8: {  	s30 =	sld [smem:$0x0];
	_ =	sdelay $0x2  }
0xb9: {  	s31 =	sshll.u32 s1, $0xD;
	s1 =	sshrl.u32 s1, $0x2  }
0xba: {  	s3 =	sand.u32 $0x4000, s31;
	s1 =	sadd.s32 s1, s30  }
0xbb: {  	s0 =	sor.u32 s3, s0;
	s1 =	sshll.u32 s1, $0x11  }
0xbc: {  	s0 =	sor.u32 s1, s0  }
0xbd: {  	s0 =	sadd.s32 $0x8F2B, s0  }
0xbe: {  	[sflag:s0] =	ssyncadd.remote.s32 $0x1  }
0xbf: {  	_ =	sfence.sel $0xFFFF  }
0xc0: {  	[dreg:$0x0] =	wrdreg $0xFFFFFFFF;
	(pc) =	sbr.abs _section_cstart, $3  }
0xc1: {  	[dreg:$0x1] =	wrdreg $0xFFFFFFFF  }
0xc2: {  	_ =	task.clear_ibuf [dreg:s7], $0x2FFFF;
	_ =	strace $0x9FFFFFFF  }
0xc3: {  	(tm) =	ssettm $0x7FFFFFFF  }
tec
execute0_lowered:
.L_overlay_start_1:
0x0: {  	(tag) =	ssettag $0x1  }
0x1: {  	s4 =	rddreg [dreg:$0x0]  }
0x2: {  	s0 =	rddreg [dreg:$0x1]  }
0x3: {  	s1 =	rddreg [dreg:$0x2]  }
0x4: {  	s2 =	srdreg.scid;
	s3 =	simm.s32 $0x0;
	s24 =	stileid.u32  }
0x5: {  	s28 =	simm.s32 $0x1;
	s29 =	simm.s32 $0x3;
	s30 =	simm.s32 $0x6  }
0x6: {  	s31 =	simm.s32 $0x2;
	s11 =	sand.u32 $0x1, s2;
	s13 =	smul.u32 $0x278, s24  }
0x7: {  	[smem:$0x7FF] =	sst s3;
	s12 =	sadd.s32 $0x53F200, s4;
	s8 =	smul.u32 $0x4F000, s24  }
0x8: {  	s5 =	sadd.s32 $0x3400, s4;
	s4 =	sadd.s32 $0x3C00, s4;
	s26 =	smul.u32 $0x4E, s24  }
0x9: {  	s2 =	sshll.u32 s11, $0x4;
	_ =	strace $0x8000004A;
	[dreg:$0x4] =	wrdreg s5  }
0xa: {  	s6 =	ssub.s32 $0x2, s11;
	s5 =	simm.s32 $0x4F;
	s23 =	smul.u32 $0x2780, s11  }
0xb: {  	s11 =	smul.u32 $0x4E0, s11;
	s2 =	sor.u32 s24, s2;
	s7 =	sshrl.u32 s6, $0x1  }
0xc: {  	s17 =	sshrl.u32 s8, $0x2;
	s15 =	sadd.s32 $0x80, s13;
	s16 =	smul.u32 $0x4E, s2  }
0xd: {  	s14 =	smin.u32 s2, $0x4;
	s18 =	ssub.s32 s6, s7;
	p0 =	slt.u32 s2, $0x4  }
0xe: {  	s6 =	sadd.s32 s17, s1;
	s19 =	sshll.u32 s15, $0x7;
	s17 =	sadd.s32 $0x180, s13  }
0xf: {  	s15 =	sadd.s32 s23, s15;
	s11 =	sadd.s32 s26, s11;
	s5 =	simm.s32 @!p0 $0x4E  }
0x10: {  	s7 =	sadd.s32 s19, s1;
	s9 =	sshll.u32 s17, $0x7;
	s19 =	sadd.s32 $0x200, s13  }
0x11: {  	s17 =	sadd.s32 s23, s17;
	s15 =	sshll.u32 s15, $0x4;
	s11 =	sadd.s32 s14, s11  }
0x12: {  	s18 =	smax.u32 s18, $0x1;
	p0 =	sgt.u32 s2, $0x3;
	s2 =	simm.s32 $0x0  }
0x13: {  	s10 =	sadd.s32 s14, s16;
	s16 =	sadd.s32 $0x100, s13;
	s9 =	sadd.s32 s9, s1  }
0x14: {  	s13 =	sadd.s32 s13, s23;
	s20 =	sshll.u32 s16, $0x7;
	s21 =	sshll.u32 s10, $0xB  }
0x15: {  	s22 =	sshll.u32 s10, $0x4;
	s16 =	sadd.s32 s23, s16;
	s13 =	sshll.u32 s13, $0x4  }
0x16: {  	s8 =	sadd.s32 s20, s1;
	s20 =	sshll.u32 s19, $0x7;
	s21 =	sadd.s32 s12, s21  }
0x17: {  	s25 =	sadd.s32 s0, s22;
	s19 =	sadd.s32 s23, s19;
	[dreg:$0x5] =	wrdreg s21  }
0x18: {  	s13 =	sadd.s32 s4, s13;
	s22 =	sshll.u32 s16, $0x4;
	[dreg:$0x6] =	wrdreg s25  }
0x19: {  	s23 =	sshll.u32 s17, $0x4;
	s10 =	sadd.s32 s20, s1;
	[dreg:$0x7] =	wrdreg s13  }
0x1a: {  	s21 =	sadd.s32 s4, s15;
	s13 =	sadd.s32 s4, s22;
	s24 =	sshll.u32 s19, $0x4  }
0x1b: {  	s25 =	sshll.u32 s11, $0x4;
	s11 =	sshll.u32 s11, $0xB;
	[dreg:$0x8] =	wrdreg s21  }
0x1c: {  	[dreg:$0x9] =	wrdreg s13;
	s13 =	sadd.s32 s4, s23;
	s17 =	sadd.s32 s4, s24  }
0x1d: {  	s0 =	sadd.s32 s25, s0;
	s26 =	sadd.s32 s11, s12;
	s23 =	simm.s32 $0x100  }
0x1e: {  	s24 =	simm.s32 $0x5;
	s25 =	simm.s32 $0x4100;
	[dreg:$0xa] =	wrdreg s13  }
0x1f: {  	s14 =	sadd.s32 $0x10, s0;
	s20 =	sadd.s32 $0x800, s26;
	s21 =	sadd.s32 $0x20, s0  }
0x20: {  	s22 =	sadd.s32 $0x1000, s26;
	s26 =	simm.s32 $0x80;
	s0 =	simm.s32 $0x4  }
.LBB2_1:
0x21: {  	s4 =	rddreg [dreg:$0x4]  }
0x22: {  	[tilespmem:s23], [sflag:$0x5] =	stream.linear.gather [hbm4b:s4+s3], $0x4000, $0x38;
	[tilespmem:$0x1BD00] =	vst v63  }
0x23: {  	_ =	swait.ge [sflag:s24], $0x4000  }
0x24: {  	[sflag:s24] =	ssyncset.done $0x0  }
0x25: {  	[sflag:s24] =	ssyncadd.s32 $0xFFFFC000  }
0x26: {  	[spmem:s6] =	stream.linear.scatter [tilespmem:s23], [sflag:$0x5], $0x4000, $0x38;
	[tilespmem:$0x1BD00] =	vst v63  }
0x27: {  	_ =	swait.ge [sflag:s24], $0x4000  }
0x28: {  	[sflag:s24] =	ssyncset.done $0x0  }
0x29: {  	[sflag:s24] =	ssyncadd.s32 $0xFFFFC000  }
0x2a: {  	[spmem:s7] =	stream.linear.scatter [tilespmem:s23], [sflag:$0x5], $0x4000, $0x38;
	[tilespmem:$0x1BD00] =	vst v63  }
0x2b: {  	_ =	swait.ge [sflag:s24], $0x4000  }
0x2c: {  	[sflag:s24] =	ssyncset.done $0x0  }
0x2d: {  	[sflag:s24] =	ssyncadd.s32 $0xFFFFC000  }
0x2e: {  	[spmem:s8] =	stream.linear.scatter [tilespmem:s23], [sflag:$0x5], $0x4000, $0x38;
	[tilespmem:$0x1BD00] =	vst v63  }
0x2f: {  	_ =	swait.ge [sflag:s24], $0x4000  }
0x30: {  	[sflag:s24] =	ssyncset.done $0x0  }
0x31: {  	[sflag:s24] =	ssyncadd.s32 $0xFFFFC000  }
0x32: {  	[spmem:s9] =	stream.linear.scatter [tilespmem:s23], [sflag:$0x5], $0x4000, $0x38;
	[tilespmem:$0x1BD00] =	vst v63  }
0x33: {  	_ =	swait.ge [sflag:s24], $0x4000  }
0x34: {  	[sflag:s24] =	ssyncset.done $0x0  }
0x35: {  	[sflag:s24] =	ssyncadd.s32 $0xFFFFC000  }
0x36: {  	[spmem:s10] =	stream.linear.scatter [tilespmem:s23], [sflag:$0x5], $0x3C00, $0x38;
	[tilespmem:$0x1BD00] =	vst v63  }
0x37: {  	_ =	swait.ge [sflag:s24], $0x3C00  }
0x38: {  	[sflag:s24] =	ssyncset.done $0x0  }
0x39: {  	[sflag:s24] =	ssyncadd.s32 $0xFFFFC400  }
0x3a: {  	[bflag:$0x0] =	sbarrier.arrive $0xFFFF  }
0x3b: {  	s16 =	rddreg [dreg:$0x5]  }
0x3c: {  	[tilespmem:s23], [sflag:$0x1] =	stream.linear.gather [hbm4b:s16+s3], $0x4000, $0x38;
	[tilespmem:$0x1BD00] =	vst v63  }
0x3d: {  	s19 =	rddreg [dreg:$0x6]  }
0x3e: {  	[tilespmem:s3], [sflag:$0x3] =	stream.linear.gather [hbm4b:s19+s3], $0x80, $0x38;
	[tilespmem:$0x1BD00] =	vst v63  }
0x3f: {  	_ = 	snop  }
0x40: {  	[tilespmem:s25], [sflag:$0x2] =	stream.linear.gather [hbm4b:s20+s3], $0x4000, $0x38;
	[tilespmem:$0x1BD00] =	vst v63  }
0x41: {  	_ = 	snop  }
0x42: {  	[tilespmem:s26], [sflag:$0x4] =	stream.linear.gather [hbm4b:s14+s3], $0x80, $0x38;
	[tilespmem:$0x1BD00] =	vst v63  }
0x43: {  	_ =	swait.ge [sflag:s28], $0x4000  }
0x44: {  	[sflag:s28] =	ssyncset.done $0x0  }
0x45: {  	[sflag:s28] =	ssyncadd.s32 $0xFFFFC000  }
0x46: {  	_ =	swait.ge [sflag:s29], $0x80  }
0x47: {  	[sflag:s29] =	ssyncset.done $0x0  }
0x48: {  	[sflag:s29] =	ssyncadd.s32 $0xFFFFFF80  }
0x49: {  	[spmem:s1] =	stream.indirect.scatter.add.f32 [tilespmem:s23], [sflag:$0x6], $0x80, s3, s26, $0xb8;
	[tilespmem:$0x1BD00] =	vst v63  }
0x4a: {  	_ =	swait.ge [sflag:s30], $0x4000  }
0x4b: {  	p1 =	sle.u32 s5, $0x2;
	[sflag:s30] =	ssyncset.done $0x0  }
0x4c: {  	s4 =	simm.s32 @!p1 $0x0;
	s11 =	simm.s32 @!p1 $0x100;
	[sflag:s30] =	ssyncadd.s32 $0xFFFFC000  }
0x4d: {  	[tilespmem:s11], [sflag:$0x1] =	stream.linear.gather @!p1 [hbm4b:s22+s4], $0x4000, $0x38;
	[tilespmem:$0x1BD00] =	vst v63  }
0x4e: {  	_ = 	snop  }
0x4f: {  	[tilespmem:s4], [sflag:$0x3] =	stream.linear.gather @!p1 [hbm4b:s21+s4], $0x80, $0x38;
	[tilespmem:$0x1BD00] =	vst v63  }
0x50: {  	_ =	swait.ge [sflag:s31], $0x4000  }
0x51: {  	[sflag:s31] =	ssyncset.done $0x0  }
0x52: {  	[sflag:s31] =	ssyncadd.s32 $0xFFFFC000  }
0x53: {  	_ =	swait.ge [sflag:s0], $0x80  }
0x54: {  	[sflag:s0] =	ssyncset.done $0x0  }
0x55: {  	s12 =	sadd.s32 $0x1000, s20;
	[sflag:s0] =	ssyncadd.s32 $0xFFFFFF80  }
0x56: {  	[spmem:s1] =	stream.indirect.scatter.add.f32 [tilespmem:s25], [sflag:$0x5], $0x80, s26, s26, $0xb8;
	[tilespmem:$0x1BD00] =	vst v63  }
0x57: {  	s13 =	sadd.s32 $0x20, s21;
	s19 =	smov.u32 s14;
	_ =	swait.ge [sflag:s24], $0x4000  }
0x58: {  	s11 =	sadd.s32 $0x1000, s22;
	s4 =	simm.s32 $0x4;
	[sflag:s24] =	ssyncset.done $0x0  }
.LBB2_2:
0x59: {  	[sflag:s24] =	ssyncadd.s32 $0xFFFFC000  }
0x5a: {  	s19 =	sadd.s32 $0x20, s19;
	s15 =	smov.u32 s4;
	s4 =	sadd.s32 $0x2, s4  }
0x5b: {  	[tilespmem:s25], [sflag:$0x2] =	stream.linear.gather [hbm4b:s12+s3], $0x4000, $0x38;
	[tilespmem:$0x1BD00] =	vst v63  }
0x5c: {  	p1 =	sne.s32 s4, $0x50  }
0x5d: {  	[tilespmem:s26], [sflag:$0x4] =	stream.linear.gather [hbm4b:s19+s3], $0x80, $0x38;
	[tilespmem:$0x1BD00] =	vst v63  }
0x5e: {  	_ =	swait.ge [sflag:s28], $0x4000  }
0x5f: {  	[sflag:s28] =	ssyncset.done $0x0  }
0x60: {  	[sflag:s28] =	ssyncadd.s32 $0xFFFFC000  }
0x61: {  	_ =	swait.ge [sflag:s29], $0x80  }
0x62: {  	[sflag:s29] =	ssyncset.done $0x0  }
0x63: {  	[sflag:s29] =	ssyncadd.s32 $0xFFFFFF80  }
0x64: {  	[spmem:s1] =	stream.indirect.scatter.add.f32 [tilespmem:s23], [sflag:$0x6], $0x80, s3, s26, $0xb8;
	[tilespmem:$0x1BD00] =	vst v63  }
0x65: {  	_ =	swait.ge [sflag:s30], $0x4000  }
0x66: {  	p2 =	sge.u32 s15, s5;
	[sflag:s30] =	ssyncset.done $0x0  }
0x67: {  	s15 =	simm.s32 @!p2 $0x0;
	s16 =	simm.s32 @!p2 $0x100;
	[sflag:s30] =	ssyncadd.s32 $0xFFFFC000  }
0x68: {  	[tilespmem:s16], [sflag:$0x1] =	stream.linear.gather @!p2 [hbm4b:s11+s15], $0x4000, $0x38;
	[tilespmem:$0x1BD00] =	vst v63  }
0x69: {  	_ = 	snop  }
0x6a: {  	[tilespmem:s15], [sflag:$0x3] =	stream.linear.gather @!p2 [hbm4b:s13+s15], $0x80, $0x38;
	[tilespmem:$0x1BD00] =	vst v63  }
0x6b: {  	_ =	swait.ge [sflag:s31], $0x4000  }
0x6c: {  	[sflag:s31] =	ssyncset.done $0x0  }
0x6d: {  	[sflag:s31] =	ssyncadd.s32 $0xFFFFC000  }
0x6e: {  	_ =	swait.ge [sflag:s0], $0x80  }
.Ltmp0:
0x6f: {  	[sflag:s0] =	ssyncset.done $0x0;
	(pc) =	sbr.rel @p1 .LBB2_2-.Ltmp0, $4  }
0x70: {  	[sflag:s0] =	ssyncadd.s32 $0xFFFFFF80  }
0x71: {  	[spmem:s1] =	stream.indirect.scatter.add.f32 [tilespmem:s25], [sflag:$0x5], $0x80, s26, s26, $0xb8;
	[tilespmem:$0x1BD00] =	vst v63  }
0x72: {  	s11 =	sadd.s32 $0x1000, s11;
	_ =	swait.ge [sflag:s24], $0x4000  }
0x73: {  	s12 =	sadd.s32 $0x1000, s12;
	s13 =	sadd.s32 $0x20, s13;
	[sflag:s24] =	ssyncset.done $0x0  }
0x74: {  	[sflag:s24] =	ssyncadd.s32 $0xFFFFC000;
	s4 =	simm.s32 @!p0 $0x1  }
0x75: {  	_ =	swait.ge @!p0 [sflag:s4], $0x4000  }
0x76: {  	[sflag:s4] =	ssyncset.done @!p0 $0x0  }
0x77: {  	[sflag:s4] =	ssyncadd.s32 @!p0 $0xFFFFC000;
	s4 =	simm.s32 @!p0 $0x3  }
0x78: {  	_ =	swait.ge @!p0 [sflag:s4], $0x80  }
0x79: {  	s11 =	simm.s32 @!p0 $0x0;
	[sflag:s4] =	ssyncset.done @!p0 $0x0  }
0x7a: {  	s12 =	simm.s32 @!p0 $0x100;
	[sflag:s4] =	ssyncadd.s32 @!p0 $0xFFFFFF80;
	s4 =	simm.s32 @!p0 $0x80  }
0x7b: {  	[spmem:s1] =	stream.indirect.scatter.add.f32 @!p0 [tilespmem:s12], [sflag:$0x6], $0x80, s11, s4, $0xb8;
	[tilespmem:$0x1BD00] =	vst v63  }
0x7c: {  	s4 =	simm.s32 @!p0 $0x6  }
0x7d: {  	_ =	swait.ge @!p0 [sflag:s4], $0x4000  }
0x7e: {  	[sflag:s4] =	ssyncset.done @!p0 $0x0  }
0x7f: {  	[sflag:s4] =	ssyncadd.s32 @!p0 $0xFFFFC000  }
0x80: {  	[bflag:$0x0] =	sbarrier.arrive $0xFFFF  }
0x81: {  	[tilespmem:s23], [sflag:$0x5] =	stream.linear.gather [spmem:s6], $0x4000, $0x38;
	[tilespmem:$0x1BD00] =	vst v63  }
0x82: {  	_ =	swait.ge [sflag:s24], $0x4000  }
0x83: {  	[sflag:s24] =	ssyncset.done $0x0  }
0x84: {  	s13 =	rddreg [dreg:$0x7];
	[sflag:s24] =	ssyncadd.s32 $0xFFFFC000  }
0x85: {  	[hbm4b:s13+s3] =	stream.linear.scatter [tilespmem:s23], [sflag:$0x5], $0x4000, $0x38;
	[tilespmem:$0x1BD00] =	vst v63  }
0x86: {  	_ =	swait.ge [sflag:s24], $0x4000  }
0x87: {  	[sflag:s24] =	ssyncset.done $0x0  }
0x88: {  	[sflag:s24] =	ssyncadd.s32 $0xFFFFC000  }
0x89: {  	[tilespmem:s23], [sflag:$0x5] =	stream.linear.gather [spmem:s7], $0x4000, $0x38;
	[tilespmem:$0x1BD00] =	vst v63  }
0x8a: {  	_ =	swait.ge [sflag:s24], $0x4000  }
0x8b: {  	[sflag:s24] =	ssyncset.done $0x0  }
0x8c: {  	s15 =	rddreg [dreg:$0x8];
	[sflag:s24] =	ssyncadd.s32 $0xFFFFC000  }
0x8d: {  	[hbm4b:s15+s3] =	stream.linear.scatter [tilespmem:s23], [sflag:$0x5], $0x4000, $0x38;
	[tilespmem:$0x1BD00] =	vst v63  }
0x8e: {  	_ =	swait.ge [sflag:s24], $0x4000  }
0x8f: {  	[sflag:s24] =	ssyncset.done $0x0  }
0x90: {  	[sflag:s24] =	ssyncadd.s32 $0xFFFFC000  }
0x91: {  	[tilespmem:s23], [sflag:$0x5] =	stream.linear.gather [spmem:s8], $0x4000, $0x38;
	[tilespmem:$0x1BD00] =	vst v63  }
0x92: {  	_ =	swait.ge [sflag:s24], $0x4000  }
0x93: {  	[sflag:s24] =	ssyncset.done $0x0  }
0x94: {  	s16 =	rddreg [dreg:$0x9];
	[sflag:s24] =	ssyncadd.s32 $0xFFFFC000  }
0x95: {  	[hbm4b:s16+s3] =	stream.linear.scatter [tilespmem:s23], [sflag:$0x5], $0x4000, $0x38;
	[tilespmem:$0x1BD00] =	vst v63  }
0x96: {  	_ =	swait.ge [sflag:s24], $0x4000  }
0x97: {  	[sflag:s24] =	ssyncset.done $0x0  }
0x98: {  	[sflag:s24] =	ssyncadd.s32 $0xFFFFC000  }
0x99: {  	[tilespmem:s23], [sflag:$0x5] =	stream.linear.gather [spmem:s9], $0x4000, $0x38;
	[tilespmem:$0x1BD00] =	vst v63  }
0x9a: {  	_ =	swait.ge [sflag:s24], $0x4000  }
0x9b: {  	[sflag:s24] =	ssyncset.done $0x0  }
0x9c: {  	s19 =	rddreg [dreg:$0xa];
	[sflag:s24] =	ssyncadd.s32 $0xFFFFC000  }
0x9d: {  	[hbm4b:s19+s3] =	stream.linear.scatter [tilespmem:s23], [sflag:$0x5], $0x4000, $0x38;
	[tilespmem:$0x1BD00] =	vst v63  }
0x9e: {  	_ =	swait.ge [sflag:s24], $0x4000  }
0x9f: {  	[sflag:s24] =	ssyncset.done $0x0  }
0xa0: {  	[sflag:s24] =	ssyncadd.s32 $0xFFFFC000  }
0xa1: {  	[tilespmem:s23], [sflag:$0x5] =	stream.linear.gather [spmem:s10], $0x3C00, $0x38;
	[tilespmem:$0x1BD00] =	vst v63  }
0xa2: {  	s2 =	sadd.s32 $0x1, s2;
	_ =	swait.ge [sflag:s24], $0x3C00  }
0xa3: {  	p1 =	sne.s32 s2, s18;
	[sflag:s24] =	ssyncset.done $0x0  }
.Ltmp1:
0xa4: {  	[sflag:s24] =	ssyncadd.s32 $0xFFFFC400;
	(pc) =	sbr.rel @p1 .LBB2_1-.Ltmp1, $4  }
0xa5: {  	[hbm4b:s17+s3] =	stream.linear.scatter [tilespmem:s23], [sflag:$0x5], $0x3C00, $0x38;
	[tilespmem:$0x1BD00] =	vst v63  }
0xa6: {  	_ =	swait.ge [sflag:s24], $0x3C00  }
0xa7: {  	[sflag:s24] =	ssyncset.done $0x0  }
0xa8: {  	[sflag:s24] =	ssyncadd.s32 $0xFFFFC400  }
0xa9: {  	_ =	sfence.sel $0x180000  }
0xaa: {  	[bflag:$0x0] =	sbarrier.arrive $0xFFFF  }
0xab: {  	_ =	strace $0x9000004A  }
0xac: {  	s0 =	stileid.u32;
	[bflag:$0x2] =	sbarrier.arrive $0xFFFF  }
0xad: {  	p0 =	sne.s32 s0, $0x0;
	s0 =	rddreg [dreg:$0x3]  }
0xae: {  	s0 =	sadd.s32 @!p0 $0x100000, s0  }
0xaf: {  	[sflag:s0] =	ssyncadd.tile.s32 @!p0 $0x1;
	_ =	shalt  }
.Lfunc_end2:
_tile_overlayer_lowered:
.L_overlay_start_2:
0xb0: {  	(tag) =	ssettag $0x2  }
0xb1: {  	s0 =	rddreg [dreg:$0x0];
	s2 =	stileid.u32  }
0xb2: {  	s1 =	rddreg [dreg:$0x1];
	p0 =	sne.s32 s2, $0x0  }
0xb3: {  	s3 =	rddreg [dreg:$0x2];
	[bflag:$0x3] =	sbarrier.arrive $0xFFFF;
	s2 =	simm.s32 @!p0 $0x1C05  }
0xb4: {  	[timem:s3], [sflag:s2] =	dma.local @!p0 [hbm:s0], s1  }
0xb5: {  	s0 =	simm.s32 @!p0 $0x5  }
0xb6: {  	_ =	swait.ge @!p0 [sflag:s0], s1  }
0xb7: {  	s1 =	ssub.s32 @!p0 $0x0, s1;
	[sflag:s0] =	ssyncset.done @!p0 $0x0  }
0xb8: {  	[sflag:s0] =	ssyncadd.s32 @!p0 s1  }
0xb9: {  	[bflag:$0x3] =	sbarrier.arrive $0xFFFF  }
0xba: {  	_ =	shalt  }

// kernel: kernel.7.cloned.1.call-start
scs
__scs_entry_jumppad:
0x0: {  	(pc) =	sbr.rel $0x88, $3  }
0x1: {  	(tag) =	ssettag $0x0;
	lr =	simm.s32 $0x1  }
0x2: {  	[smem:$0x3F91] =	sst lr;
	_ =	strace $0xD0000000  }
0x3: {  	_ = 	snop  }
0x4: {  	_ = 	snop  }
0x5: {  	_ = 	snop  }
0x6: {  	_ = 	snop  }
0x7: {  	_ = 	snop  }
__scs_overlays_trampoline_lowered:
0x8: {  	[smem:$0x3FA0] =	sst s0  }
0x9: {  	[smem:$0x3FA1] =	sst s1  }
0xa: {  	[smem:$0x3FA2] =	sst s2  }
0xb: {  	[smem:$0x3FA3] =	sst s3  }
0xc: {  	[smem:$0x3FA4] =	sst s4  }
0xd: {  	[smem:$0x3FA5] =	sst s5  }
0xe: {  	[smem:$0x3FA6] =	sst s6  }
0xf: {  	[smem:$0x3FA7] =	sst s7  }
0x10: {  	[smem:$0x3FA8] =	sst s8  }
0x11: {  	[smem:$0x3FA9] =	sst s9;
	s0 =	simm.s32 @!p0 $0x0  }
0x12: {  	s1 =	sld [smem:$0x3F8F];
	s0 =	simm.s32 @p0 $0x1  }
0x13: {  	[smem:$0x3FAA] =	sst s0;
	s0 =	simm.s32 @!p1 $0x0  }
0x14: {  	s2 =	sld [smem:$0x3F8E];
	s0 =	simm.s32 @p1 $0x1  }
0x15: {  	[smem:$0x3FAB] =	sst s0;
	s0 =	simm.s32 @!p2 $0x0  }
0x16: {  	s3 =	sld [smem:$0x3FDB];
	s0 =	simm.s32 @p2 $0x1  }
0x17: {  	s4 =	simm.s32 $0x1BF5;
	[smem:$0x3FAD] =	sst s0  }
0x18: {  	s0 =	sld [smem:$0x3F90];
	_ =	swait.ge [sflag:s4], $0x0  }
0x19: {  	s7 =	sld [smem:$0x3F91]  }
0x1a: {  	s8 =	sadd.s32 $0xFFFFE003, lr  }
0x1b: {  	s9 =	sadd.s32 $0xFFFFFEF7, lr;
	s5 =	simm.s32 $0xFFFFFFFF;
	p2 =	slt.u32 s8, $0xFFFFF086  }
0x1c: {  	p1 =	slt.u32 s9, $0xF7A;
	s5 =	simm.s32 @!p2 $0x0  }
0x1d: {  	s5 =	simm.s32 @p1 $0x1;
	p0 =	seq.s32 s7, s2  }
0x1e: {  	s7 =	smul.u32 @!p0 $0xF7A, s2;
	p2 =	seq.s32 @!p0 s5, $0x0  }
0x1f: {  	s9 =	smul.u32 $0xF7A, s1;
	s8 =	simm.s32 @!p0 $0x1BF5;
	p2 =	por !p2, p0  }
0x20: {  	[sflag:s8] =	ssyncset.s32 @!p0 $0xFFFFF086;
	s6 =	sadd.s32 @!p0 s3, s7;
	s7 =	simm.s32 @!p0 $0x108  }
0x21: {  	s3 =	sadd.s32 s3, s9;
	s6 =	sadd.s32 @!p0 $0x88, s6;
	s7 =	simm.s32 @p2 $0x1082  }
0x22: {  	[simem:s7], [sflag:s8] =	dma.local @!p0 [hbm:s6], $0xF7A  }
0x23: {  	s9 =	sor.u32 $0xD0000000, s2;
	s6 =	simm.s32 $0x108;
	_ =	swait.ge @!p0 [sflag:s8], $0x0  }
0x24: {  	s3 =	sadd.s32 $0x88, s3;
	s6 =	simm.s32 @!p1 $0x1082;
	[sflag:s4] =	ssyncset.s32 $0xFFFFF086  }
0x25: {  	[simem:s6], [sflag:s4] =	dma.local [hbm:s3], $0xF7A  }
0x26: {  	[smem:$0x3F91] =	sst s1;
	(tag) =	ssettag s2;
	_ =	strace s9  }
0x27: {  	s1 =	sld [smem:$0x3FA1]  }
0x28: {  	s2 =	sld [smem:$0x3FA2]  }
0x29: {  	s4 =	sld [smem:$0x3FA4]  }
0x2a: {  	p0 =	seq.s32 s5, $0x0;
	s5 =	sld [smem:$0x3FA5]  }
0x2b: {  	s6 =	sld [smem:$0x3FA6]  }
0x2c: {  	s7 =	sld [smem:$0x3FA7]  }
0x2d: {  	s3 =	simm.s32 $0x108;
	s8 =	sld [smem:$0x3FA8]  }
0x2e: {  	s3 =	simm.s32 @!p0 $0x1082;
	s9 =	sld [smem:$0x3FA9]  }
0x2f: {  	lr =	sadd.s32 s0, s3;
	s0 =	sld [smem:$0x3FA0]  }
0x30: {  	s3 =	sld [smem:$0x3FA3]  }
0x31: {  	[smem:$0x3FAC] =	sst s10  }
0x32: {  	s10 =	sld [smem:$0x3FAA];
	_ =	sdelay $0x3  }
0x33: {  	p0 =	seq.s32 s10, $0x1;
	s10 =	sld [smem:$0x3FAC];
	_ =	sdelay $0x3  }
0x34: {  	[smem:$0x3FAC] =	sst s10  }
0x35: {  	s10 =	sld [smem:$0x3FAB];
	_ =	sdelay $0x3  }
0x36: {  	p1 =	seq.s32 s10, $0x1;
	s10 =	sld [smem:$0x3FAC];
	_ =	sdelay $0x3  }
0x37: {  	[smem:$0x3FAC] =	sst s10  }
0x38: {  	s10 =	sld [smem:$0x3FAD]  }
0x39: {  	_ = 	snop;
	(pc) =	sbr.ind lr, $3  }
0x3a: {  	_ = 	snop  }
0x3b: {  	_ = 	snop  }
0x3c: {  	p2 =	seq.s32 s10, $0x1;
	s10 =	sld [smem:$0x3FAC]  }
0x3d: {  	_ =	shalt  }
0x3e: {  	_ =	shalt  }
0x3f: {  	_ =	shalt  }
0x40: {  	_ =	shalt  }
0x41: {  	_ =	shalt  }
0x42: {  	_ =	shalt  }
0x43: {  	_ =	shalt  }
0x44: {  	_ =	shalt  }
0x45: {  	_ =	shalt  }
0x46: {  	_ =	shalt  }
0x47: {  	_ =	shalt  }
0x48: {  	_ =	shalt  }
0x49: {  	_ =	shalt  }
0x4a: {  	_ =	shalt  }
0x4b: {  	_ =	shalt  }
0x4c: {  	_ =	shalt  }
0x4d: {  	_ =	shalt  }
0x4e: {  	_ =	shalt  }
0x4f: {  	_ =	shalt  }
0x50: {  	_ =	shalt  }
0x51: {  	_ =	shalt  }
0x52: {  	_ =	shalt  }
0x53: {  	_ =	shalt  }
0x54: {  	_ =	shalt  }
0x55: {  	_ =	shalt  }
0x56: {  	_ =	shalt  }
0x57: {  	_ =	shalt  }
0x58: {  	_ =	shalt  }
0x59: {  	_ =	shalt  }
0x5a: {  	_ =	shalt  }
0x5b: {  	_ =	shalt  }
0x5c: {  	_ =	shalt  }
0x5d: {  	_ =	shalt  }
0x5e: {  	_ =	shalt  }
0x5f: {  	_ =	shalt  }
0x60: {  	_ =	shalt  }
0x61: {  	_ =	shalt  }
0x62: {  	_ =	shalt  }
0x63: {  	_ =	shalt  }
0x64: {  	_ =	shalt  }
0x65: {  	_ =	shalt  }
0x66: {  	_ =	shalt  }
0x67: {  	_ =	shalt  }
0x68: {  	_ =	shalt  }
0x69: {  	_ =	shalt  }
0x6a: {  	_ =	shalt  }
0x6b: {  	_ =	shalt  }
0x6c: {  	_ =	shalt  }
0x6d: {  	_ =	shalt  }
0x6e: {  	_ =	shalt  }
0x6f: {  	_ =	shalt  }
0x70: {  	_ =	shalt  }
0x71: {  	_ =	shalt  }
0x72: {  	_ =	shalt  }
0x73: {  	_ =	shalt  }
0x74: {  	_ =	shalt  }
0x75: {  	_ =	shalt  }
0x76: {  	_ =	shalt  }
0x77: {  	_ =	shalt  }
0x78: {  	_ =	shalt  }
0x79: {  	_ =	shalt  }
0x7a: {  	_ =	shalt  }
0x7b: {  	_ =	shalt  }
0x7c: {  	_ =	shalt  }
0x7d: {  	_ =	shalt  }
0x7e: {  	_ =	shalt  }
0x7f: {  	_ =	shalt  }
0x80: {  	_ =	shalt  }
0x81: {  	_ =	shalt  }
0x82: {  	_ =	shalt  }
0x83: {  	_ =	shalt  }
0x84: {  	_ =	shalt  }
0x85: {  	_ =	shalt  }
0x86: {  	_ =	shalt  }
0x87: {  	_ =	shalt  }
.Lfunc_end0:
.L_simem_size_0:
called_computation_lowered:
.L_overlay_start_0:
0x88: {  	s2 =	sld [smem:$0x3FD9]  }
0x89: {  	s3 =	sld [smem:$0x3FFE];
	_ =	sdelay $0x1  }
0x8a: {  	s1 =	srdreg.scid  }
0x8b: {  	s0 =	sand.u32 $0x1, s1  }
0x8c: {  	s17 =	sshll.u32 s0, $0xA;
	s2 =	sadd.s32 s3, s2  }
0x8d: {  	s2 =	sadd.s32 s2, s17  }
0x8e: {  	[smem:$0x3FB8] =	sst s2  }
0x8f: {  	_ = 	snop  }
0x90: {  	s2 =	sld [smem:$0x3FC9]  }
0x91: {  	s18 =	sld [smem:$0x3FD0];
	(tm) =	ssettm $0x1  }
0x92: {  	s4 =	sld [smem:$0x3FFB];
	_ =	sdelay $0x3  }
0x93: {  	_ =	strace s4  }
0x94: {  	s4 =	sld [smem:$0x3FFC];
	_ =	sdelay $0x3  }
0x95: {  	_ =	strace s4  }
0x96: {  	s4 =	sld [smem:$0x3FFD];
	_ =	sdelay $0x3  }
0x97: {  	_ =	strace s4  }
0x98: {  	_ =	strace $0x8FFFFFFF  }
0x99: {  	s19 =	sld [smem:$0x3FDB];
	_ =	sdelay $0x1  }
0x9a: {  	s5 =	simm.s32 $_scs_section_size  }
0x9b: {  	s6 =	simm.s32 $_size__tile_overlayer_lowered;
	s7 =	simm.s32 $_tile_overlayer_lowered  }
0x9c: {  	s22 =	simm.s32 $0x1BFF;
	s21 =	sshll.u32 s7, $0x1;
	s4 =	sadd.s32 s5, s19  }
0x9d: {  	s8 =	simm.s32 $0x0;
	s20 =	sshll.u32 s6, $0x1;
	s6 =	sadd.s32 s21, s4  }
0x9e: {  	[timem:s8], [sflag:s22] =	dma.local [hbm:s6], s20  }
0x9f: {  	_ =	swait.ge [sflag:s22], s20  }
0xa0: {  	s5 =	ssub.s32 $0x0, s20;
	[sflag:s22] =	ssyncset.done $0x0  }
0xa1: {  	[sflag:s22] =	ssyncadd.s32 s5;
	_ =	sdelay $0x1  }
0xa2: {  	s23 =	simm.s32 $0x1B8B  }
0xa3: {  	_ =	swait.ge [sflag:s23], $0x1  }
0xa4: {  	[sflag:s23] =	ssyncset.done $0x0  }
0xa5: {  	s25 =	simm.s32 $0x1B8E;
	s24 =	sld [smem:$0x3FFE];
	[sflag:s23] =	ssyncadd.s32 $0xFFFFFFFF  }
0xa6: {  	s26 =	simm.s32 $execute0_lowered;
	[smem:$0x3FD2] =	sst s25  }
0xa7: {  	s6 =	sshll.u32 s26, $0x1;
	_ =	strace $0x80000046;
	[dreg:$0x1] =	wrdreg $0xFFFFFFFF  }
0xa8: {  	s28 =	simm.s32 $_size_execute0_lowered;
	s4 =	sadd.s32 s4, s6;
	[dreg:$0x0] =	wrdreg $0x0  }
0xa9: {  	s6 =	sshll.u32 s28, $0x1;
	[dreg:$0x2] =	wrdreg s4  }
0xaa: {  	[dreg:$0x3] =	wrdreg s6  }
0xab: {  	[dreg:$0x4] =	wrdreg $0xC0  }
0xac: {  	_ =	task [dreg:s8], $0x5FFFF  }
0xad: {  	[dreg:$0x1] =	wrdreg $0xFFFFFFFF  }
0xae: {  	[dreg:$0x0] =	wrdreg $0x60  }
0xaf: {  	[dreg:$0x2] =	wrdreg s2  }
0xb0: {  	[dreg:$0x3] =	wrdreg s24  }
0xb1: {  	[dreg:$0x4] =	wrdreg s18  }
0xb2: {  	[dreg:$0x5] =	wrdreg $0xC2000  }
0xb3: {  	[dreg:$0x6] =	wrdreg $0x9  }
0xb4: {  	_ =	task.clear_ibuf [dreg:s8], $0x7FFFF;
	_ =	strace $0x90000046  }
0xb5: {  	s29 =	simm.s32 $0x9;
	_ =	strace $0x80000048  }
0xb6: {  	_ =	swait.ge [sflag:s29], $0x1  }
0xb7: {  	[sflag:s29] =	ssyncadd.s32 $0xFFFFFFFF  }
0xb8: {  	_ =	strace $0x90000048  }
0xb9: {  	_ =	sfence  }
0xba: {  	s30 =	sld [smem:$0x0];
	_ =	sdelay $0x2  }
0xbb: {  	s31 =	sshll.u32 s1, $0xD;
	s1 =	sshrl.u32 s1, $0x2  }
0xbc: {  	s3 =	sand.u32 $0x4000, s31;
	s1 =	sadd.s32 s1, s30  }
0xbd: {  	s0 =	sor.u32 s3, s0;
	s1 =	sshll.u32 s1, $0x11  }
0xbe: {  	s0 =	sor.u32 s1, s0  }
0xbf: {  	s0 =	sadd.s32 $0x8F2B, s0  }
0xc0: {  	[sflag:s0] =	ssyncadd.remote.s32 $0x1  }
0xc1: {  	_ =	sfence.sel $0xFFFF  }
0xc2: {  	[dreg:$0x0] =	wrdreg $0xFFFFFFFF;
	(pc) =	sbr.abs _section_cstart, $3  }
0xc3: {  	[dreg:$0x1] =	wrdreg $0xFFFFFFFF  }
0xc4: {  	_ =	task.clear_ibuf [dreg:s8], $0x2FFFF;
	_ =	strace $0x9FFFFFFF  }
0xc5: {  	(tm) =	ssettm $0x7FFFFFFF  }
tec
execute0_lowered:
.L_overlay_start_1:
0x0: {  	(tag) =	ssettag $0x1  }
0x1: {  	s1 =	rddreg [dreg:$0x0]  }
0x2: {  	s2 =	rddreg [dreg:$0x1]  }
0x3: {  	s0 =	rddreg [dreg:$0x2]  }
0x4: {  	s3 =	rddreg [dreg:$0x3];
	s4 =	srdreg.scid  }
0x5: {  	s16 =	stileid.u32;
	s29 =	simm.s32 $0x200;
	s5 =	sand.u32 $0x1, s4  }
0x6: {  	s6 =	smul.u32 $0x4E, s16;
	s4 =	simm.s32 $0x0;
	s10 =	sadd.s32 $0xD200, s2  }
0x7: {  	s14 =	sadd.s32 $0x4F0200, s2;
	s15 =	smul.u32 $0x278, s16;
	s7 =	sshll.u32 s5, $0x4  }
0x8: {  	s8 =	smul.u32 $0x4E0, s5;
	[smem:$0x7FF] =	sst s4;
	s11 =	ssub.s32 $0x2, s5  }
0x9: {  	s5 =	smul.u32 $0x2780, s5;
	s7 =	sor.u32 s16, s7;
	_ =	strace $0x80000047  }
0xa: {  	[dreg:$0x5] =	wrdreg s10;
	s31 =	sshrl.u32 s11, $0x1;
	s23 =	sadd.s32 $0x100, s15  }
0xb: {  	s25 =	sadd.s32 $0x180, s15;
	s17 =	sadd.s32 $0x200, s15;
	s9 =	smin.u32 s7, $0x4  }
0xc: {  	s6 =	sadd.s32 s6, s8;
	s8 =	sadd.s32 $0x3400, s2;
	s12 =	smul.u32 $0x4E, s7  }
0xd: {  	s11 =	ssub.s32 s11, s31;
	p0 =	slt.u32 s7, $0x4;
	s18 =	sshll.u32 s17, $0x7  }
0xe: {  	s24 =	sshll.u32 s23, $0x7;
	s10 =	sadd.s32 s9, s6;
	s18 =	sadd.s32 s18, s3  }
0xf: {  	s6 =	sshll.u32 s10, $0xB;
	s9 =	sadd.s32 s9, s12;
	s12 =	smul.u32 $0x4F000, s16  }
0x10: {  	s16 =	sadd.s32 $0x80, s15;
	s15 =	sadd.s32 s15, s5;
	[dreg:$0x7] =	wrdreg s18  }
0x11: {  	s13 =	sadd.s32 s6, s2;
	s2 =	sadd.s32 $0xDA00, s2;
	s22 =	sshll.u32 s16, $0x7  }
0x12: {  	s9 =	sshll.u32 s9, $0x4;
	[dreg:$0x6] =	wrdreg s2;
	s7 =	sshrl.u32 s12, $0x2  }
0x13: {  	s20 =	sadd.s32 s22, s3;
	s2 =	sadd.s32 s5, s16;
	s16 =	sadd.s32 s5, s23  }
0x14: {  	s22 =	smax.u32 s11, $0x1;
	s23 =	sadd.s32 $0xEA00, s13;
	s19 =	sadd.s32 s7, s3  }
0x15: {  	s7 =	sadd.s32 s5, s25;
	s5 =	sadd.s32 s5, s17;
	[dreg:$0xf] =	wrdreg s22  }
0x16: {  	s17 =	sadd.s32 s8, s9;
	s9 =	sadd.s32 s0, s9;
	[dreg:$0x10] =	wrdreg s23  }
0x17: {  	s26 =	sshll.u32 s25, $0x7;
	s25 =	sadd.s32 $0xE200, s13;
	[dreg:$0x9] =	wrdreg s9  }
0x18: {  	s28 =	sshll.u32 s15, $0x4;
	s2 =	sshll.u32 s2, $0x4;
	[dreg:$0x12] =	wrdreg s25  }
0x19: {  	s31 =	sshll.u32 s16, $0x4;
	s9 =	sadd.s32 s14, s28;
	[dreg:$0x8] =	wrdreg s17  }
0x1a: {  	s16 =	sshll.u32 s10, $0x4;
	s2 =	sadd.s32 s14, s2;
	[dreg:$0xa] =	wrdreg s9  }
0x1b: {  	s5 =	sshll.u32 s5, $0x4;
	[dreg:$0xb] =	wrdreg s2;
	s2 =	sadd.s32 s14, s31  }
0x1c: {  	s0 =	sadd.s32 s16, s0;
	s15 =	sadd.s32 s14, s5;
	[dreg:$0xc] =	wrdreg s2  }
0x1d: {  	s21 =	sadd.s32 s24, s3;
	s24 =	sadd.s32 $0x10, s0;
	[dreg:$0xe] =	wrdreg s15  }
0x1e: {  	s9 =	sshll.u32 s7, $0x4;
	s0 =	sadd.s32 $0x20, s0;
	[dreg:$0x11] =	wrdreg s24  }
0x1f: {  	s30 =	simm.s32 $0x9;
	s2 =	sadd.s32 s14, s9;
	[dreg:$0x13] =	wrdreg s0  }
0x20: {  	s31 =	sadd.s32 $0x10, s17;
	[dreg:$0xd] =	wrdreg s2;
	s2 =	sadd.s32 s16, s8  }
0x21: {  	s12 =	sadd.s32 s26, s3;
	[dreg:$0x16] =	wrdreg s31;
	s26 =	sadd.s32 $0x20, s2  }
0x22: {  	s6 =	simm.s32 $0x4F;
	s28 =	sadd.s32 $0x30, s2;
	[dreg:$0x14] =	wrdreg s26  }
0x23: {  	s6 =	simm.s32 @!p0 $0x4E;
	s5 =	simm.s32 $0x0;
	[dreg:$0x15] =	wrdreg s28  }
.LBB2_1:
0x24: {  	s2 =	rddreg [dreg:$0x5]  }
0x25: {  	[tilespmem:s29], [sflag:$0x9] =	stream.linear.gather [hbm4b:s2+s4], $0x4000, $0x38;
	[tilespmem:$0x1FE00] =	vst v63  }
0x26: {  	_ =	swait.ge [sflag:s30], $0x4000  }
0x27: {  	[sflag:s30] =	ssyncset.done $0x0  }
0x28: {  	s0 =	simm.s32 $0x8200;
	s17 =	rddreg [dreg:$0x6];
	[sflag:s30] =	ssyncadd.s32 $0xFFFFC000  }
0x29: {  	[tilespmem:s0], [sflag:$0x9] =	stream.linear.gather [hbm4b:s17+s4], $0x4000, $0x38;
	[tilespmem:$0x1FE00] =	vst v63  }
0x2a: {  	_ =	swait.ge [sflag:s30], $0x4000  }
0x2b: {  	[sflag:s30] =	ssyncset.done $0x0  }
0x2c: {  	[sflag:s30] =	ssyncadd.s32 $0xFFFFC000  }
0x2d: {  	[spmem:s19] =	stream.linear.scatter [tilespmem:s29], [sflag:$0x9], $0x4000, $0x38;
	[tilespmem:$0x1FE00] =	vst v63  }
0x2e: {  	_ =	swait.ge [sflag:s30], $0x4000  }
0x2f: {  	[sflag:s30] =	ssyncset.done $0x0  }
0x30: {  	[sflag:s30] =	ssyncadd.s32 $0xFFFFC000  }
0x31: {  	[spmem:s20] =	stream.linear.scatter [tilespmem:s29], [sflag:$0x9], $0x4000, $0x38;
	[tilespmem:$0x1FE00] =	vst v63  }
0x32: {  	_ =	swait.ge [sflag:s30], $0x4000  }
0x33: {  	[sflag:s30] =	ssyncset.done $0x0  }
0x34: {  	[sflag:s30] =	ssyncadd.s32 $0xFFFFC000  }
0x35: {  	[spmem:s21] =	stream.linear.scatter [tilespmem:s29], [sflag:$0x9], $0x4000, $0x38;
	[tilespmem:$0x1FE00] =	vst v63  }
0x36: {  	_ =	swait.ge [sflag:s30], $0x4000  }
0x37: {  	[sflag:s30] =	ssyncset.done $0x0  }
0x38: {  	[sflag:s30] =	ssyncadd.s32 $0xFFFFC000  }
0x39: {  	[spmem:s12] =	stream.linear.scatter [tilespmem:s29], [sflag:$0x9], $0x4000, $0x38;
	[tilespmem:$0x1FE00] =	vst v63  }
0x3a: {  	_ =	swait.ge [sflag:s30], $0x4000  }
0x3b: {  	[sflag:s30] =	ssyncset.done $0x0  }
0x3c: {  	[sflag:s30] =	ssyncadd.s32 $0xFFFFC000  }
0x3d: {  	[spmem:s18] =	stream.linear.scatter [tilespmem:s29], [sflag:$0x9], $0x3C00, $0x38;
	[tilespmem:$0x1FE00] =	vst v63  }
0x3e: {  	_ =	swait.ge [sflag:s30], $0x3C00  }
0x3f: {  	[sflag:s30] =	ssyncset.done $0x0  }
0x40: {  	[sflag:s30] =	ssyncadd.s32 $0xFFFFC400  }
0x41: {  	[bflag:$0x0] =	sbarrier.arrive $0xFFFF  }
0x42: {  	s22 =	rddreg [dreg:$0x8]  }
0x43: {  	[tilespmem:s4], [sflag:$0x9] =	stream.linear.gather [hbm4b:s22+s4], $0x80, $0x38;
	[tilespmem:$0x1FE00] =	vst v63  }
0x44: {  	s23 =	smov.u32 s19;
	s24 =	smov.u32 s20;
	_ =	swait.ge [sflag:s30], $0x80  }
0x45: {  	s25 =	smov.u32 s21;
	p1 =	sle.u32 s6, $0x0;
	[sflag:s30] =	ssyncset.done $0x0  }
0x46: {  	s7 =	simm.s32 $0x80;
	p2 =	sle.u32 @!p1 s6, $0x1;
	[sflag:s30] =	ssyncadd.s32 $0xFFFFFF80  }
0x47: {  	[tilespmem:s29], [sflag:$0x1] =	stream.indirect.gather [hbm4b:s1+s7], $0x80, s4, s7, $0xb8;
	[tilespmem:$0x1FE00] =	vst v63  }
0x48: {  	s8 =	simm.s32 $0x100;
	p0 =	por p2, p1;
	s26 =	rddreg [dreg:$0x9]  }
0x49: {  	[tilespmem:s8], [sflag:$0x3] =	stream.linear.gather [hbm4b:s26+s4], $0x80, $0x38;
	[tilespmem:$0x1FE00] =	vst v63  }
0x4a: {  	p3 =	por @!p0 $0x1, $0x1;
	s2 =	simm.s32 @!p0 $0x6;
	s28 =	rddreg [dreg:$0x16]  }
0x4b: {  	[tilespmem:s7], [sflag:$0x6] =	stream.linear.gather [hbm4b:s28+s4], $0x80, $0x38;
	[tilespmem:$0x1FE00] =	vst v63  }
0x4c: {  	s14 =	simm.s32 $0x2;
	p2 =	por @!p1 p3, p2;
	_ =	swait.ge @!p0 [sflag:s2], $0x80  }
0x4d: {  	s9 =	simm.s32 @!p1 $0x200;
	p2 =	por p2, p1;
	[sflag:s2] =	ssyncset.done @!p0 $0x0  }
0x4e: {  	s10 =	simm.s32 @!p1 $0x100;
	s7 =	simm.s32 @!p2 $0x8;
	[sflag:s2] =	ssyncadd.s32 @!p0 $0xFFFFFF80  }
0x4f: {  	p3 =	sle.u32 s6, $0x1;
	s0 =	smov.u32 s12;
	_ =	swait.ge @!p2 [sflag:s7], $0x4000  }
0x50: {  	p4 =	sle.u32 @!p3 s6, $0x2;
	s8 =	simm.s32 @!p0 $0x4200;
	[sflag:s7] =	ssyncset.done @!p2 $0x0  }
0x51: {  	s2 =	simm.s32 @!p0 $0x80;
	s11 =	rddreg [dreg:$0x11];
	[sflag:s7] =	ssyncadd.s32 @!p2 $0xFFFFC000  }
0x52: {  	[tilespmem:s8], [sflag:$0x2] =	stream.indirect.gather @!p0 [hbm4b:s1+s2], $0x80, s2, s2, $0xb8;
	[tilespmem:$0x1FE00] =	vst v63  }
0x53: {  	s7 =	simm.s32 @!p0 $0x180;
	s2 =	simm.s32 @!p0 $0x0;
	s8 =	simm.s32 @!p1 $0x1  }
0x54: {  	[tilespmem:s7], [sflag:$0x4] =	stream.linear.gather @!p0 [hbm4b:s11+s2], $0x80, $0x38;
	[tilespmem:$0x1FE00] =	vst v63  }
0x55: {  	s13 =	simm.s32 @!p3 $0x3;
	s20 =	simm.s32 $0x4;
	_ =	swait.ge @!p1 [sflag:s8], $0x4000  }
0x56: {  	p2 =	sle.u32 @!p1 s6, $0x2;
	s2 =	simm.s32 @!p1 $0x3;
	[sflag:s8] =	ssyncset.done @!p1 $0x0  }
0x57: {  	s7 =	simm.s32 @!p1 $0x0;
	s12 =	rddreg [dreg:$0x12];
	[sflag:s8] =	ssyncadd.s32 @!p1 $0xFFFFC000  }
0x58: {  	[hbm4b:s12+s7] =	stream.linear.scatter @!p1 [tilespmem:s9], [sflag:$0x7], $0x4000, $0x38;
	[tilespmem:$0x1FE00] =	vst v63  }
0x59: {  	s18 =	sadd.s32 $0x20, s11;
	p5 =	por p2, p1;
	_ =	swait.ge @!p1 [sflag:s2], $0x80  }
0x5a: {  	p0 =	por p3, p3;
	s8 =	simm.s32 @!p1 $0x9;
	[sflag:s2] =	ssyncset.done @!p1 $0x0  }
0x5b: {  	s7 =	simm.s32 @!p1 $0x8200;
	s9 =	simm.s32 @!p1 $0x80;
	[sflag:s2] =	ssyncadd.s32 @!p1 $0xFFFFFF80  }
0x5c: {  	[spmem:s3] =	stream.indirect.scatter.add.f32 @!p1 [tilespmem:s7], [sflag:$0x9], $0x80, s10, s9, $0xb8;
	[tilespmem:$0x1FE00] =	vst v63  }
0x5d: {  	p3 =	sle.u32 s6, $0x3;
	p2 =	por p4, p0;
	_ =	swait.ge @!p1 [sflag:s8], $0x4000  }
0x5e: {  	s11 =	simm.s32 @!p0 $0x0;
	s2 =	simm.s32 @!p2 $0x5;
	[sflag:s8] =	ssyncset.done @!p1 $0x0  }
0x5f: {  	s7 =	simm.s32 @!p5 $0x0;
	s9 =	rddreg [dreg:$0x14];
	[sflag:s8] =	ssyncadd.s32 @!p1 $0xFFFFC000  }
0x60: {  	[tilespmem:s7], [sflag:$0x5] =	stream.linear.gather @!p5 [hbm4b:s9+s7], $0x80, $0x38;
	[tilespmem:$0x1FE00] =	vst v63  }
0x61: {  	s26 =	simm.s32 @!p0 $0x4200;
	s19 =	sadd.s32 $0x1000, s12;
	_ =	swait.ge @!p2 [sflag:s2], $0x80  }
0x62: {  	s10 =	simm.s32 @!p0 $0x2;
	s8 =	simm.s32 @!p2 $0x7;
	[sflag:s2] =	ssyncset.done @!p2 $0x0  }
0x63: {  	s17 =	sadd.s32 $0x20, s9;
	s31 =	rddreg [dreg:$0x15];
	[sflag:s2] =	ssyncadd.s32 @!p2 $0xFFFFFF80  }
0x64: {  	p1 =	sle.u32 s6, $0x2;
	s16 =	rddreg [dreg:$0x13];
	_ =	swait.ge @!p2 [sflag:s8], $0x4000  }
0x65: {  	s9 =	simm.s32 @!p2 $0x200;
	p4 =	sle.u32 @!p1 s6, $0x3;
	[sflag:s8] =	ssyncset.done @!p2 $0x0  }
0x66: {  	s2 =	simm.s32 @!p2 $0x80;
	[sflag:s8] =	ssyncadd.s32 @!p2 $0xFFFFC000;
	s8 =	simm.s32 @!p2 $0x0  }
0x67: {  	[tilespmem:s9], [sflag:$0x1] =	stream.indirect.gather @!p2 [hbm4b:s1+s2], $0x80, s8, s2, $0xb8;
	[tilespmem:$0x1FE00] =	vst v63  }
0x68: {  	s7 =	sadd.s32 $0x20, s31;
	s15 =	sadd.s32 $0x20, s16;
	s2 =	simm.s32 @!p2 $0x100  }
0x69: {  	[tilespmem:s2], [sflag:$0x3] =	stream.linear.gather @!p2 [hbm4b:s16+s8], $0x80, $0x38;
	[tilespmem:$0x1FE00] =	vst v63  }
0x6a: {  	s12 =	rddreg [dreg:$0x10];
	s9 =	simm.s32 @!p0 $0x4;
	_ =	swait.ge @!p0 [sflag:s10], $0x4000  }
0x6b: {  	s16 =	sadd.s32 $0x1000, s12;
	s2 =	simm.s32 @!p0 $0x9;
	[sflag:s10] =	ssyncset.done @!p0 $0x0  }
0x6c: {  	s8 =	simm.s32 @!p0 $0x8200;
	[sflag:s10] =	ssyncadd.s32 @!p0 $0xFFFFC000;
	s10 =	simm.s32 @!p0 $0x80  }
0x6d: {  	[hbm4b:s12+s11] =	stream.linear.scatter @!p0 [tilespmem:s26], [sflag:$0x8], $0x4000, $0x38;
	[tilespmem:$0x1FE00] =	vst v63  }
0x6e: {  	s11 =	simm.s32 @!p0 $0x180;
	s26 =	smov.u32 s31;
	_ =	swait.ge @!p0 [sflag:s9], $0x80  }
.LBB2_2:
0x6f: {  	[sflag:s9] =	ssyncset.done @!p0 $0x0  }
0x70: {  	p5 =	por p4, p1;
	s21 =	smov.u32 s20;
	[sflag:s9] =	ssyncadd.s32 @!p0 $0xFFFFFF80  }
0x71: {  	[spmem:s3] =	stream.indirect.scatter.add.f32 @!p0 [tilespmem:s8], [sflag:$0x9], $0x80, s11, s10, $0xb8;
	[tilespmem:$0x1FE00] =	vst v63  }
0x72: {  	p6 =	sge.u32 @!p0 s13, s6;
	s20 =	sadd.s32 $0x2, s20;
	_ =	swait.ge @!p0 [sflag:s2], $0x4000  }
0x73: {  	p2 =	seq.s32 @!p5 s14, $0x0;
	s9 =	sadd.s32 @!p1 $0x2, s14;
	[sflag:s2] =	ssyncset.done @!p0 $0x0  }
0x74: {  	p2 =	por @!p1 p2, p4;
	p4 =	por p6, p0;
	[sflag:s2] =	ssyncadd.s32 @!p0 $0xFFFFC000  }
0x75: {  	s2 =	simm.s32 @!p4 $0x0;
	p0 =	sge.u32 @!p1 s9, s6;
	s9 =	simm.s32 @!p4 $0x80  }
0x76: {  	[tilespmem:s9], [sflag:$0x6] =	stream.linear.gather @!p4 [hbm4b:s26+s2], $0x80, $0x38;
	[tilespmem:$0x1FE00] =	vst v63  }
0x77: {  	s8 =	simm.s32 @!p5 $0x6;
	p4 =	por p0, p1;
	p0 =	sne.s32 s20, $0x50  }
0x78: {  	_ =	swait.ge @!p5 [sflag:s8], $0x80;
	s9 =	simm.s32 @!p0 $0x0  }
0x79: {  	p2 =	por p2, p1;
	[sflag:s8] =	ssyncset.done @!p5 $0x0;
	s9 =	simm.s32 @p0 $0x1  }
0x7a: {  	s2 =	simm.s32 @!p2 $0x8;
	[smem:$0x7FD] =	sst s9;
	[sflag:s8] =	ssyncadd.s32 @!p5 $0xFFFFFF80  }
0x7b: {  	_ =	swait.ge @!p2 [sflag:s2], $0x4000  }
0x7c: {  	[sflag:s2] =	ssyncset.done @!p2 $0x0  }
0x7d: {  	s8 =	simm.s32 @!p5 $0x80;
	s9 =	simm.s32 @!p5 $0x4200;
	[sflag:s2] =	ssyncadd.s32 @!p2 $0xFFFFC000  }
0x7e: {  	[tilespmem:s9], [sflag:$0x2] =	stream.indirect.gather @!p5 [hbm4b:s1+s8], $0x80, s8, s8, $0xb8;
	[tilespmem:$0x1FE00] =	vst v63  }
0x7f: {  	s2 =	simm.s32 @!p5 $0x0;
	s8 =	simm.s32 @!p5 $0x180;
	s9 =	simm.s32 @!p1 $0x1  }
0x80: {  	[tilespmem:s8], [sflag:$0x4] =	stream.linear.gather @!p5 [hbm4b:s18+s2], $0x80, $0x38;
	[tilespmem:$0x1FE00] =	vst v63  }
0x81: {  	_ =	swait.ge @!p1 [sflag:s9], $0x4000  }
0x82: {  	s10 =	simm.s32 @!p1 $0x200;
	[sflag:s9] =	ssyncset.done @!p1 $0x0  }
0x83: {  	s2 =	simm.s32 @!p1 $0x3;
	s8 =	simm.s32 @!p1 $0x0;
	[sflag:s9] =	ssyncadd.s32 @!p1 $0xFFFFC000  }
0x84: {  	[hbm4b:s19+s8] =	stream.linear.scatter @!p1 [tilespmem:s10], [sflag:$0x7], $0x4000, $0x38;
	[tilespmem:$0x1FE00] =	vst v63  }
0x85: {  	s12 =	sadd.s32 @!p3 $0x2, s14;
	_ =	swait.ge @!p1 [sflag:s2], $0x80  }
0x86: {  	s11 =	simm.s32 @!p1 $0x100;
	s9 =	simm.s32 @!p1 $0x9;
	[sflag:s2] =	ssyncset.done @!p1 $0x0  }
0x87: {  	s8 =	simm.s32 @!p1 $0x8200;
	s10 =	simm.s32 @!p1 $0x80;
	[sflag:s2] =	ssyncadd.s32 @!p1 $0xFFFFFF80  }
0x88: {  	[spmem:s3] =	stream.indirect.scatter.add.f32 @!p1 [tilespmem:s8], [sflag:$0x9], $0x80, s11, s10, $0xb8;
	[tilespmem:$0x1FE00] =	vst v63  }
0x89: {  	p6 =	sge.u32 @!p3 s12, s6;
	p0 =	por p3, p3;
	_ =	swait.ge @!p1 [sflag:s9], $0x4000  }
0x8a: {  	p2 =	por p6, p0;
	[sflag:s9] =	ssyncset.done @!p1 $0x0  }
0x8b: {  	s2 =	simm.s32 @!p2 $0x5;
	s10 =	simm.s32 @!p4 $0x0;
	[sflag:s9] =	ssyncadd.s32 @!p1 $0xFFFFC000  }
0x8c: {  	[tilespmem:s10], [sflag:$0x5] =	stream.linear.gather @!p4 [hbm4b:s17+s10], $0x80, $0x38;
	[tilespmem:$0x1FE00] =	vst v63  }
0x8d: {  	_ =	swait.ge @!p2 [sflag:s2], $0x80  }
0x8e: {  	[sflag:s2] =	ssyncset.done @!p2 $0x0  }
0x8f: {  	s8 =	simm.s32 @!p2 $0x7;
	[sflag:s2] =	ssyncadd.s32 @!p2 $0xFFFFFF80  }
0x90: {  	_ =	swait.ge @!p2 [sflag:s8], $0x4000  }
0x91: {  	s9 =	simm.s32 @!p2 $0x80;
	[sflag:s8] =	ssyncset.done @!p2 $0x0  }
0x92: {  	s10 =	simm.s32 @!p2 $0x0;
	[sflag:s8] =	ssyncadd.s32 @!p2 $0xFFFFC000;
	s8 =	simm.s32 @!p2 $0x200  }
0x93: {  	[tilespmem:s8], [sflag:$0x1] =	stream.indirect.gather @!p2 [hbm4b:s1+s9], $0x80, s10, s9, $0xb8;
	[tilespmem:$0x1FE00] =	vst v63  }
0x94: {  	s31 =	smov.u32 s15;
	s12 =	simm.s32 @!p0 $0x2;
	s11 =	simm.s32 @!p2 $0x100  }
0x95: {  	[tilespmem:s11], [sflag:$0x3] =	stream.linear.gather @!p2 [hbm4b:s31+s10], $0x80, $0x38;
	[tilespmem:$0x1FE00] =	vst v63  }
0x96: {  	s28 =	smov.u32 s16;
	s13 =	sadd.s32 @!p3 $0x3, s14;
	_ =	swait.ge @!p0 [sflag:s12], $0x4000  }
0x97: {  	s14 =	smov.u32 s21;
	s21 =	simm.s32 @!p0 $0x0;
	[sflag:s12] =	ssyncset.done @!p0 $0x0  }
0x98: {  	s9 =	simm.s32 @!p0 $0x4;
	s31 =	simm.s32 @!p0 $0x4200;
	[sflag:s12] =	ssyncadd.s32 @!p0 $0xFFFFC000  }
0x99: {  	[hbm4b:s28+s21] =	stream.linear.scatter @!p0 [tilespmem:s31], [sflag:$0x8], $0x4000, $0x38;
	[tilespmem:$0x1FE00] =	vst v63  }
0x9a: {  	_ =	swait.ge @!p0 [sflag:s9], $0x80  }
0x9b: {  	s31 =	sld [smem:$0x7FD];
	_ =	sdelay $0x2  }
0x9c: {  	s15 =	sadd.s32 $0x20, s15;
	p2 =	seq.s32 s31, $0x1  }
.Ltmp0:
0x9d: {  	s16 =	sadd.s32 $0x1000, s16;
	s22 =	sadd.s32 $0x1, s14;
	(pc) =	sbr.rel @p2 .LBB2_2-.Ltmp0, $4  }
0x9e: {  	s26 =	smov.u32 s7;
	s7 =	sadd.s32 $0x20, s7;
	p3 =	sge.u32 s22, s6  }
0x9f: {  	s18 =	sadd.s32 $0x20, s18;
	s19 =	sadd.s32 $0x1000, s19;
	p1 =	sge.u32 s14, s6  }
0xa0: {  	s17 =	sadd.s32 $0x20, s17;
	p4 =	sge.u32 @!p1 s22, s6;
	s2 =	simm.s32 @!p0 $0x9  }
0xa1: {  	s8 =	simm.s32 @!p0 $0x8200;
	s10 =	simm.s32 @!p0 $0x80;
	s11 =	simm.s32 @!p0 $0x180  }
0xa2: {  	[sflag:s9] =	ssyncset.done @!p0 $0x0  }
0xa3: {  	p2 =	sge.u32 @!p0 s13, s6;
	[sflag:s9] =	ssyncadd.s32 @!p0 $0xFFFFFF80  }
0xa4: {  	[spmem:s3] =	stream.indirect.scatter.add.f32 @!p0 [tilespmem:s8], [sflag:$0x9], $0x80, s11, s10, $0xb8;
	[tilespmem:$0x1FE00] =	vst v63  }
0xa5: {  	p2 =	por p2, p0;
	_ =	swait.ge @!p0 [sflag:s2], $0x4000  }
0xa6: {  	s8 =	simm.s32 @!p2 $0x80;
	[sflag:s2] =	ssyncset.done @!p0 $0x0  }
0xa7: {  	[sflag:s2] =	ssyncadd.s32 @!p0 $0xFFFFC000;
	s2 =	simm.s32 @!p2 $0x0;
	p0 =	por p4, p1  }
0xa8: {  	[tilespmem:s8], [sflag:$0x6] =	stream.linear.gather @!p2 [hbm4b:s26+s2], $0x80, $0x38;
	[tilespmem:$0x1FE00] =	vst v63  }
0xa9: {  	p2 =	seq.s32 @!p0 s14, $0x0;
	s2 =	simm.s32 @!p0 $0x6  }
0xaa: {  	p2 =	por @!p1 p2, p4;
	_ =	swait.ge @!p0 [sflag:s2], $0x80  }
0xab: {  	p2 =	por p2, p1;
	[sflag:s2] =	ssyncset.done @!p0 $0x0  }
0xac: {  	s8 =	simm.s32 @!p2 $0x8;
	[sflag:s2] =	ssyncadd.s32 @!p0 $0xFFFFFF80  }
0xad: {  	_ =	swait.ge @!p2 [sflag:s8], $0x4000  }
0xae: {  	[sflag:s8] =	ssyncset.done @!p2 $0x0  }
0xaf: {  	s2 =	simm.s32 @!p0 $0x80;
	[sflag:s8] =	ssyncadd.s32 @!p2 $0xFFFFC000;
	s8 =	simm.s32 @!p0 $0x4200  }
0xb0: {  	[tilespmem:s8], [sflag:$0x2] =	stream.indirect.gather @!p0 [hbm4b:s1+s2], $0x80, s2, s2, $0xb8;
	[tilespmem:$0x1FE00] =	vst v63  }
0xb1: {  	s2 =	simm.s32 @!p0 $0x0;
	s8 =	simm.s32 @!p0 $0x180  }
0xb2: {  	[tilespmem:s8], [sflag:$0x4] =	stream.linear.gather @!p0 [hbm4b:s18+s2], $0x80, $0x38;
	[tilespmem:$0x1FE00] =	vst v63  }
0xb3: {  	s2 =	simm.s32 @!p1 $0x1  }
0xb4: {  	_ =	swait.ge @!p1 [sflag:s2], $0x4000  }
0xb5: {  	[sflag:s2] =	ssyncset.done @!p1 $0x0  }
0xb6: {  	s8 =	simm.s32 @!p1 $0x0;
	[sflag:s2] =	ssyncadd.s32 @!p1 $0xFFFFC000;
	s2 =	simm.s32 @!p1 $0x200  }
0xb7: {  	[hbm4b:s19+s8] =	stream.linear.scatter @!p1 [tilespmem:s2], [sflag:$0x7], $0x4000, $0x38;
	[tilespmem:$0x1FE00] =	vst v63  }
0xb8: {  	s2 =	simm.s32 @!p1 $0x3  }
0xb9: {  	_ =	swait.ge @!p1 [sflag:s2], $0x80  }
0xba: {  	s9 =	simm.s32 @!p1 $0x80;
	[sflag:s2] =	ssyncset.done @!p1 $0x0  }
0xbb: {  	s8 =	simm.s32 @!p1 $0x8200;
	[sflag:s2] =	ssyncadd.s32 @!p1 $0xFFFFFF80;
	s2 =	simm.s32 @!p1 $0x100  }
0xbc: {  	[spmem:s3] =	stream.indirect.scatter.add.f32 @!p1 [tilespmem:s8], [sflag:$0x9], $0x80, s2, s9, $0xb8;
	[tilespmem:$0x1FE00] =	vst v63  }
0xbd: {  	s2 =	sadd.s32 @!p1 $0x2, s14  }
0xbe: {  	s8 =	sadd.s32 @!p3 $0x2, s14;
	p2 =	sge.u32 @!p1 s2, s6;
	s2 =	simm.s32 @!p1 $0x9  }
0xbf: {  	p0 =	por p3, p3;
	p4 =	sge.u32 @!p3 s8, s6;
	_ =	swait.ge @!p1 [sflag:s2], $0x4000  }
0xc0: {  	p5 =	por p2, p1;
	p2 =	por p4, p0;
	[sflag:s2] =	ssyncset.done @!p1 $0x0  }
0xc1: {  	s8 =	simm.s32 @!p2 $0x5;
	[sflag:s2] =	ssyncadd.s32 @!p1 $0xFFFFC000;
	s2 =	simm.s32 @!p5 $0x0  }
0xc2: {  	[tilespmem:s2], [sflag:$0x5] =	stream.linear.gather @!p5 [hbm4b:s17+s2], $0x80, $0x38;
	[tilespmem:$0x1FE00] =	vst v63  }
0xc3: {  	_ =	swait.ge @!p2 [sflag:s8], $0x80  }
0xc4: {  	[sflag:s8] =	ssyncset.done @!p2 $0x0  }
0xc5: {  	s2 =	simm.s32 @!p2 $0x7;
	[sflag:s8] =	ssyncadd.s32 @!p2 $0xFFFFFF80  }
0xc6: {  	_ =	swait.ge @!p2 [sflag:s2], $0x4000  }
0xc7: {  	s9 =	simm.s32 @!p2 $0x200;
	[sflag:s2] =	ssyncset.done @!p2 $0x0  }
0xc8: {  	s8 =	simm.s32 @!p2 $0x80;
	[sflag:s2] =	ssyncadd.s32 @!p2 $0xFFFFC000;
	s2 =	simm.s32 @!p2 $0x0  }
0xc9: {  	[tilespmem:s9], [sflag:$0x1] =	stream.indirect.gather @!p2 [hbm4b:s1+s8], $0x80, s2, s8, $0xb8;
	[tilespmem:$0x1FE00] =	vst v63  }
0xca: {  	s8 =	simm.s32 @!p2 $0x100  }
0xcb: {  	[tilespmem:s8], [sflag:$0x3] =	stream.linear.gather @!p2 [hbm4b:s15+s2], $0x80, $0x38;
	[tilespmem:$0x1FE00] =	vst v63  }
0xcc: {  	s2 =	simm.s32 @!p0 $0x2  }
0xcd: {  	_ =	swait.ge @!p0 [sflag:s2], $0x4000  }
0xce: {  	[sflag:s2] =	ssyncset.done @!p0 $0x0  }
0xcf: {  	s8 =	simm.s32 @!p0 $0x0;
	[sflag:s2] =	ssyncadd.s32 @!p0 $0xFFFFC000;
	s2 =	simm.s32 @!p0 $0x4200  }
0xd0: {  	[hbm4b:s16+s8] =	stream.linear.scatter @!p0 [tilespmem:s2], [sflag:$0x8], $0x4000, $0x38;
	[tilespmem:$0x1FE00] =	vst v63  }
0xd1: {  	s2 =	simm.s32 @!p0 $0x4  }
0xd2: {  	_ =	swait.ge @!p0 [sflag:s2], $0x80  }
0xd3: {  	s9 =	simm.s32 @!p0 $0x80;
	[sflag:s2] =	ssyncset.done @!p0 $0x0  }
0xd4: {  	s8 =	simm.s32 @!p0 $0x8200;
	[sflag:s2] =	ssyncadd.s32 @!p0 $0xFFFFFF80;
	s2 =	simm.s32 @!p0 $0x180  }
0xd5: {  	[spmem:s3] =	stream.indirect.scatter.add.f32 @!p0 [tilespmem:s8], [sflag:$0x9], $0x80, s2, s9, $0xb8;
	[tilespmem:$0x1FE00] =	vst v63  }
0xd6: {  	s2 =	sadd.s32 @!p3 $0x3, s14;
	s8 =	simm.s32 @!p0 $0x9  }
0xd7: {  	p1 =	sge.u32 @!p0 s2, s6;
	_ =	swait.ge @!p0 [sflag:s8], $0x4000  }
0xd8: {  	s21 =	simm.s32 $0x7;
	p1 =	por p1, p0;
	[sflag:s8] =	ssyncset.done @!p0 $0x0  }
0xd9: {  	[sflag:s8] =	ssyncadd.s32 @!p0 $0xFFFFC000;
	s2 =	simm.s32 @!p1 $0x0;
	s8 =	simm.s32 @!p1 $0x80  }
0xda: {  	[tilespmem:s8], [sflag:$0x6] =	stream.linear.gather @!p1 [hbm4b:s7+s2], $0x80, $0x38;
	[tilespmem:$0x1FE00] =	vst v63  }
0xdb: {  	_ =	swait.ge [sflag:s21], $0x4000  }
0xdc: {  	[sflag:s21] =	ssyncset.done $0x0  }
0xdd: {  	s22 =	simm.s32 $0x8;
	[sflag:s21] =	ssyncadd.s32 $0xFFFFC000  }
0xde: {  	_ =	swait.ge [sflag:s22], $0x4000  }
0xdf: {  	[sflag:s22] =	ssyncset.done $0x0  }
0xe0: {  	[sflag:s22] =	ssyncadd.s32 $0xFFFFC000  }
0xe1: {  	[bflag:$0x0] =	sbarrier.arrive $0xFFFF  }
0xe2: {  	[tilespmem:s29], [sflag:$0x9] =	stream.linear.gather [spmem:s23], $0x4000, $0x38;
	[tilespmem:$0x1FE00] =	vst v63  }
0xe3: {  	_ =	swait.ge [sflag:s30], $0x4000  }
0xe4: {  	[sflag:s30] =	ssyncset.done $0x0  }
0xe5: {  	s19 =	smov.u32 s23;
	s23 =	rddreg [dreg:$0xa];
	[sflag:s30] =	ssyncadd.s32 $0xFFFFC000  }
0xe6: {  	[hbm4b:s23+s4] =	stream.linear.scatter [tilespmem:s29], [sflag:$0x9], $0x4000, $0x38;
	[tilespmem:$0x1FE00] =	vst v63  }
0xe7: {  	_ =	swait.ge [sflag:s30], $0x4000  }
0xe8: {  	[sflag:s30] =	ssyncset.done $0x0  }
0xe9: {  	[sflag:s30] =	ssyncadd.s32 $0xFFFFC000  }
0xea: {  	[tilespmem:s29], [sflag:$0x9] =	stream.linear.gather [spmem:s24], $0x4000, $0x38;
	[tilespmem:$0x1FE00] =	vst v63  }
0xeb: {  	_ =	swait.ge [sflag:s30], $0x4000  }
0xec: {  	[sflag:s30] =	ssyncset.done $0x0  }
0xed: {  	s20 =	smov.u32 s24;
	s24 =	rddreg [dreg:$0xb];
	[sflag:s30] =	ssyncadd.s32 $0xFFFFC000  }
0xee: {  	[hbm4b:s24+s4] =	stream.linear.scatter [tilespmem:s29], [sflag:$0x9], $0x4000, $0x38;
	[tilespmem:$0x1FE00] =	vst v63  }
0xef: {  	_ =	swait.ge [sflag:s30], $0x4000  }
0xf0: {  	[sflag:s30] =	ssyncset.done $0x0  }
0xf1: {  	[sflag:s30] =	ssyncadd.s32 $0xFFFFC000  }
0xf2: {  	[tilespmem:s29], [sflag:$0x9] =	stream.linear.gather [spmem:s25], $0x4000, $0x38;
	[tilespmem:$0x1FE00] =	vst v63  }
0xf3: {  	_ =	swait.ge [sflag:s30], $0x4000  }
0xf4: {  	[sflag:s30] =	ssyncset.done $0x0  }
0xf5: {  	s21 =	smov.u32 s25;
	s25 =	rddreg [dreg:$0xc];
	[sflag:s30] =	ssyncadd.s32 $0xFFFFC000  }
0xf6: {  	[hbm4b:s25+s4] =	stream.linear.scatter [tilespmem:s29], [sflag:$0x9], $0x4000, $0x38;
	[tilespmem:$0x1FE00] =	vst v63  }
0xf7: {  	_ =	swait.ge [sflag:s30], $0x4000  }
0xf8: {  	[sflag:s30] =	ssyncset.done $0x0  }
0xf9: {  	[sflag:s30] =	ssyncadd.s32 $0xFFFFC000  }
0xfa: {  	[tilespmem:s29], [sflag:$0x9] =	stream.linear.gather [spmem:s0], $0x4000, $0x38;
	[tilespmem:$0x1FE00] =	vst v63  }
0xfb: {  	_ =	swait.ge [sflag:s30], $0x4000  }
0xfc: {  	[sflag:s30] =	ssyncset.done $0x0  }
0xfd: {  	s26 =	rddreg [dreg:$0xd];
	[sflag:s30] =	ssyncadd.s32 $0xFFFFC000  }
0xfe: {  	[hbm4b:s26+s4] =	stream.linear.scatter [tilespmem:s29], [sflag:$0x9], $0x4000, $0x38;
	[tilespmem:$0x1FE00] =	vst v63  }
0xff: {  	_ =	swait.ge [sflag:s30], $0x4000  }
0x100: {  	[sflag:s30] =	ssyncset.done $0x0  }
0x101: {  	s18 =	rddreg [dreg:$0x7];
	[sflag:s30] =	ssyncadd.s32 $0xFFFFC000  }
0x102: {  	[tilespmem:s29], [sflag:$0x9] =	stream.linear.gather [spmem:s18], $0x3C00, $0x38;
	[tilespmem:$0x1FE00] =	vst v63  }
0x103: {  	_ =	swait.ge [sflag:s30], $0x3C00  }
0x104: {  	[sflag:s30] =	ssyncset.done $0x0  }
0x105: {  	s28 =	rddreg [dreg:$0xe];
	[sflag:s30] =	ssyncadd.s32 $0xFFFFC400  }
0x106: {  	[hbm4b:s28+s4] =	stream.linear.scatter [tilespmem:s29], [sflag:$0x9], $0x3C00, $0x38;
	[tilespmem:$0x1FE00] =	vst v63  }
0x107: {  	_ =	swait.ge [sflag:s30], $0x3C00  }
0x108: {  	s5 =	sadd.s32 $0x1, s5;
	s31 =	rddreg [dreg:$0xf]  }
0x109: {  	p0 =	sne.s32 s5, s31  }
.Ltmp1:
0x10a: {  	_ = 	snop;
	(pc) =	sbr.rel @p0 .LBB2_1-.Ltmp1, $3  }
0x10b: {  	_ =	sdelay $0x1  }
0x10c: {  	[sflag:s30] =	ssyncset.done $0x0  }
0x10d: {  	s12 =	smov.u32 s0;
	[sflag:s30] =	ssyncadd.s32 $0xFFFFC400  }
0x10e: {  	_ =	sfence.sel $0x180000  }
0x10f: {  	[bflag:$0x0] =	sbarrier.arrive $0xFFFF  }
0x110: {  	_ =	strace $0x90000047  }
0x111: {  	s0 =	stileid.u32;
	[bflag:$0x2] =	sbarrier.arrive $0xFFFF  }
0x112: {  	p0 =	sne.s32 s0, $0x0;
	s0 =	rddreg [dreg:$0x4]  }
0x113: {  	s0 =	sadd.s32 @!p0 $0x100000, s0  }
0x114: {  	[sflag:s0] =	ssyncadd.tile.s32 @!p0 $0x1;
	_ =	shalt  }
.Lfunc_end2:
_tile_overlayer_lowered:
.L_overlay_start_2:
0x115: {  	(tag) =	ssettag $0x2  }
0x116: {  	s0 =	rddreg [dreg:$0x0];
	s2 =	stileid.u32  }
0x117: {  	s1 =	rddreg [dreg:$0x1];
	p0 =	sne.s32 s2, $0x0  }
0x118: {  	s3 =	rddreg [dreg:$0x2];
	[bflag:$0x3] =	sbarrier.arrive $0xFFFF;
	s2 =	simm.s32 @!p0 $0x1C09  }
0x119: {  	[timem:s3], [sflag:s2] =	dma.local @!p0 [hbm:s0], s1  }
0x11a: {  	s0 =	simm.s32 @!p0 $0x9  }
0x11b: {  	_ =	swait.ge @!p0 [sflag:s0], s1  }
0x11c: {  	s1 =	ssub.s32 @!p0 $0x0, s1;
	[sflag:s0] =	ssyncset.done @!p0 $0x0  }
0x11d: {  	[sflag:s0] =	ssyncadd.s32 @!p0 s1  }
0x11e: {  	[bflag:$0x3] =	sbarrier.arrive $0xFFFF  }
0x11f: {  	_ =	shalt  }

</sc_bundles>
